<compile_context>
chip_gen: v7x
topology: tpu7x:2x2x1
jax: 0.10.2.dev20260603
libtpu: 0.0.44.dev20260713+nightly
codegen_flags: <defaults>
</compile_context>

<pallas_src>
import functools

import jax
import jax.numpy as jnp
from jax import lax
from jax.experimental import pallas as pl
from jax.experimental.pallas import tpu as pltpu
from jax.experimental.pallas import tpu_sc as plsc

N_ROWS = 320000
D = 128
N_SEG = 10000
NC = 2
NS = 16
NW = NC * NS
UNIT = 32
DEPTH = 8
PACK = 128 // UNIT
N_UNITS = N_ROWS // UNIT
BASE = N_UNITS // NW
EXTRA = (N_UNITS % NW) // PACK
SEG_STRIDE = 624
SEG_COPY = 640


def _sc_partial(x, batch):

    @functools.partial(
        pl.kernel,
        out_type=jax.ShapeDtypeStruct((NC, N_SEG, D), jnp.float32),
        mesh=plsc.VectorSubcoreMesh(core_axis_name="c", subcore_axis_name="s"),
        scratch_types=(
            [pltpu.VMEM_SHARED((N_SEG, D), jnp.float32)]
            + [pltpu.VMEM((UNIT, D), jnp.float32)] * DEPTH
            + [pltpu.VMEM((BASE // PACK + 1, 1, 128), jnp.int32)]
            + [pltpu.VMEM((UNIT,), jnp.int32)] * DEPTH
            + [pltpu.SemaphoreType.DMA] * DEPTH
            + [pltpu.SemaphoreType.DMA]
            + [pltpu.SemaphoreType.DMA] * DEPTH
        ),
    )
    def run(x_hbm, b3_hbm, out_hbm, acc, *rest):
        xbs = rest[:DEPTH]
        itab = rest[DEPTH]
        ibs = rest[DEPTH + 1:2 * DEPTH + 1]
        lsems = rest[2 * DEPTH + 1:3 * DEPTH + 1]
        isem = rest[3 * DEPTH + 1]
        ssems = rest[3 * DEPTH + 2:]
        xb0, sem0 = xbs[0], lsems[0]
        c = lax.axis_index("c")
        s = lax.axis_index("s")
        w = c * NS + s

        @pl.loop(0, UNIT)
        def _(i):
            @pl.loop(0, D, step=16)
            def _(j):
                xb0[i, pl.ds(j, 16)] = jnp.zeros((16,), jnp.float32)

        seg0 = s * SEG_STRIDE
        zcp = [
            pltpu.async_copy(xb0, acc.at[pl.ds(seg0 + t * UNIT, UNIT)], sem0)
            for t in range(SEG_COPY // UNIT)
        ]
        for cp in zcp:
            cp.wait()
        plsc.subcore_barrier()

        cnt = jnp.where(w < EXTRA, BASE + PACK, BASE)
        u0 = w * BASE + PACK * jnp.minimum(w, EXTRA)

        icp = pltpu.async_copy(b3_hbm.at[pl.ds(u0 // PACK, BASE // PACK)],
                               itab.at[pl.ds(0, BASE // PACK)], isem)

        def issue(j, xb, sem):
            pltpu.async_copy(x_hbm.at[pl.ds((u0 + j) * UNIT, UNIT)], xb, sem)

        def wait_load(xb, sem):
            pltpu.make_async_copy(x_hbm.at[pl.ds(0, UNIT)], xb, sem).wait()

        def copy_ids(j, ib, off):
            for k in range(0, UNIT, 16):
                ib[pl.ds(k, 16)] = itab[j // PACK, 0, pl.ds(off + k, 16)]

        def scatter_start(xb, ib, ssem):
            pltpu.async_copy(xb, acc.at[ib], ssem, add=True)

        def scatter_wait(xb, ib, ssem):
            pltpu.make_async_copy(xb, acc.at[ib], ssem).wait()

        for k in range(DEPTH):
            issue(k, xbs[k], lsems[k])
        icp.wait()

        @pl.when(w < EXTRA)
        def _():
            pltpu.async_copy(b3_hbm.at[pl.ds(u0 // PACK + BASE // PACK, 1)],
                             itab.at[pl.ds(BASE // PACK, 1)], isem).wait()

        @pl.loop(0, cnt // DEPTH)
        def _(p):
            j0 = DEPTH * p
            for k in range(DEPTH):
                wait_load(xbs[k], lsems[k])
                copy_ids(j0 + k, ibs[k], (k % PACK) * UNIT)
                scatter_start(xbs[k], ibs[k], ssems[k])
            for k in range(DEPTH):
                scatter_wait(xbs[k], ibs[k], ssems[k])

                def _reissue(k=k):
                    issue(j0 + DEPTH + k, xbs[k], lsems[k])

                pl.when(j0 + DEPTH + k < cnt)(_reissue)

        t0 = (cnt // DEPTH) * DEPTH
        for k in range(DEPTH - 1):

            def _tail(k=k):
                wait_load(xbs[k], lsems[k])
                copy_ids(t0 + k, ibs[k], (k % PACK) * UNIT)
                scatter_start(xbs[k], ibs[k], ssems[k])

            pl.when(t0 + k < cnt)(_tail)
        for k in range(DEPTH - 1):

            def _tail_wait(k=k):
                scatter_wait(xbs[k], ibs[k], ssems[k])

            pl.when(t0 + k < cnt)(_tail_wait)

        plsc.subcore_barrier()

        pltpu.sync_copy(acc.at[pl.ds(seg0, SEG_COPY)],
                        out_hbm.at[c, pl.ds(seg0, SEG_COPY)])

    return run(x, batch)


def _combine_body(p_ref, o_ref):
    o_ref[...] = p_ref[0] + p_ref[1]


def _tc_combine(partial):
    blk = 2000
    return pl.pallas_call(
        _combine_body,
        grid=(N_SEG // blk,),
        in_specs=[pl.BlockSpec((NC, blk, D), lambda i: (0, i, 0))],
        out_specs=pl.BlockSpec((blk, D), lambda i: (i, 0)),
        out_shape=jax.ShapeDtypeStruct((N_SEG, D), jnp.float32),
    )(partial)


def kernel(x, batch):
    batch3d = batch.astype(jnp.int32).reshape(N_UNITS // PACK, 1, 128)
    partial = _sc_partial(x, batch3d)
    return _tc_combine(partial)

# --- scband reference (transcript-rebuilt; emitter-appended) ---
"""Pipeline reference for scband-model-46420006535606 (READ-ONLY COPY).

The authoritative reference and input builder live on the scoring server;
editing this copy changes nothing except your own understanding.
"""

import jax, jax.numpy as jnp
import numpy as np

NUM_SEGMENTS = 10000

def setup_inputs(seed: int = 0) -> dict:
    key = jax.random.key(seed)
    k1, k2 = jax.random.split(key)
    x = jax.random.normal(k1, (320000, 128), dtype=jnp.float32)
    batch = jnp.sort(jax.random.randint(k2, (320000,), 0, NUM_SEGMENTS, dtype=jnp.int64))
    return {"x": x, "batch": batch}

def reference(x, batch):
    # SumAggregation along dim=0: scatter-add x rows into segments given by batch
    out = jax.ops.segment_sum(x, batch, num_segments=NUM_SEGMENTS)
    return out

if __name__ == "__main__":
    import jax
    _d = setup_inputs()
    print(jax.jit(kernel)(*tuple(_d.values())))

</pallas_src>

<mosaic_0001>
#map = affine_map<(d0, d1) -> (0, 0)>
#map1 = affine_map<(d0, d1) -> (0, 0, 0)>
module attributes {stable_mosaic.version = 14 : i64} {
  func.func @run(%arg0: i32, %arg1: i32, %arg2: memref<320000x128xf32, #tpu.memory_space<hbm>>, %arg3: memref<2500x1x128xi32, #tpu.memory_space<hbm>>, %arg4: memref<2x10000x128xf32, #tpu.memory_space<hbm>>, %arg5: memref<10000x128xf32, #tpu.memory_space<vmem_shared>>, %arg6: memref<32x128xf32, #tpu.memory_space<vmem>>, %arg7: memref<32x128xf32, #tpu.memory_space<vmem>>, %arg8: memref<32x128xf32, #tpu.memory_space<vmem>>, %arg9: memref<32x128xf32, #tpu.memory_space<vmem>>, %arg10: memref<32x128xf32, #tpu.memory_space<vmem>>, %arg11: memref<32x128xf32, #tpu.memory_space<vmem>>, %arg12: memref<32x128xf32, #tpu.memory_space<vmem>>, %arg13: memref<32x128xf32, #tpu.memory_space<vmem>>, %arg14: memref<79x1x128xi32, #tpu.memory_space<vmem>>, %arg15: memref<32xi32, #tpu.memory_space<vmem>>, %arg16: memref<32xi32, #tpu.memory_space<vmem>>, %arg17: memref<32xi32, #tpu.memory_space<vmem>>, %arg18: memref<32xi32, #tpu.memory_space<vmem>>, %arg19: memref<32xi32, #tpu.memory_space<vmem>>, %arg20: memref<32xi32, #tpu.memory_space<vmem>>, %arg21: memref<32xi32, #tpu.memory_space<vmem>>, %arg22: memref<32xi32, #tpu.memory_space<vmem>>, %arg23: memref<!tpu.dma_semaphore, #tpu.memory_space<semaphore_mem>>, %arg24: memref<!tpu.dma_semaphore, #tpu.memory_space<semaphore_mem>>, %arg25: memref<!tpu.dma_semaphore, #tpu.memory_space<semaphore_mem>>, %arg26: memref<!tpu.dma_semaphore, #tpu.memory_space<semaphore_mem>>, %arg27: memref<!tpu.dma_semaphore, #tpu.memory_space<semaphore_mem>>, %arg28: memref<!tpu.dma_semaphore, #tpu.memory_space<semaphore_mem>>, %arg29: memref<!tpu.dma_semaphore, #tpu.memory_space<semaphore_mem>>, %arg30: memref<!tpu.dma_semaphore, #tpu.memory_space<semaphore_mem>>, %arg31: memref<!tpu.dma_semaphore, #tpu.memory_space<semaphore_mem>>, %arg32: memref<!tpu.dma_semaphore, #tpu.memory_space<semaphore_mem>>, %arg33: memref<!tpu.dma_semaphore, #tpu.memory_space<semaphore_mem>>, %arg34: memref<!tpu.dma_semaphore, #tpu.memory_space<semaphore_mem>>, %arg35: memref<!tpu.dma_semaphore, #tpu.memory_space<semaphore_mem>>, %arg36: memref<!tpu.dma_semaphore, #tpu.memory_space<semaphore_mem>>, %arg37: memref<!tpu.dma_semaphore, #tpu.memory_space<semaphore_mem>>, %arg38: memref<!tpu.dma_semaphore, #tpu.memory_space<semaphore_mem>>, %arg39: memref<!tpu.dma_semaphore, #tpu.memory_space<semaphore_mem>>) attributes {dimension_semantics = [#tpu.dimension_semantics<core_parallel>, #tpu.dimension_semantics<subcore_parallel>], iteration_bounds = array<i64: 2, 16>, scalar_prefetch = 0 : i64, scratch_operands = 35 : i64, tpu.core_type = #tpu.core_type<sc_vector_subcore>, window_params = [{transform_indices = #map}, {transform_indices = #map1}, {transform_indices = #map1}]} {
    %mul3A = arith.constant 16 : i32
    %mul3A_0 = arith.muli %arg0, %mul3A : i32
    %add3A = arith.addi %mul3A_0, %arg1 : i32
    %scan3A = arith.constant 0 : i32
    %scan3A_1 = arith.constant 32 : i32
    %scan3A_2 = arith.addi %scan3A, %scan3A_1 : i32
    %scan3A_3 = arith.constant 1 : i32
    scf.for %scan3A_479 = %scan3A to %scan3A_2 step %scan3A_3  : i32 {
      %mul3A_480 = arith.constant 1 : i32
      %mul3A_481 = arith.muli %scan3A_479, %mul3A_480 : i32
      %add3A_482 = arith.constant 0 : i32
      %add3A_483 = arith.addi %add3A_482, %mul3A_481 : i32
      %scan3A_484 = arith.constant 0 : i32
      %scan3A_485 = arith.constant 8 : i32
      %scan3A_486 = arith.addi %scan3A_484, %scan3A_485 : i32
      %scan3A_487 = arith.constant 1 : i32
      scf.for %scan3A_489 = %scan3A_484 to %scan3A_486 step %scan3A_487  : i32 {
        %mul3A_490 = arith.constant 16 : i32
        %mul3A_491 = arith.muli %scan3A_489, %mul3A_490 : i32
        %add3A_492 = arith.constant 0 : i32
        %add3A_493 = arith.addi %add3A_492, %mul3A_491 : i32
        %broadcast_in_dim3A = arith.constant 0.000000e+00 : f32
        %broadcast_in_dim3A_494 = vector.broadcast %broadcast_in_dim3A : f32 to vector<16xf32>
        %swap3A = arith.index_cast %add3A_483 : i32 to index
        %swap3A_495 = arith.index_cast %add3A_493 : i32 to index
        %swap3A_496 = tpu.vector_load %arg6[%swap3A, %swap3A_495] {strides = array<i32>} : memref<32x128xf32, #tpu.memory_space<vmem>>, vector<1x16xf32>,
        %swap3A_497 = vector.shape_cast %swap3A_496 : vector<1x16xf32> to vector<16xf32>
        %swap3A_498 = vector.shape_cast %broadcast_in_dim3A_494 : vector<16xf32> to vector<1x16xf32>
        tpu.vector_store %arg6[%swap3A, %swap3A_495], %swap3A_498 {strides = array<i32>} : memref<32x128xf32, #tpu.memory_space<vmem>>, vector<1x16xf32>,
      }
      %scan3A_488 = arith.constant 8 : i32
    }
    %scan3A_4 = arith.constant 32 : i32
    %mul3A_5 = arith.constant 624 : i32
    %mul3A_6 = arith.muli %arg1, %mul3A_5 : i32
    %add3A_7 = arith.constant 0 : i32
    %add3A_8 = arith.addi %mul3A_6, %add3A_7 : i32
    %dma_start3A = arith.constant 0 : i32
    %dma_start3A_9 = tpu.memref_slice %arg5[%add3A_8, %dma_start3A] : memref<10000x128xf32, #tpu.memory_space<vmem_shared>> -> memref<32x128xf32, #tpu.memory_space<vmem_shared>>
    %dma_start3A_10 = arith.constant 0 : i32
    %dma_start3A_11 = tpu.memref_slice %arg5[%add3A_8, %dma_start3A_10] : memref<10000x128xf32, #tpu.memory_space<vmem_shared>> -> memref<32x128xf32, #tpu.memory_space<vmem_shared>>
    tpu.enqueue_dma source(%arg6 : memref<32x128xf32, #tpu.memory_space<vmem>>) target(%dma_start3A_11 : memref<32x128xf32, #tpu.memory_space<vmem_shared>>) target_semaphore(%arg23 : memref<!tpu.dma_semaphore, #tpu.memory_space<semaphore_mem>>)
    %add3A_12 = arith.constant 32 : i32
    %add3A_13 = arith.addi %mul3A_6, %add3A_12 : i32
    %dma_start3A_14 = arith.constant 0 : i32
    %dma_start3A_15 = tpu.memref_slice %arg5[%add3A_13, %dma_start3A_14] : memref<10000x128xf32, #tpu.memory_space<vmem_shared>> -> memref<32x128xf32, #tpu.memory_space<vmem_shared>>
    %dma_start3A_16 = arith.constant 0 : i32
    %dma_start3A_17 = tpu.memref_slice %arg5[%add3A_13, %dma_start3A_16] : memref<10000x128xf32, #tpu.memory_space<vmem_shared>> -> memref<32x128xf32, #tpu.memory_space<vmem_shared>>
    tpu.enqueue_dma source(%arg6 : memref<32x128xf32, #tpu.memory_space<vmem>>) target(%dma_start3A_17 : memref<32x128xf32, #tpu.memory_space<vmem_shared>>) target_semaphore(%arg23 : memref<!tpu.dma_semaphore, #tpu.memory_space<semaphore_mem>>)
    %add3A_18 = arith.constant 64 : i32
    %add3A_19 = arith.addi %mul3A_6, %add3A_18 : i32
    %dma_start3A_20 = arith.constant 0 : i32
    %dma_start3A_21 = tpu.memref_slice %arg5[%add3A_19, %dma_start3A_20] : memref<10000x128xf32, #tpu.memory_space<vmem_shared>> -> memref<32x128xf32, #tpu.memory_space<vmem_shared>>
    %dma_start3A_22 = arith.constant 0 : i32
    %dma_start3A_23 = tpu.memref_slice %arg5[%add3A_19, %dma_start3A_22] : memref<10000x128xf32, #tpu.memory_space<vmem_shared>> -> memref<32x128xf32, #tpu.memory_space<vmem_shared>>
    tpu.enqueue_dma source(%arg6 : memref<32x128xf32, #tpu.memory_space<vmem>>) target(%dma_start3A_23 : memref<32x128xf32, #tpu.memory_space<vmem_shared>>) target_semaphore(%arg23 : memref<!tpu.dma_semaphore, #tpu.memory_space<semaphore_mem>>)
    %add3A_24 = arith.constant 96 : i32
    %add3A_25 = arith.addi %mul3A_6, %add3A_24 : i32
    %dma_start3A_26 = arith.constant 0 : i32
    %dma_start3A_27 = tpu.memref_slice %arg5[%add3A_25, %dma_start3A_26] : memref<10000x128xf32, #tpu.memory_space<vmem_shared>> -> memref<32x128xf32, #tpu.memory_space<vmem_shared>>
    %dma_start3A_28 = arith.constant 0 : i32
    %dma_start3A_29 = tpu.memref_slice %arg5[%add3A_25, %dma_start3A_28] : memref<10000x128xf32, #tpu.memory_space<vmem_shared>> -> memref<32x128xf32, #tpu.memory_space<vmem_shared>>
    tpu.enqueue_dma source(%arg6 : memref<32x128xf32, #tpu.memory_space<vmem>>) target(%dma_start3A_29 : memref<32x128xf32, #tpu.memory_space<vmem_shared>>) target_semaphore(%arg23 : memref<!tpu.dma_semaphore, #tpu.memory_space<semaphore_mem>>)
    %add3A_30 = arith.constant 128 : i32
    %add3A_31 = arith.addi %mul3A_6, %add3A_30 : i32
    %dma_start3A_32 = arith.constant 0 : i32
    %dma_start3A_33 = tpu.memref_slice %arg5[%add3A_31, %dma_start3A_32] : memref<10000x128xf32, #tpu.memory_space<vmem_shared>> -> memref<32x128xf32, #tpu.memory_space<vmem_shared>>
    %dma_start3A_34 = arith.constant 0 : i32
    %dma_start3A_35 = tpu.memref_slice %arg5[%add3A_31, %dma_start3A_34] : memref<10000x128xf32, #tpu.memory_space<vmem_shared>> -> memref<32x128xf32, #tpu.memory_space<vmem_shared>>
    tpu.enqueue_dma source(%arg6 : memref<32x128xf32, #tpu.memory_space<vmem>>) target(%dma_start3A_35 : memref<32x128xf32, #tpu.memory_space<vmem_shared>>) target_semaphore(%arg23 : memref<!tpu.dma_semaphore, #tpu.memory_space<semaphore_mem>>)
    %add3A_36 = arith.constant 160 : i32
    %add3A_37 = arith.addi %mul3A_6, %add3A_36 : i32
    %dma_start3A_38 = arith.constant 0 : i32
    %dma_start3A_39 = tpu.memref_slice %arg5[%add3A_37, %dma_start3A_38] : memref<10000x128xf32, #tpu.memory_space<vmem_shared>> -> memref<32x128xf32, #tpu.memory_space<vmem_shared>>
    %dma_start3A_40 = arith.constant 0 : i32
    %dma_start3A_41 = tpu.memref_slice %arg5[%add3A_37, %dma_start3A_40] : memref<10000x128xf32, #tpu.memory_space<vmem_shared>> -> memref<32x128xf32, #tpu.memory_space<vmem_shared>>
    tpu.enqueue_dma source(%arg6 : memref<32x128xf32, #tpu.memory_space<vmem>>) target(%dma_start3A_41 : memref<32x128xf32, #tpu.memory_space<vmem_shared>>) target_semaphore(%arg23 : memref<!tpu.dma_semaphore, #tpu.memory_space<semaphore_mem>>)
    %add3A_42 = arith.constant 192 : i32
    %add3A_43 = arith.addi %mul3A_6, %add3A_42 : i32
    %dma_start3A_44 = arith.constant 0 : i32
    %dma_start3A_45 = tpu.memref_slice %arg5[%add3A_43, %dma_start3A_44] : memref<10000x128xf32, #tpu.memory_space<vmem_shared>> -> memref<32x128xf32, #tpu.memory_space<vmem_shared>>
    %dma_start3A_46 = arith.constant 0 : i32
    %dma_start3A_47 = tpu.memref_slice %arg5[%add3A_43, %dma_start3A_46] : memref<10000x128xf32, #tpu.memory_space<vmem_shared>> -> memref<32x128xf32, #tpu.memory_space<vmem_shared>>
    tpu.enqueue_dma source(%arg6 : memref<32x128xf32, #tpu.memory_space<vmem>>) target(%dma_start3A_47 : memref<32x128xf32, #tpu.memory_space<vmem_shared>>) target_semaphore(%arg23 : memref<!tpu.dma_semaphore, #tpu.memory_space<semaphore_mem>>)
    %add3A_48 = arith.constant 224 : i32
    %add3A_49 = arith.addi %mul3A_6, %add3A_48 : i32
    %dma_start3A_50 = arith.constant 0 : i32
    %dma_start3A_51 = tpu.memref_slice %arg5[%add3A_49, %dma_start3A_50] : memref<10000x128xf32, #tpu.memory_space<vmem_shared>> -> memref<32x128xf32, #tpu.memory_space<vmem_shared>>
    %dma_start3A_52 = arith.constant 0 : i32
    %dma_start3A_53 = tpu.memref_slice %arg5[%add3A_49, %dma_start3A_52] : memref<10000x128xf32, #tpu.memory_space<vmem_shared>> -> memref<32x128xf32, #tpu.memory_space<vmem_shared>>
    tpu.enqueue_dma source(%arg6 : memref<32x128xf32, #tpu.memory_space<vmem>>) target(%dma_start3A_53 : memref<32x128xf32, #tpu.memory_space<vmem_shared>>) target_semaphore(%arg23 : memref<!tpu.dma_semaphore, #tpu.memory_space<semaphore_mem>>)
    %add3A_54 = arith.constant 256 : i32
    %add3A_55 = arith.addi %mul3A_6, %add3A_54 : i32
    %dma_start3A_56 = arith.constant 0 : i32
    %dma_start3A_57 = tpu.memref_slice %arg5[%add3A_55, %dma_start3A_56] : memref<10000x128xf32, #tpu.memory_space<vmem_shared>> -> memref<32x128xf32, #tpu.memory_space<vmem_shared>>
    %dma_start3A_58 = arith.constant 0 : i32
    %dma_start3A_59 = tpu.memref_slice %arg5[%add3A_55, %dma_start3A_58] : memref<10000x128xf32, #tpu.memory_space<vmem_shared>> -> memref<32x128xf32, #tpu.memory_space<vmem_shared>>
    tpu.enqueue_dma source(%arg6 : memref<32x128xf32, #tpu.memory_space<vmem>>) target(%dma_start3A_59 : memref<32x128xf32, #tpu.memory_space<vmem_shared>>) target_semaphore(%arg23 : memref<!tpu.dma_semaphore, #tpu.memory_space<semaphore_mem>>)
    %add3A_60 = arith.constant 288 : i32
    %add3A_61 = arith.addi %mul3A_6, %add3A_60 : i32
    %dma_start3A_62 = arith.constant 0 : i32
    %dma_start3A_63 = tpu.memref_slice %arg5[%add3A_61, %dma_start3A_62] : memref<10000x128xf32, #tpu.memory_space<vmem_shared>> -> memref<32x128xf32, #tpu.memory_space<vmem_shared>>
    %dma_start3A_64 = arith.constant 0 : i32
    %dma_start3A_65 = tpu.memref_slice %arg5[%add3A_61, %dma_start3A_64] : memref<10000x128xf32, #tpu.memory_space<vmem_shared>> -> memref<32x128xf32, #tpu.memory_space<vmem_shared>>
    tpu.enqueue_dma source(%arg6 : memref<32x128xf32, #tpu.memory_space<vmem>>) target(%dma_start3A_65 : memref<32x128xf32, #tpu.memory_space<vmem_shared>>) target_semaphore(%arg23 : memref<!tpu.dma_semaphore, #tpu.memory_space<semaphore_mem>>)
    %add3A_66 = arith.constant 320 : i32
    %add3A_67 = arith.addi %mul3A_6, %add3A_66 : i32
    %dma_start3A_68 = arith.constant 0 : i32
    %dma_start3A_69 = tpu.memref_slice %arg5[%add3A_67, %dma_start3A_68] : memref<10000x128xf32, #tpu.memory_space<vmem_shared>> -> memref<32x128xf32, #tpu.memory_space<vmem_shared>>
    %dma_start3A_70 = arith.constant 0 : i32
    %dma_start3A_71 = tpu.memref_slice %arg5[%add3A_67, %dma_start3A_70] : memref<10000x128xf32, #tpu.memory_space<vmem_shared>> -> memref<32x128xf32, #tpu.memory_space<vmem_shared>>
    tpu.enqueue_dma source(%arg6 : memref<32x128xf32, #tpu.memory_space<vmem>>) target(%dma_start3A_71 : memref<32x128xf32, #tpu.memory_space<vmem_shared>>) target_semaphore(%arg23 : memref<!tpu.dma_semaphore, #tpu.memory_space<semaphore_mem>>)
    %add3A_72 = arith.constant 352 : i32
    %add3A_73 = arith.addi %mul3A_6, %add3A_72 : i32
    %dma_start3A_74 = arith.constant 0 : i32
    %dma_start3A_75 = tpu.memref_slice %arg5[%add3A_73, %dma_start3A_74] : memref<10000x128xf32, #tpu.memory_space<vmem_shared>> -> memref<32x128xf32, #tpu.memory_space<vmem_shared>>
    %dma_start3A_76 = arith.constant 0 : i32
    %dma_start3A_77 = tpu.memref_slice %arg5[%add3A_73, %dma_start3A_76] : memref<10000x128xf32, #tpu.memory_space<vmem_shared>> -> memref<32x128xf32, #tpu.memory_space<vmem_shared>>
    tpu.enqueue_dma source(%arg6 : memref<32x128xf32, #tpu.memory_space<vmem>>) target(%dma_start3A_77 : memref<32x128xf32, #tpu.memory_space<vmem_shared>>) target_semaphore(%arg23 : memref<!tpu.dma_semaphore, #tpu.memory_space<semaphore_mem>>)
    %add3A_78 = arith.constant 384 : i32
    %add3A_79 = arith.addi %mul3A_6, %add3A_78 : i32
    %dma_start3A_80 = arith.constant 0 : i32
    %dma_start3A_81 = tpu.memref_slice %arg5[%add3A_79, %dma_start3A_80] : memref<10000x128xf32, #tpu.memory_space<vmem_shared>> -> memref<32x128xf32, #tpu.memory_space<vmem_shared>>
    %dma_start3A_82 = arith.constant 0 : i32
    %dma_start3A_83 = tpu.memref_slice %arg5[%add3A_79, %dma_start3A_82] : memref<10000x128xf32, #tpu.memory_space<vmem_shared>> -> memref<32x128xf32, #tpu.memory_space<vmem_shared>>
    tpu.enqueue_dma source(%arg6 : memref<32x128xf32, #tpu.memory_space<vmem>>) target(%dma_start3A_83 : memref<32x128xf32, #tpu.memory_space<vmem_shared>>) target_semaphore(%arg23 : memref<!tpu.dma_semaphore, #tpu.memory_space<semaphore_mem>>)
    %add3A_84 = arith.constant 416 : i32
    %add3A_85 = arith.addi %mul3A_6, %add3A_84 : i32
    %dma_start3A_86 = arith.constant 0 : i32
    %dma_start3A_87 = tpu.memref_slice %arg5[%add3A_85, %dma_start3A_86] : memref<10000x128xf32, #tpu.memory_space<vmem_shared>> -> memref<32x128xf32, #tpu.memory_space<vmem_shared>>
    %dma_start3A_88 = arith.constant 0 : i32
    %dma_start3A_89 = tpu.memref_slice %arg5[%add3A_85, %dma_start3A_88] : memref<10000x128xf32, #tpu.memory_space<vmem_shared>> -> memref<32x128xf32, #tpu.memory_space<vmem_shared>>
    tpu.enqueue_dma source(%arg6 : memref<32x128xf32, #tpu.memory_space<vmem>>) target(%dma_start3A_89 : memref<32x128xf32, #tpu.memory_space<vmem_shared>>) target_semaphore(%arg23 : memref<!tpu.dma_semaphore, #tpu.memory_space<semaphore_mem>>)
    %add3A_90 = arith.constant 448 : i32
    %add3A_91 = arith.addi %mul3A_6, %add3A_90 : i32
    %dma_start3A_92 = arith.constant 0 : i32
    %dma_start3A_93 = tpu.memref_slice %arg5[%add3A_91, %dma_start3A_92] : memref<10000x128xf32, #tpu.memory_space<vmem_shared>> -> memref<32x128xf32, #tpu.memory_space<vmem_shared>>
    %dma_start3A_94 = arith.constant 0 : i32
    %dma_start3A_95 = tpu.memref_slice %arg5[%add3A_91, %dma_start3A_94] : memref<10000x128xf32, #tpu.memory_space<vmem_shared>> -> memref<32x128xf32, #tpu.memory_space<vmem_shared>>
    tpu.enqueue_dma source(%arg6 : memref<32x128xf32, #tpu.memory_space<vmem>>) target(%dma_start3A_95 : memref<32x128xf32, #tpu.memory_space<vmem_shared>>) target_semaphore(%arg23 : memref<!tpu.dma_semaphore, #tpu.memory_space<semaphore_mem>>)
    %add3A_96 = arith.constant 480 : i32
    %add3A_97 = arith.addi %mul3A_6, %add3A_96 : i32
    %dma_start3A_98 = arith.constant 0 : i32
    %dma_start3A_99 = tpu.memref_slice %arg5[%add3A_97, %dma_start3A_98] : memref<10000x128xf32, #tpu.memory_space<vmem_shared>> -> memref<32x128xf32, #tpu.memory_space<vmem_shared>>
    %dma_start3A_100 = arith.constant 0 : i32
    %dma_start3A_101 = tpu.memref_slice %arg5[%add3A_97, %dma_start3A_100] : memref<10000x128xf32, #tpu.memory_space<vmem_shared>> -> memref<32x128xf32, #tpu.memory_space<vmem_shared>>
    tpu.enqueue_dma source(%arg6 : memref<32x128xf32, #tpu.memory_space<vmem>>) target(%dma_start3A_101 : memref<32x128xf32, #tpu.memory_space<vmem_shared>>) target_semaphore(%arg23 : memref<!tpu.dma_semaphore, #tpu.memory_space<semaphore_mem>>)
    %add3A_102 = arith.constant 512 : i32
    %add3A_103 = arith.addi %mul3A_6, %add3A_102 : i32
    %dma_start3A_104 = arith.constant 0 : i32
    %dma_start3A_105 = tpu.memref_slice %arg5[%add3A_103, %dma_start3A_104] : memref<10000x128xf32, #tpu.memory_space<vmem_shared>> -> memref<32x128xf32, #tpu.memory_space<vmem_shared>>
    %dma_start3A_106 = arith.constant 0 : i32
    %dma_start3A_107 = tpu.memref_slice %arg5[%add3A_103, %dma_start3A_106] : memref<10000x128xf32, #tpu.memory_space<vmem_shared>> -> memref<32x128xf32, #tpu.memory_space<vmem_shared>>
    tpu.enqueue_dma source(%arg6 : memref<32x128xf32, #tpu.memory_space<vmem>>) target(%dma_start3A_107 : memref<32x128xf32, #tpu.memory_space<vmem_shared>>) target_semaphore(%arg23 : memref<!tpu.dma_semaphore, #tpu.memory_space<semaphore_mem>>)
    %add3A_108 = arith.constant 544 : i32
    %add3A_109 = arith.addi %mul3A_6, %add3A_108 : i32
    %dma_start3A_110 = arith.constant 0 : i32
    %dma_start3A_111 = tpu.memref_slice %arg5[%add3A_109, %dma_start3A_110] : memref<10000x128xf32, #tpu.memory_space<vmem_shared>> -> memref<32x128xf32, #tpu.memory_space<vmem_shared>>
    %dma_start3A_112 = arith.constant 0 : i32
    %dma_start3A_113 = tpu.memref_slice %arg5[%add3A_109, %dma_start3A_112] : memref<10000x128xf32, #tpu.memory_space<vmem_shared>> -> memref<32x128xf32, #tpu.memory_space<vmem_shared>>
    tpu.enqueue_dma source(%arg6 : memref<32x128xf32, #tpu.memory_space<vmem>>) target(%dma_start3A_113 : memref<32x128xf32, #tpu.memory_space<vmem_shared>>) target_semaphore(%arg23 : memref<!tpu.dma_semaphore, #tpu.memory_space<semaphore_mem>>)
    %add3A_114 = arith.constant 576 : i32
    %add3A_115 = arith.addi %mul3A_6, %add3A_114 : i32
    %dma_start3A_116 = arith.constant 0 : i32
    %dma_start3A_117 = tpu.memref_slice %arg5[%add3A_115, %dma_start3A_116] : memref<10000x128xf32, #tpu.memory_space<vmem_shared>> -> memref<32x128xf32, #tpu.memory_space<vmem_shared>>
    %dma_start3A_118 = arith.constant 0 : i32
    %dma_start3A_119 = tpu.memref_slice %arg5[%add3A_115, %dma_start3A_118] : memref<10000x128xf32, #tpu.memory_space<vmem_shared>> -> memref<32x128xf32, #tpu.memory_space<vmem_shared>>
    tpu.enqueue_dma source(%arg6 : memref<32x128xf32, #tpu.memory_space<vmem>>) target(%dma_start3A_119 : memref<32x128xf32, #tpu.memory_space<vmem_shared>>) target_semaphore(%arg23 : memref<!tpu.dma_semaphore, #tpu.memory_space<semaphore_mem>>)
    %add3A_120 = arith.constant 608 : i32
    %add3A_121 = arith.addi %mul3A_6, %add3A_120 : i32
    %dma_start3A_122 = arith.constant 0 : i32
    %dma_start3A_123 = tpu.memref_slice %arg5[%add3A_121, %dma_start3A_122] : memref<10000x128xf32, #tpu.memory_space<vmem_shared>> -> memref<32x128xf32, #tpu.memory_space<vmem_shared>>
    %dma_start3A_124 = arith.constant 0 : i32
    %dma_start3A_125 = tpu.memref_slice %arg5[%add3A_121, %dma_start3A_124] : memref<10000x128xf32, #tpu.memory_space<vmem_shared>> -> memref<32x128xf32, #tpu.memory_space<vmem_shared>>
    tpu.enqueue_dma source(%arg6 : memref<32x128xf32, #tpu.memory_space<vmem>>) target(%dma_start3A_125 : memref<32x128xf32, #tpu.memory_space<vmem_shared>>) target_semaphore(%arg23 : memref<!tpu.dma_semaphore, #tpu.memory_space<semaphore_mem>>)
    %dma_wait3A = arith.constant 0 : i32
    %dma_wait3A_126 = tpu.memref_slice %arg5[%add3A_8, %dma_wait3A] : memref<10000x128xf32, #tpu.memory_space<vmem_shared>> -> memref<32x128xf32, #tpu.memory_space<vmem_shared>>
    %dma_wait3A_127 = arith.constant 0 : i32
    %dma_wait3A_128 = tpu.memref_slice %arg5[%add3A_8, %dma_wait3A_127] : memref<10000x128xf32, #tpu.memory_space<vmem_shared>> -> memref<32x128xf32, #tpu.memory_space<vmem_shared>>
    tpu.wait_dma2 semaphore(%arg23 : memref<!tpu.dma_semaphore, #tpu.memory_space<semaphore_mem>>) src(%arg6 : memref<32x128xf32, #tpu.memory_space<vmem>>) dst(%dma_wait3A_128 : memref<32x128xf32, #tpu.memory_space<vmem_shared>>)
    %dma_wait3A_129 = arith.constant 0 : i32
    %dma_wait3A_130 = tpu.memref_slice %arg5[%add3A_13, %dma_wait3A_129] : memref<10000x128xf32, #tpu.memory_space<vmem_shared>> -> memref<32x128xf32, #tpu.memory_space<vmem_shared>>
    %dma_wait3A_131 = arith.constant 0 : i32
    %dma_wait3A_132 = tpu.memref_slice %arg5[%add3A_13, %dma_wait3A_131] : memref<10000x128xf32, #tpu.memory_space<vmem_shared>> -> memref<32x128xf32, #tpu.memory_space<vmem_shared>>
    tpu.wait_dma2 semaphore(%arg23 : memref<!tpu.dma_semaphore, #tpu.memory_space<semaphore_mem>>) src(%arg6 : memref<32x128xf32, #tpu.memory_space<vmem>>) dst(%dma_wait3A_132 : memref<32x128xf32, #tpu.memory_space<vmem_shared>>)
    %dma_wait3A_133 = arith.constant 0 : i32
    %dma_wait3A_134 = tpu.memref_slice %arg5[%add3A_19, %dma_wait3A_133] : memref<10000x128xf32, #tpu.memory_space<vmem_shared>> -> memref<32x128xf32, #tpu.memory_space<vmem_shared>>
    %dma_wait3A_135 = arith.constant 0 : i32
    %dma_wait3A_136 = tpu.memref_slice %arg5[%add3A_19, %dma_wait3A_135] : memref<10000x128xf32, #tpu.memory_space<vmem_shared>> -> memref<32x128xf32, #tpu.memory_space<vmem_shared>>
    tpu.wait_dma2 semaphore(%arg23 : memref<!tpu.dma_semaphore, #tpu.memory_space<semaphore_mem>>) src(%arg6 : memref<32x128xf32, #tpu.memory_space<vmem>>) dst(%dma_wait3A_136 : memref<32x128xf32, #tpu.memory_space<vmem_shared>>)
    %dma_wait3A_137 = arith.constant 0 : i32
    %dma_wait3A_138 = tpu.memref_slice %arg5[%add3A_25, %dma_wait3A_137] : memref<10000x128xf32, #tpu.memory_space<vmem_shared>> -> memref<32x128xf32, #tpu.memory_space<vmem_shared>>
    %dma_wait3A_139 = arith.constant 0 : i32
    %dma_wait3A_140 = tpu.memref_slice %arg5[%add3A_25, %dma_wait3A_139] : memref<10000x128xf32, #tpu.memory_space<vmem_shared>> -> memref<32x128xf32, #tpu.memory_space<vmem_shared>>
    tpu.wait_dma2 semaphore(%arg23 : memref<!tpu.dma_semaphore, #tpu.memory_space<semaphore_mem>>) src(%arg6 : memref<32x128xf32, #tpu.memory_space<vmem>>) dst(%dma_wait3A_140 : memref<32x128xf32, #tpu.memory_space<vmem_shared>>)
    %dma_wait3A_141 = arith.constant 0 : i32
    %dma_wait3A_142 = tpu.memref_slice %arg5[%add3A_31, %dma_wait3A_141] : memref<10000x128xf32, #tpu.memory_space<vmem_shared>> -> memref<32x128xf32, #tpu.memory_space<vmem_shared>>
    %dma_wait3A_143 = arith.constant 0 : i32
    %dma_wait3A_144 = tpu.memref_slice %arg5[%add3A_31, %dma_wait3A_143] : memref<10000x128xf32, #tpu.memory_space<vmem_shared>> -> memref<32x128xf32, #tpu.memory_space<vmem_shared>>
    tpu.wait_dma2 semaphore(%arg23 : memref<!tpu.dma_semaphore, #tpu.memory_space<semaphore_mem>>) src(%arg6 : memref<32x128xf32, #tpu.memory_space<vmem>>) dst(%dma_wait3A_144 : memref<32x128xf32, #tpu.memory_space<vmem_shared>>)
    %dma_wait3A_145 = arith.constant 0 : i32
    %dma_wait3A_146 = tpu.memref_slice %arg5[%add3A_37, %dma_wait3A_145] : memref<10000x128xf32, #tpu.memory_space<vmem_shared>> -> memref<32x128xf32, #tpu.memory_space<vmem_shared>>
    %dma_wait3A_147 = arith.constant 0 : i32
    %dma_wait3A_148 = tpu.memref_slice %arg5[%add3A_37, %dma_wait3A_147] : memref<10000x128xf32, #tpu.memory_space<vmem_shared>> -> memref<32x128xf32, #tpu.memory_space<vmem_shared>>
    tpu.wait_dma2 semaphore(%arg23 : memref<!tpu.dma_semaphore, #tpu.memory_space<semaphore_mem>>) src(%arg6 : memref<32x128xf32, #tpu.memory_space<vmem>>) dst(%dma_wait3A_148 : memref<32x128xf32, #tpu.memory_space<vmem_shared>>)
    %dma_wait3A_149 = arith.constant 0 : i32
    %dma_wait3A_150 = tpu.memref_slice %arg5[%add3A_43, %dma_wait3A_149] : memref<10000x128xf32, #tpu.memory_space<vmem_shared>> -> memref<32x128xf32, #tpu.memory_space<vmem_shared>>
    %dma_wait3A_151 = arith.constant 0 : i32
    %dma_wait3A_152 = tpu.memref_slice %arg5[%add3A_43, %dma_wait3A_151] : memref<10000x128xf32, #tpu.memory_space<vmem_shared>> -> memref<32x128xf32, #tpu.memory_space<vmem_shared>>
    tpu.wait_dma2 semaphore(%arg23 : memref<!tpu.dma_semaphore, #tpu.memory_space<semaphore_mem>>) src(%arg6 : memref<32x128xf32, #tpu.memory_space<vmem>>) dst(%dma_wait3A_152 : memref<32x128xf32, #tpu.memory_space<vmem_shared>>)
    %dma_wait3A_153 = arith.constant 0 : i32
    %dma_wait3A_154 = tpu.memref_slice %arg5[%add3A_49, %dma_wait3A_153] : memref<10000x128xf32, #tpu.memory_space<vmem_shared>> -> memref<32x128xf32, #tpu.memory_space<vmem_shared>>
    %dma_wait3A_155 = arith.constant 0 : i32
    %dma_wait3A_156 = tpu.memref_slice %arg5[%add3A_49, %dma_wait3A_155] : memref<10000x128xf32, #tpu.memory_space<vmem_shared>> -> memref<32x128xf32, #tpu.memory_space<vmem_shared>>
    tpu.wait_dma2 semaphore(%arg23 : memref<!tpu.dma_semaphore, #tpu.memory_space<semaphore_mem>>) src(%arg6 : memref<32x128xf32, #tpu.memory_space<vmem>>) dst(%dma_wait3A_156 : memref<32x128xf32, #tpu.memory_space<vmem_shared>>)
    %dma_wait3A_157 = arith.constant 0 : i32
    %dma_wait3A_158 = tpu.memref_slice %arg5[%add3A_55, %dma_wait3A_157] : memref<10000x128xf32, #tpu.memory_space<vmem_shared>> -> memref<32x128xf32, #tpu.memory_space<vmem_shared>>
    %dma_wait3A_159 = arith.constant 0 : i32
    %dma_wait3A_160 = tpu.memref_slice %arg5[%add3A_55, %dma_wait3A_159] : memref<10000x128xf32, #tpu.memory_space<vmem_shared>> -> memref<32x128xf32, #tpu.memory_space<vmem_shared>>
    tpu.wait_dma2 semaphore(%arg23 : memref<!tpu.dma_semaphore, #tpu.memory_space<semaphore_mem>>) src(%arg6 : memref<32x128xf32, #tpu.memory_space<vmem>>) dst(%dma_wait3A_160 : memref<32x128xf32, #tpu.memory_space<vmem_shared>>)
    %dma_wait3A_161 = arith.constant 0 : i32
    %dma_wait3A_162 = tpu.memref_slice %arg5[%add3A_61, %dma_wait3A_161] : memref<10000x128xf32, #tpu.memory_space<vmem_shared>> -> memref<32x128xf32, #tpu.memory_space<vmem_shared>>
    %dma_wait3A_163 = arith.constant 0 : i32
    %dma_wait3A_164 = tpu.memref_slice %arg5[%add3A_61, %dma_wait3A_163] : memref<10000x128xf32, #tpu.memory_space<vmem_shared>> -> memref<32x128xf32, #tpu.memory_space<vmem_shared>>
    tpu.wait_dma2 semaphore(%arg23 : memref<!tpu.dma_semaphore, #tpu.memory_space<semaphore_mem>>) src(%arg6 : memref<32x128xf32, #tpu.memory_space<vmem>>) dst(%dma_wait3A_164 : memref<32x128xf32, #tpu.memory_space<vmem_shared>>)
    %dma_wait3A_165 = arith.constant 0 : i32
    %dma_wait3A_166 = tpu.memref_slice %arg5[%add3A_67, %dma_wait3A_165] : memref<10000x128xf32, #tpu.memory_space<vmem_shared>> -> memref<32x128xf32, #tpu.memory_space<vmem_shared>>
    %dma_wait3A_167 = arith.constant 0 : i32
    %dma_wait3A_168 = tpu.memref_slice %arg5[%add3A_67, %dma_wait3A_167] : memref<10000x128xf32, #tpu.memory_space<vmem_shared>> -> memref<32x128xf32, #tpu.memory_space<vmem_shared>>
    tpu.wait_dma2 semaphore(%arg23 : memref<!tpu.dma_semaphore, #tpu.memory_space<semaphore_mem>>) src(%arg6 : memref<32x128xf32, #tpu.memory_space<vmem>>) dst(%dma_wait3A_168 : memref<32x128xf32, #tpu.memory_space<vmem_shared>>)
    %dma_wait3A_169 = arith.constant 0 : i32
    %dma_wait3A_170 = tpu.memref_slice %arg5[%add3A_73, %dma_wait3A_169] : memref<10000x128xf32, #tpu.memory_space<vmem_shared>> -> memref<32x128xf32, #tpu.memory_space<vmem_shared>>
    %dma_wait3A_171 = arith.constant 0 : i32
    %dma_wait3A_172 = tpu.memref_slice %arg5[%add3A_73, %dma_wait3A_171] : memref<10000x128xf32, #tpu.memory_space<vmem_shared>> -> memref<32x128xf32, #tpu.memory_space<vmem_shared>>
    tpu.wait_dma2 semaphore(%arg23 : memref<!tpu.dma_semaphore, #tpu.memory_space<semaphore_mem>>) src(%arg6 : memref<32x128xf32, #tpu.memory_space<vmem>>) dst(%dma_wait3A_172 : memref<32x128xf32, #tpu.memory_space<vmem_shared>>)
    %dma_wait3A_173 = arith.constant 0 : i32
    %dma_wait3A_174 = tpu.memref_slice %arg5[%add3A_79, %dma_wait3A_173] : memref<10000x128xf32, #tpu.memory_space<vmem_shared>> -> memref<32x128xf32, #tpu.memory_space<vmem_shared>>
    %dma_wait3A_175 = arith.constant 0 : i32
    %dma_wait3A_176 = tpu.memref_slice %arg5[%add3A_79, %dma_wait3A_175] : memref<10000x128xf32, #tpu.memory_space<vmem_shared>> -> memref<32x128xf32, #tpu.memory_space<vmem_shared>>
    tpu.wait_dma2 semaphore(%arg23 : memref<!tpu.dma_semaphore, #tpu.memory_space<semaphore_mem>>) src(%arg6 : memref<32x128xf32, #tpu.memory_space<vmem>>) dst(%dma_wait3A_176 : memref<32x128xf32, #tpu.memory_space<vmem_shared>>)
    %dma_wait3A_177 = arith.constant 0 : i32
    %dma_wait3A_178 = tpu.memref_slice %arg5[%add3A_85, %dma_wait3A_177] : memref<10000x128xf32, #tpu.memory_space<vmem_shared>> -> memref<32x128xf32, #tpu.memory_space<vmem_shared>>
    %dma_wait3A_179 = arith.constant 0 : i32
    %dma_wait3A_180 = tpu.memref_slice %arg5[%add3A_85, %dma_wait3A_179] : memref<10000x128xf32, #tpu.memory_space<vmem_shared>> -> memref<32x128xf32, #tpu.memory_space<vmem_shared>>
    tpu.wait_dma2 semaphore(%arg23 : memref<!tpu.dma_semaphore, #tpu.memory_space<semaphore_mem>>) src(%arg6 : memref<32x128xf32, #tpu.memory_space<vmem>>) dst(%dma_wait3A_180 : memref<32x128xf32, #tpu.memory_space<vmem_shared>>)
    %dma_wait3A_181 = arith.constant 0 : i32
    %dma_wait3A_182 = tpu.memref_slice %arg5[%add3A_91, %dma_wait3A_181] : memref<10000x128xf32, #tpu.memory_space<vmem_shared>> -> memref<32x128xf32, #tpu.memory_space<vmem_shared>>
    %dma_wait3A_183 = arith.constant 0 : i32
    %dma_wait3A_184 = tpu.memref_slice %arg5[%add3A_91, %dma_wait3A_183] : memref<10000x128xf32, #tpu.memory_space<vmem_shared>> -> memref<32x128xf32, #tpu.memory_space<vmem_shared>>
    tpu.wait_dma2 semaphore(%arg23 : memref<!tpu.dma_semaphore, #tpu.memory_space<semaphore_mem>>) src(%arg6 : memref<32x128xf32, #tpu.memory_space<vmem>>) dst(%dma_wait3A_184 : memref<32x128xf32, #tpu.memory_space<vmem_shared>>)
    %dma_wait3A_185 = arith.constant 0 : i32
    %dma_wait3A_186 = tpu.memref_slice %arg5[%add3A_97, %dma_wait3A_185] : memref<10000x128xf32, #tpu.memory_space<vmem_shared>> -> memref<32x128xf32, #tpu.memory_space<vmem_shared>>
    %dma_wait3A_187 = arith.constant 0 : i32
    %dma_wait3A_188 = tpu.memref_slice %arg5[%add3A_97, %dma_wait3A_187] : memref<10000x128xf32, #tpu.memory_space<vmem_shared>> -> memref<32x128xf32, #tpu.memory_space<vmem_shared>>
    tpu.wait_dma2 semaphore(%arg23 : memref<!tpu.dma_semaphore, #tpu.memory_space<semaphore_mem>>) src(%arg6 : memref<32x128xf32, #tpu.memory_space<vmem>>) dst(%dma_wait3A_188 : memref<32x128xf32, #tpu.memory_space<vmem_shared>>)
    %dma_wait3A_189 = arith.constant 0 : i32
    %dma_wait3A_190 = tpu.memref_slice %arg5[%add3A_103, %dma_wait3A_189] : memref<10000x128xf32, #tpu.memory_space<vmem_shared>> -> memref<32x128xf32, #tpu.memory_space<vmem_shared>>
    %dma_wait3A_191 = arith.constant 0 : i32
    %dma_wait3A_192 = tpu.memref_slice %arg5[%add3A_103, %dma_wait3A_191] : memref<10000x128xf32, #tpu.memory_space<vmem_shared>> -> memref<32x128xf32, #tpu.memory_space<vmem_shared>>
    tpu.wait_dma2 semaphore(%arg23 : memref<!tpu.dma_semaphore, #tpu.memory_space<semaphore_mem>>) src(%arg6 : memref<32x128xf32, #tpu.memory_space<vmem>>) dst(%dma_wait3A_192 : memref<32x128xf32, #tpu.memory_space<vmem_shared>>)
    %dma_wait3A_193 = arith.constant 0 : i32
    %dma_wait3A_194 = tpu.memref_slice %arg5[%add3A_109, %dma_wait3A_193] : memref<10000x128xf32, #tpu.memory_space<vmem_shared>> -> memref<32x128xf32, #tpu.memory_space<vmem_shared>>
    %dma_wait3A_195 = arith.constant 0 : i32
    %dma_wait3A_196 = tpu.memref_slice %arg5[%add3A_109, %dma_wait3A_195] : memref<10000x128xf32, #tpu.memory_space<vmem_shared>> -> memref<32x128xf32, #tpu.memory_space<vmem_shared>>
    tpu.wait_dma2 semaphore(%arg23 : memref<!tpu.dma_semaphore, #tpu.memory_space<semaphore_mem>>) src(%arg6 : memref<32x128xf32, #tpu.memory_space<vmem>>) dst(%dma_wait3A_196 : memref<32x128xf32, #tpu.memory_space<vmem_shared>>)
    %dma_wait3A_197 = arith.constant 0 : i32
    %dma_wait3A_198 = tpu.memref_slice %arg5[%add3A_115, %dma_wait3A_197] : memref<10000x128xf32, #tpu.memory_space<vmem_shared>> -> memref<32x128xf32, #tpu.memory_space<vmem_shared>>
    %dma_wait3A_199 = arith.constant 0 : i32
    %dma_wait3A_200 = tpu.memref_slice %arg5[%add3A_115, %dma_wait3A_199] : memref<10000x128xf32, #tpu.memory_space<vmem_shared>> -> memref<32x128xf32, #tpu.memory_space<vmem_shared>>
    tpu.wait_dma2 semaphore(%arg23 : memref<!tpu.dma_semaphore, #tpu.memory_space<semaphore_mem>>) src(%arg6 : memref<32x128xf32, #tpu.memory_space<vmem>>) dst(%dma_wait3A_200 : memref<32x128xf32, #tpu.memory_space<vmem_shared>>)
    %dma_wait3A_201 = arith.constant 0 : i32
    %dma_wait3A_202 = tpu.memref_slice %arg5[%add3A_121, %dma_wait3A_201] : memref<10000x128xf32, #tpu.memory_space<vmem_shared>> -> memref<32x128xf32, #tpu.memory_space<vmem_shared>>
    %dma_wait3A_203 = arith.constant 0 : i32
    %dma_wait3A_204 = tpu.memref_slice %arg5[%add3A_121, %dma_wait3A_203] : memref<10000x128xf32, #tpu.memory_space<vmem_shared>> -> memref<32x128xf32, #tpu.memory_space<vmem_shared>>
    tpu.wait_dma2 semaphore(%arg23 : memref<!tpu.dma_semaphore, #tpu.memory_space<semaphore_mem>>) src(%arg6 : memref<32x128xf32, #tpu.memory_space<vmem>>) dst(%dma_wait3A_204 : memref<32x128xf32, #tpu.memory_space<vmem_shared>>)
    %barrier3A = arith.constant 0 : index
    tpu.barrier barrier_id(%barrier3A)
    %lt3A = arith.constant 4 : i32
    %lt3A_205 = arith.cmpi slt, %add3A, %lt3A : i32
    %jit3A = arith.constant 316 : i32
    %jit3A_206 = arith.constant 312 : i32
    %select_n3A = arith.select %lt3A_205, %jit3A, %jit3A_206 : i32
    %mul3A_207 = arith.constant 312 : i32
    %mul3A_208 = arith.muli %add3A, %mul3A_207 : i32
    %min3A = arith.constant 4 : i32
    %min3A_209 = arith.minsi %add3A, %min3A : i32
    %mul3A_210 = arith.constant 4 : i32
    %mul3A_211 = arith.muli %mul3A_210, %min3A_209 : i32
    %add3A_212 = arith.addi %mul3A_208, %mul3A_211 : i32
    %jit3A_213 = arith.constant 4 : i32
    %div3A = arith.divsi %add3A_212, %jit3A_213 : i32
    %sign3A = arith.constant 0 : i32
    %sign3A_214 = arith.cmpi sgt, %add3A_212, %sign3A : i32
    %sign3A_215 = arith.extui %sign3A_214 : i1 to i32
    %sign3A_216 = arith.constant 0 : i32
    %sign3A_217 = arith.cmpi slt, %add3A_212, %sign3A_216 : i32
    %sign3A_218 = arith.extui %sign3A_217 : i1 to i32
    %sign3A_219 = arith.subi %sign3A_215, %sign3A_218 : i32
    %sign3A_220 = arith.constant 0 : i32
    %sign3A_221 = arith.cmpi sgt, %jit3A_213, %sign3A_220 : i32
    %sign3A_222 = arith.extui %sign3A_221 : i1 to i32
    %sign3A_223 = arith.constant 0 : i32
    %sign3A_224 = arith.cmpi slt, %jit3A_213, %sign3A_223 : i32
    %sign3A_225 = arith.extui %sign3A_224 : i1 to i32
    %sign3A_226 = arith.subi %sign3A_222, %sign3A_225 : i32
    %ne3A = arith.cmpi ne, %sign3A_219, %sign3A_226 : i32
    %rem3A = arith.remsi %add3A_212, %jit3A_213 : i32
    %ne3A_227 = arith.constant 0 : i32
    %ne3A_228 = arith.cmpi ne, %rem3A, %ne3A_227 : i32
    %and3A = arith.andi %ne3A, %ne3A_228 : i1
    %sub3A = arith.constant 1 : i32
    %sub3A_229 = arith.subi %div3A, %sub3A : i32
    %select_n3A_230 = arith.select %and3A, %sub3A_229, %div3A : i32
    %dma_start3A_231 = arith.constant 0 : i32
    %dma_start3A_232 = arith.constant 0 : i32
    %dma_start3A_233 = arith.constant 0 : i32
    %dma_start3A_234 = tpu.memref_slice %arg14[%dma_start3A_231, %dma_start3A_232, %dma_start3A_233] : memref<79x1x128xi32, #tpu.memory_space<vmem>> -> memref<78x1x128xi32, #tpu.memory_space<vmem>>
    %dma_start3A_235 = arith.constant 0 : i32
    %dma_start3A_236 = arith.constant 0 : i32
    %dma_start3A_237 = tpu.memref_slice %arg3[%select_n3A_230, %dma_start3A_235, %dma_start3A_236] : memref<2500x1x128xi32, #tpu.memory_space<hbm>> -> memref<78x1x128xi32, #tpu.memory_space<hbm>>
    %dma_start3A_238 = arith.constant 0 : i32
    %dma_start3A_239 = arith.constant 0 : i32
    %dma_start3A_240 = arith.constant 0 : i32
    %dma_start3A_241 = tpu.memref_slice %arg14[%dma_start3A_238, %dma_start3A_239, %dma_start3A_240] : memref<79x1x128xi32, #tpu.memory_space<vmem>> -> memref<78x1x128xi32, #tpu.memory_space<vmem>>
    %dma_start3A_242 = arith.constant 0 : i32
    %dma_start3A_243 = arith.constant 0 : i32
    %dma_start3A_244 = tpu.memref_slice %arg3[%select_n3A_230, %dma_start3A_242, %dma_start3A_243] : memref<2500x1x128xi32, #tpu.memory_space<hbm>> -> memref<78x1x128xi32, #tpu.memory_space<hbm>>
    tpu.enqueue_dma source(%dma_start3A_244 : memref<78x1x128xi32, #tpu.memory_space<hbm>>) target(%dma_start3A_241 : memref<78x1x128xi32, #tpu.memory_space<vmem>>) target_semaphore(%arg31 : memref<!tpu.dma_semaphore, #tpu.memory_space<semaphore_mem>>)
    %add3A_245 = arith.constant 0 : i32
    %add3A_246 = arith.addi %add3A_212, %add3A_245 : i32
    %mul3A_247 = arith.constant 32 : i32
    %mul3A_248 = arith.muli %add3A_246, %mul3A_247 : i32
    %dma_start3A_249 = arith.constant 0 : i32
    %dma_start3A_250 = tpu.memref_slice %arg2[%mul3A_248, %dma_start3A_249] : memref<320000x128xf32, #tpu.memory_space<hbm>> -> memref<32x128xf32, #tpu.memory_space<hbm>>
    %dma_start3A_251 = arith.constant 0 : i32
    %dma_start3A_252 = tpu.memref_slice %arg2[%mul3A_248, %dma_start3A_251] : memref<320000x128xf32, #tpu.memory_space<hbm>> -> memref<32x128xf32, #tpu.memory_space<hbm>>
    tpu.enqueue_dma source(%dma_start3A_252 : memref<32x128xf32, #tpu.memory_space<hbm>>) target(%arg6 : memref<32x128xf32, #tpu.memory_space<vmem>>) target_semaphore(%arg23 : memref<!tpu.dma_semaphore, #tpu.memory_space<semaphore_mem>>)
    %add3A_253 = arith.constant 1 : i32
    %add3A_254 = arith.addi %add3A_212, %add3A_253 : i32
    %mul3A_255 = arith.constant 32 : i32
    %mul3A_256 = arith.muli %add3A_254, %mul3A_255 : i32
    %dma_start3A_257 = arith.constant 0 : i32
    %dma_start3A_258 = tpu.memref_slice %arg2[%mul3A_256, %dma_start3A_257] : memref<320000x128xf32, #tpu.memory_space<hbm>> -> memref<32x128xf32, #tpu.memory_space<hbm>>
    %dma_start3A_259 = arith.constant 0 : i32
    %dma_start3A_260 = tpu.memref_slice %arg2[%mul3A_256, %dma_start3A_259] : memref<320000x128xf32, #tpu.memory_space<hbm>> -> memref<32x128xf32, #tpu.memory_space<hbm>>
    tpu.enqueue_dma source(%dma_start3A_260 : memref<32x128xf32, #tpu.memory_space<hbm>>) target(%arg7 : memref<32x128xf32, #tpu.memory_space<vmem>>) target_semaphore(%arg24 : memref<!tpu.dma_semaphore, #tpu.memory_space<semaphore_mem>>)
    %add3A_261 = arith.constant 2 : i32
    %add3A_262 = arith.addi %add3A_212, %add3A_261 : i32
    %mul3A_263 = arith.constant 32 : i32
    %mul3A_264 = arith.muli %add3A_262, %mul3A_263 : i32
    %dma_start3A_265 = arith.constant 0 : i32
    %dma_start3A_266 = tpu.memref_slice %arg2[%mul3A_264, %dma_start3A_265] : memref<320000x128xf32, #tpu.memory_space<hbm>> -> memref<32x128xf32, #tpu.memory_space<hbm>>
    %dma_start3A_267 = arith.constant 0 : i32
    %dma_start3A_268 = tpu.memref_slice %arg2[%mul3A_264, %dma_start3A_267] : memref<320000x128xf32, #tpu.memory_space<hbm>> -> memref<32x128xf32, #tpu.memory_space<hbm>>
    tpu.enqueue_dma source(%dma_start3A_268 : memref<32x128xf32, #tpu.memory_space<hbm>>) target(%arg8 : memref<32x128xf32, #tpu.memory_space<vmem>>) target_semaphore(%arg25 : memref<!tpu.dma_semaphore, #tpu.memory_space<semaphore_mem>>)
    %add3A_269 = arith.constant 3 : i32
    %add3A_270 = arith.addi %add3A_212, %add3A_269 : i32
    %mul3A_271 = arith.constant 32 : i32
    %mul3A_272 = arith.muli %add3A_270, %mul3A_271 : i32
    %dma_start3A_273 = arith.constant 0 : i32
    %dma_start3A_274 = tpu.memref_slice %arg2[%mul3A_272, %dma_start3A_273] : memref<320000x128xf32, #tpu.memory_space<hbm>> -> memref<32x128xf32, #tpu.memory_space<hbm>>
    %dma_start3A_275 = arith.constant 0 : i32
    %dma_start3A_276 = tpu.memref_slice %arg2[%mul3A_272, %dma_start3A_275] : memref<320000x128xf32, #tpu.memory_space<hbm>> -> memref<32x128xf32, #tpu.memory_space<hbm>>
    tpu.enqueue_dma source(%dma_start3A_276 : memref<32x128xf32, #tpu.memory_space<hbm>>) target(%arg9 : memref<32x128xf32, #tpu.memory_space<vmem>>) target_semaphore(%arg26 : memref<!tpu.dma_semaphore, #tpu.memory_space<semaphore_mem>>)
    %add3A_277 = arith.constant 4 : i32
    %add3A_278 = arith.addi %add3A_212, %add3A_277 : i32
    %mul3A_279 = arith.constant 32 : i32
    %mul3A_280 = arith.muli %add3A_278, %mul3A_279 : i32
    %dma_start3A_281 = arith.constant 0 : i32
    %dma_start3A_282 = tpu.memref_slice %arg2[%mul3A_280, %dma_start3A_281] : memref<320000x128xf32, #tpu.memory_space<hbm>> -> memref<32x128xf32, #tpu.memory_space<hbm>>
    %dma_start3A_283 = arith.constant 0 : i32
    %dma_start3A_284 = tpu.memref_slice %arg2[%mul3A_280, %dma_start3A_283] : memref<320000x128xf32, #tpu.memory_space<hbm>> -> memref<32x128xf32, #tpu.memory_space<hbm>>
    tpu.enqueue_dma source(%dma_start3A_284 : memref<32x128xf32, #tpu.memory_space<hbm>>) target(%arg10 : memref<32x128xf32, #tpu.memory_space<vmem>>) target_semaphore(%arg27 : memref<!tpu.dma_semaphore, #tpu.memory_space<semaphore_mem>>)
    %add3A_285 = arith.constant 5 : i32
    %add3A_286 = arith.addi %add3A_212, %add3A_285 : i32
    %mul3A_287 = arith.constant 32 : i32
    %mul3A_288 = arith.muli %add3A_286, %mul3A_287 : i32
    %dma_start3A_289 = arith.constant 0 : i32
    %dma_start3A_290 = tpu.memref_slice %arg2[%mul3A_288, %dma_start3A_289] : memref<320000x128xf32, #tpu.memory_space<hbm>> -> memref<32x128xf32, #tpu.memory_space<hbm>>
    %dma_start3A_291 = arith.constant 0 : i32
    %dma_start3A_292 = tpu.memref_slice %arg2[%mul3A_288, %dma_start3A_291] : memref<320000x128xf32, #tpu.memory_space<hbm>> -> memref<32x128xf32, #tpu.memory_space<hbm>>
    tpu.enqueue_dma source(%dma_start3A_292 : memref<32x128xf32, #tpu.memory_space<hbm>>) target(%arg11 : memref<32x128xf32, #tpu.memory_space<vmem>>) target_semaphore(%arg28 : memref<!tpu.dma_semaphore, #tpu.memory_space<semaphore_mem>>)
    %add3A_293 = arith.constant 6 : i32
    %add3A_294 = arith.addi %add3A_212, %add3A_293 : i32
    %mul3A_295 = arith.constant 32 : i32
    %mul3A_296 = arith.muli %add3A_294, %mul3A_295 : i32
    %dma_start3A_297 = arith.constant 0 : i32
    %dma_start3A_298 = tpu.memref_slice %arg2[%mul3A_296, %dma_start3A_297] : memref<320000x128xf32, #tpu.memory_space<hbm>> -> memref<32x128xf32, #tpu.memory_space<hbm>>
    %dma_start3A_299 = arith.constant 0 : i32
    %dma_start3A_300 = tpu.memref_slice %arg2[%mul3A_296, %dma_start3A_299] : memref<320000x128xf32, #tpu.memory_space<hbm>> -> memref<32x128xf32, #tpu.memory_space<hbm>>
    tpu.enqueue_dma source(%dma_start3A_300 : memref<32x128xf32, #tpu.memory_space<hbm>>) target(%arg12 : memref<32x128xf32, #tpu.memory_space<vmem>>) target_semaphore(%arg29 : memref<!tpu.dma_semaphore, #tpu.memory_space<semaphore_mem>>)
    %add3A_301 = arith.constant 7 : i32
    %add3A_302 = arith.addi %add3A_212, %add3A_301 : i32
    %mul3A_303 = arith.constant 32 : i32
    %mul3A_304 = arith.muli %add3A_302, %mul3A_303 : i32
    %dma_start3A_305 = arith.constant 0 : i32
    %dma_start3A_306 = tpu.memref_slice %arg2[%mul3A_304, %dma_start3A_305] : memref<320000x128xf32, #tpu.memory_space<hbm>> -> memref<32x128xf32, #tpu.memory_space<hbm>>
    %dma_start3A_307 = arith.constant 0 : i32
    %dma_start3A_308 = tpu.memref_slice %arg2[%mul3A_304, %dma_start3A_307] : memref<320000x128xf32, #tpu.memory_space<hbm>> -> memref<32x128xf32, #tpu.memory_space<hbm>>
    tpu.enqueue_dma source(%dma_start3A_308 : memref<32x128xf32, #tpu.memory_space<hbm>>) target(%arg13 : memref<32x128xf32, #tpu.memory_space<vmem>>) target_semaphore(%arg30 : memref<!tpu.dma_semaphore, #tpu.memory_space<semaphore_mem>>)
    %dma_wait3A_309 = arith.constant 0 : i32
    %dma_wait3A_310 = arith.constant 0 : i32
    %dma_wait3A_311 = arith.constant 0 : i32
    %dma_wait3A_312 = tpu.memref_slice %arg14[%dma_wait3A_309, %dma_wait3A_310, %dma_wait3A_311] : memref<79x1x128xi32, #tpu.memory_space<vmem>> -> memref<78x1x128xi32, #tpu.memory_space<vmem>>
    %dma_wait3A_313 = arith.constant 0 : i32
    %dma_wait3A_314 = arith.constant 0 : i32
    %dma_wait3A_315 = tpu.memref_slice %arg3[%select_n3A_230, %dma_wait3A_313, %dma_wait3A_314] : memref<2500x1x128xi32, #tpu.memory_space<hbm>> -> memref<78x1x128xi32, #tpu.memory_space<hbm>>
    %dma_wait3A_316 = arith.constant 0 : i32
    %dma_wait3A_317 = arith.constant 0 : i32
    %dma_wait3A_318 = arith.constant 0 : i32
    %dma_wait3A_319 = tpu.memref_slice %arg14[%dma_wait3A_316, %dma_wait3A_317, %dma_wait3A_318] : memref<79x1x128xi32, #tpu.memory_space<vmem>> -> memref<78x1x128xi32, #tpu.memory_space<vmem>>
    %dma_wait3A_320 = arith.constant 0 : i32
    %dma_wait3A_321 = arith.constant 0 : i32
    %dma_wait3A_322 = tpu.memref_slice %arg3[%select_n3A_230, %dma_wait3A_320, %dma_wait3A_321] : memref<2500x1x128xi32, #tpu.memory_space<hbm>> -> memref<78x1x128xi32, #tpu.memory_space<hbm>>
    tpu.wait_dma2 semaphore(%arg31 : memref<!tpu.dma_semaphore, #tpu.memory_space<semaphore_mem>>) src(%dma_wait3A_322 : memref<78x1x128xi32, #tpu.memory_space<hbm>>) dst(%dma_wait3A_319 : memref<78x1x128xi32, #tpu.memory_space<vmem>>)
    %lt3A_323 = arith.constant 4 : i32
    %lt3A_324 = arith.cmpi slt, %add3A, %lt3A_323 : i32
    %convert_element_type3A = arith.extui %lt3A_324 : i1 to i32
    %cond3A = arith.constant 0 : i32
    %cond3A_325 = arith.cmpi ne, %convert_element_type3A, %cond3A : i32
    scf.if %cond3A_325 {
      %jit3A_479 = arith.constant 4 : i32
      %div3A_480 = arith.divsi %add3A_212, %jit3A_479 : i32
      %sign3A_481 = arith.constant 0 : i32
      %sign3A_482 = arith.cmpi sgt, %add3A_212, %sign3A_481 : i32
      %sign3A_483 = arith.extui %sign3A_482 : i1 to i32
      %sign3A_484 = arith.constant 0 : i32
      %sign3A_485 = arith.cmpi slt, %add3A_212, %sign3A_484 : i32
      %sign3A_486 = arith.extui %sign3A_485 : i1 to i32
      %sign3A_487 = arith.subi %sign3A_483, %sign3A_486 : i32
      %sign3A_488 = arith.constant 0 : i32
      %sign3A_489 = arith.cmpi sgt, %jit3A_479, %sign3A_488 : i32
      %sign3A_490 = arith.extui %sign3A_489 : i1 to i32
      %sign3A_491 = arith.constant 0 : i32
      %sign3A_492 = arith.cmpi slt, %jit3A_479, %sign3A_491 : i32
      %sign3A_493 = arith.extui %sign3A_492 : i1 to i32
      %sign3A_494 = arith.subi %sign3A_490, %sign3A_493 : i32
      %ne3A_495 = arith.cmpi ne, %sign3A_487, %sign3A_494 : i32
      %rem3A_496 = arith.remsi %add3A_212, %jit3A_479 : i32
      %ne3A_497 = arith.constant 0 : i32
      %ne3A_498 = arith.cmpi ne, %rem3A_496, %ne3A_497 : i32
      %and3A_499 = arith.andi %ne3A_495, %ne3A_498 : i1
      %sub3A_500 = arith.constant 1 : i32
      %sub3A_501 = arith.subi %div3A_480, %sub3A_500 : i32
      %select_n3A_502 = arith.select %and3A_499, %sub3A_501, %div3A_480 : i32
      %add3A_503 = arith.constant 78 : i32
      %add3A_504 = arith.addi %select_n3A_502, %add3A_503 : i32
      %dma_start3A_505 = arith.constant 78 : i32
      %dma_start3A_506 = arith.constant 0 : i32
      %dma_start3A_507 = arith.constant 0 : i32
      %dma_start3A_508 = tpu.memref_slice %arg14[%dma_start3A_505, %dma_start3A_506, %dma_start3A_507] : memref<79x1x128xi32, #tpu.memory_space<vmem>> -> memref<1x1x128xi32, #tpu.memory_space<vmem>>
      %dma_start3A_509 = arith.constant 0 : i32
      %dma_start3A_510 = arith.constant 0 : i32
      %dma_start3A_511 = tpu.memref_slice %arg3[%add3A_504, %dma_start3A_509, %dma_start3A_510] : memref<2500x1x128xi32, #tpu.memory_space<hbm>> -> memref<1x1x128xi32, #tpu.memory_space<hbm>>
      %dma_start3A_512 = arith.constant 78 : i32
      %dma_start3A_513 = arith.constant 0 : i32
      %dma_start3A_514 = arith.constant 0 : i32
      %dma_start3A_515 = tpu.memref_slice %arg14[%dma_start3A_512, %dma_start3A_513, %dma_start3A_514] : memref<79x1x128xi32, #tpu.memory_space<vmem>> -> memref<1x1x128xi32, #tpu.memory_space<vmem>>
      %dma_start3A_516 = arith.constant 0 : i32
      %dma_start3A_517 = arith.constant 0 : i32
      %dma_start3A_518 = tpu.memref_slice %arg3[%add3A_504, %dma_start3A_516, %dma_start3A_517] : memref<2500x1x128xi32, #tpu.memory_space<hbm>> -> memref<1x1x128xi32, #tpu.memory_space<hbm>>
      tpu.enqueue_dma source(%dma_start3A_518 : memref<1x1x128xi32, #tpu.memory_space<hbm>>) target(%dma_start3A_515 : memref<1x1x128xi32, #tpu.memory_space<vmem>>) target_semaphore(%arg31 : memref<!tpu.dma_semaphore, #tpu.memory_space<semaphore_mem>>)
      %dma_wait3A_519 = arith.constant 78 : i32
      %dma_wait3A_520 = arith.constant 0 : i32
      %dma_wait3A_521 = arith.constant 0 : i32
      %dma_wait3A_522 = tpu.memref_slice %arg14[%dma_wait3A_519, %dma_wait3A_520, %dma_wait3A_521] : memref<79x1x128xi32, #tpu.memory_space<vmem>> -> memref<1x1x128xi32, #tpu.memory_space<vmem>>
      %dma_wait3A_523 = arith.constant 0 : i32
      %dma_wait3A_524 = arith.constant 0 : i32
      %dma_wait3A_525 = tpu.memref_slice %arg3[%add3A_504, %dma_wait3A_523, %dma_wait3A_524] : memref<2500x1x128xi32, #tpu.memory_space<hbm>> -> memref<1x1x128xi32, #tpu.memory_space<hbm>>
      %dma_wait3A_526 = arith.constant 78 : i32
      %dma_wait3A_527 = arith.constant 0 : i32
      %dma_wait3A_528 = arith.constant 0 : i32
      %dma_wait3A_529 = tpu.memref_slice %arg14[%dma_wait3A_526, %dma_wait3A_527, %dma_wait3A_528] : memref<79x1x128xi32, #tpu.memory_space<vmem>> -> memref<1x1x128xi32, #tpu.memory_space<vmem>>
      %dma_wait3A_530 = arith.constant 0 : i32
      %dma_wait3A_531 = arith.constant 0 : i32
      %dma_wait3A_532 = tpu.memref_slice %arg3[%add3A_504, %dma_wait3A_530, %dma_wait3A_531] : memref<2500x1x128xi32, #tpu.memory_space<hbm>> -> memref<1x1x128xi32, #tpu.memory_space<hbm>>
      tpu.wait_dma2 semaphore(%arg31 : memref<!tpu.dma_semaphore, #tpu.memory_space<semaphore_mem>>) src(%dma_wait3A_532 : memref<1x1x128xi32, #tpu.memory_space<hbm>>) dst(%dma_wait3A_529 : memref<1x1x128xi32, #tpu.memory_space<vmem>>)
    } else {
    }
    %jit3A_326 = arith.constant 8 : i32
    %div3A_327 = arith.divsi %select_n3A, %jit3A_326 : i32
    %sign3A_328 = arith.constant 0 : i32
    %sign3A_329 = arith.cmpi sgt, %select_n3A, %sign3A_328 : i32
    %sign3A_330 = arith.extui %sign3A_329 : i1 to i32
    %sign3A_331 = arith.constant 0 : i32
    %sign3A_332 = arith.cmpi slt, %select_n3A, %sign3A_331 : i32
    %sign3A_333 = arith.extui %sign3A_332 : i1 to i32
    %sign3A_334 = arith.subi %sign3A_330, %sign3A_333 : i32
    %sign3A_335 = arith.constant 0 : i32
    %sign3A_336 = arith.cmpi sgt, %jit3A_326, %sign3A_335 : i32
    %sign3A_337 = arith.extui %sign3A_336 : i1 to i32
    %sign3A_338 = arith.constant 0 : i32
    %sign3A_339 = arith.cmpi slt, %jit3A_326, %sign3A_338 : i32
    %sign3A_340 = arith.extui %sign3A_339 : i1 to i32
    %sign3A_341 = arith.subi %sign3A_337, %sign3A_340 : i32
    %ne3A_342 = arith.cmpi ne, %sign3A_334, %sign3A_341 : i32
    %rem3A_343 = arith.remsi %select_n3A, %jit3A_326 : i32
    %ne3A_344 = arith.constant 0 : i32
    %ne3A_345 = arith.cmpi ne, %rem3A_343, %ne3A_344 : i32
    %and3A_346 = arith.andi %ne3A_342, %ne3A_345 : i1
    %sub3A_347 = arith.constant 1 : i32
    %sub3A_348 = arith.subi %div3A_327, %sub3A_347 : i32
    %select_n3A_349 = arith.select %and3A_346, %sub3A_348, %div3A_327 : i32
    %sub3A_350 = arith.constant 0 : i32
    %sub3A_351 = arith.subi %select_n3A_349, %sub3A_350 : i32
    %sub3A_352 = arith.constant 1 : i32
    %sub3A_353 = arith.constant 1 : i32
    %sub3A_354 = arith.subi %sub3A_352, %sub3A_353 : i32
    %add3A_355 = arith.addi %sub3A_351, %sub3A_354 : i32
    %div3A_356 = arith.constant 1 : i32
    %div3A_357 = arith.divsi %add3A_355, %div3A_356 : i32
    %while3A = arith.constant 1 : i32
    %while3A_358 = arith.constant 0 : i32
    %while3A_359 = arith.constant 0 : i32
    %while3A_360 = arith.subi %div3A_357, %while3A_359 : i32
    %while3A_361 = arith.addi %while3A_359, %while3A_360 : i32
    %while3A_362 = arith.constant 1 : i32
    %while3A_363 = arith.divsi %while3A_360, %while3A_362 : i32
    %while3A_364 = arith.muli %while3A_363, %while3A_362 : i32
    %while3A_365 = arith.addi %while3A_359, %while3A_364 : i32
    %while3A_366 = arith.constant 1 : i32
    scf.for %while3A_479 = %while3A_359 to %while3A_365 step %while3A_366  : i32 {
      %mul3A_480 = arith.muli %while3A_479, %while3A : i32
      %add3A_481 = arith.addi %while3A_358, %mul3A_480 : i32
      %mul3A_482 = arith.constant 8 : i32
      %mul3A_483 = arith.muli %mul3A_482, %add3A_481 : i32
      %dma_wait3A_484 = arith.constant 0 : i32
      %dma_wait3A_485 = arith.constant 0 : i32
      %dma_wait3A_486 = tpu.memref_slice %arg2[%dma_wait3A_484, %dma_wait3A_485] : memref<320000x128xf32, #tpu.memory_space<hbm>> -> memref<32x128xf32, #tpu.memory_space<hbm>>
      %dma_wait3A_487 = arith.constant 0 : i32
      %dma_wait3A_488 = arith.constant 0 : i32
      %dma_wait3A_489 = tpu.memref_slice %arg2[%dma_wait3A_487, %dma_wait3A_488] : memref<320000x128xf32, #tpu.memory_space<hbm>> -> memref<32x128xf32, #tpu.memory_space<hbm>>
      tpu.wait_dma2 semaphore(%arg23 : memref<!tpu.dma_semaphore, #tpu.memory_space<semaphore_mem>>) src(%dma_wait3A_489 : memref<32x128xf32, #tpu.memory_space<hbm>>) dst(%arg6 : memref<32x128xf32, #tpu.memory_space<vmem>>)
      %add3A_490 = arith.constant 0 : i32
      %add3A_491 = arith.addi %mul3A_483, %add3A_490 : i32
      %jit3A_492 = arith.constant 4 : i32
      %div3A_493 = arith.divsi %add3A_491, %jit3A_492 : i32
      %sign3A_494 = arith.constant 0 : i32
      %sign3A_495 = arith.cmpi sgt, %add3A_491, %sign3A_494 : i32
      %sign3A_496 = arith.extui %sign3A_495 : i1 to i32
      %sign3A_497 = arith.constant 0 : i32
      %sign3A_498 = arith.cmpi slt, %add3A_491, %sign3A_497 : i32
      %sign3A_499 = arith.extui %sign3A_498 : i1 to i32
      %sign3A_500 = arith.subi %sign3A_496, %sign3A_499 : i32
      %sign3A_501 = arith.constant 0 : i32
      %sign3A_502 = arith.cmpi sgt, %jit3A_492, %sign3A_501 : i32
      %sign3A_503 = arith.extui %sign3A_502 : i1 to i32
      %sign3A_504 = arith.constant 0 : i32
      %sign3A_505 = arith.cmpi slt, %jit3A_492, %sign3A_504 : i32
      %sign3A_506 = arith.extui %sign3A_505 : i1 to i32
      %sign3A_507 = arith.subi %sign3A_503, %sign3A_506 : i32
      %ne3A_508 = arith.cmpi ne, %sign3A_500, %sign3A_507 : i32
      %rem3A_509 = arith.remsi %add3A_491, %jit3A_492 : i32
      %ne3A_510 = arith.constant 0 : i32
      %ne3A_511 = arith.cmpi ne, %rem3A_509, %ne3A_510 : i32
      %and3A_512 = arith.andi %ne3A_508, %ne3A_511 : i1
      %sub3A_513 = arith.constant 1 : i32
      %sub3A_514 = arith.subi %div3A_493, %sub3A_513 : i32
      %select_n3A_515 = arith.select %and3A_512, %sub3A_514, %div3A_493 : i32
      %get3A = arith.constant 0 : i32
      %get3A_516 = arith.index_cast %select_n3A_515 : i32 to index
      %get3A_517 = arith.index_cast %get3A : i32 to index
      %get3A_518 = arith.constant 0 : index
      %get3A_519 = tpu.vector_load %arg14[%get3A_516, %get3A_517, %get3A_518] {strides = array<i32>} : memref<79x1x128xi32, #tpu.memory_space<vmem>>, vector<1x1x16xi32>,
      %get3A_520 = vector.shape_cast %get3A_519 : vector<1x1x16xi32> to vector<16xi32>
      %swap3A = arith.constant 0 : index
      %swap3A_521 = tpu.vector_load %arg15[%swap3A] {strides = array<i32>} : memref<32xi32, #tpu.memory_space<vmem>>, vector<16xi32>,
      %swap3A_522 = vector.shape_cast %swap3A_521 : vector<16xi32> to vector<16xi32>
      %swap3A_523 = vector.shape_cast %get3A_520 : vector<16xi32> to vector<16xi32>
      tpu.vector_store %arg15[%swap3A], %swap3A_523 {strides = array<i32>} : memref<32xi32, #tpu.memory_space<vmem>>, vector<16xi32>,
      %jit3A_524 = arith.constant 4 : i32
      %div3A_525 = arith.divsi %add3A_491, %jit3A_524 : i32
      %sign3A_526 = arith.constant 0 : i32
      %sign3A_527 = arith.cmpi sgt, %add3A_491, %sign3A_526 : i32
      %sign3A_528 = arith.extui %sign3A_527 : i1 to i32
      %sign3A_529 = arith.constant 0 : i32
      %sign3A_530 = arith.cmpi slt, %add3A_491, %sign3A_529 : i32
      %sign3A_531 = arith.extui %sign3A_530 : i1 to i32
      %sign3A_532 = arith.subi %sign3A_528, %sign3A_531 : i32
      %sign3A_533 = arith.constant 0 : i32
      %sign3A_534 = arith.cmpi sgt, %jit3A_524, %sign3A_533 : i32
      %sign3A_535 = arith.extui %sign3A_534 : i1 to i32
      %sign3A_536 = arith.constant 0 : i32
      %sign3A_537 = arith.cmpi slt, %jit3A_524, %sign3A_536 : i32
      %sign3A_538 = arith.extui %sign3A_537 : i1 to i32
      %sign3A_539 = arith.subi %sign3A_535, %sign3A_538 : i32
      %ne3A_540 = arith.cmpi ne, %sign3A_532, %sign3A_539 : i32
      %rem3A_541 = arith.remsi %add3A_491, %jit3A_524 : i32
      %ne3A_542 = arith.constant 0 : i32
      %ne3A_543 = arith.cmpi ne, %rem3A_541, %ne3A_542 : i32
      %and3A_544 = arith.andi %ne3A_540, %ne3A_543 : i1
      %sub3A_545 = arith.constant 1 : i32
      %sub3A_546 = arith.subi %div3A_525, %sub3A_545 : i32
      %select_n3A_547 = arith.select %and3A_544, %sub3A_546, %div3A_525 : i32
      %get3A_548 = arith.constant 0 : i32
      %get3A_549 = arith.index_cast %select_n3A_547 : i32 to index
      %get3A_550 = arith.index_cast %get3A_548 : i32 to index
      %get3A_551 = arith.constant 16 : index
      %get3A_552 = tpu.vector_load %arg14[%get3A_549, %get3A_550, %get3A_551] {strides = array<i32>} : memref<79x1x128xi32, #tpu.memory_space<vmem>>, vector<1x1x16xi32>,
      %get3A_553 = vector.shape_cast %get3A_552 : vector<1x1x16xi32> to vector<16xi32>
      %swap3A_554 = arith.constant 16 : index
      %swap3A_555 = tpu.vector_load %arg15[%swap3A_554] {strides = array<i32>} : memref<32xi32, #tpu.memory_space<vmem>>, vector<16xi32>,
      %swap3A_556 = vector.shape_cast %swap3A_555 : vector<16xi32> to vector<16xi32>
      %swap3A_557 = vector.shape_cast %get3A_553 : vector<16xi32> to vector<16xi32>
      tpu.vector_store %arg15[%swap3A_554], %swap3A_557 {strides = array<i32>} : memref<32xi32, #tpu.memory_space<vmem>>, vector<16xi32>,
      %dma_start3A_558 = arith.constant 0 : i32
      %dma_start3A_559 = arith.constant 0 : i32
      %dma_start3A_560 = tpu.memref_slice %arg5[%dma_start3A_558, %dma_start3A_559] : memref<10000x128xf32, #tpu.memory_space<vmem_shared>> -> memref<10000x128xf32, #tpu.memory_space<vmem_shared>>
      tpu.enqueue_indirect_dma source(%arg6 : memref<32x128xf32, #tpu.memory_space<vmem>>) target(%dma_start3A_560 : memref<10000x128xf32, #tpu.memory_space<vmem_shared>>) offsets(%arg15 : memref<32xi32, #tpu.memory_space<vmem>>) semaphore(%arg32 : memref<!tpu.dma_semaphore, #tpu.memory_space<semaphore_mem>>) {add = true}
      %dma_wait3A_561 = arith.constant 0 : i32
      %dma_wait3A_562 = arith.constant 0 : i32
      %dma_wait3A_563 = tpu.memref_slice %arg2[%dma_wait3A_561, %dma_wait3A_562] : memref<320000x128xf32, #tpu.memory_space<hbm>> -> memref<32x128xf32, #tpu.memory_space<hbm>>
      %dma_wait3A_564 = arith.constant 0 : i32
      %dma_wait3A_565 = arith.constant 0 : i32
      %dma_wait3A_566 = tpu.memref_slice %arg2[%dma_wait3A_564, %dma_wait3A_565] : memref<320000x128xf32, #tpu.memory_space<hbm>> -> memref<32x128xf32, #tpu.memory_space<hbm>>
      tpu.wait_dma2 semaphore(%arg24 : memref<!tpu.dma_semaphore, #tpu.memory_space<semaphore_mem>>) src(%dma_wait3A_566 : memref<32x128xf32, #tpu.memory_space<hbm>>) dst(%arg7 : memref<32x128xf32, #tpu.memory_space<vmem>>)
      %add3A_567 = arith.constant 1 : i32
      %add3A_568 = arith.addi %mul3A_483, %add3A_567 : i32
      %jit3A_569 = arith.constant 4 : i32
      %div3A_570 = arith.divsi %add3A_568, %jit3A_569 : i32
      %sign3A_571 = arith.constant 0 : i32
      %sign3A_572 = arith.cmpi sgt, %add3A_568, %sign3A_571 : i32
      %sign3A_573 = arith.extui %sign3A_572 : i1 to i32
      %sign3A_574 = arith.constant 0 : i32
      %sign3A_575 = arith.cmpi slt, %add3A_568, %sign3A_574 : i32
      %sign3A_576 = arith.extui %sign3A_575 : i1 to i32
      %sign3A_577 = arith.subi %sign3A_573, %sign3A_576 : i32
      %sign3A_578 = arith.constant 0 : i32
      %sign3A_579 = arith.cmpi sgt, %jit3A_569, %sign3A_578 : i32
      %sign3A_580 = arith.extui %sign3A_579 : i1 to i32
      %sign3A_581 = arith.constant 0 : i32
      %sign3A_582 = arith.cmpi slt, %jit3A_569, %sign3A_581 : i32
      %sign3A_583 = arith.extui %sign3A_582 : i1 to i32
      %sign3A_584 = arith.subi %sign3A_580, %sign3A_583 : i32
      %ne3A_585 = arith.cmpi ne, %sign3A_577, %sign3A_584 : i32
      %rem3A_586 = arith.remsi %add3A_568, %jit3A_569 : i32
      %ne3A_587 = arith.constant 0 : i32
      %ne3A_588 = arith.cmpi ne, %rem3A_586, %ne3A_587 : i32
      %and3A_589 = arith.andi %ne3A_585, %ne3A_588 : i1
      %sub3A_590 = arith.constant 1 : i32
      %sub3A_591 = arith.subi %div3A_570, %sub3A_590 : i32
      %select_n3A_592 = arith.select %and3A_589, %sub3A_591, %div3A_570 : i32
      %get3A_593 = arith.constant 0 : i32
      %get3A_594 = arith.index_cast %select_n3A_592 : i32 to index
      %get3A_595 = arith.index_cast %get3A_593 : i32 to index
      %get3A_596 = arith.constant 32 : index
      %get3A_597 = tpu.vector_load %arg14[%get3A_594, %get3A_595, %get3A_596] {strides = array<i32>} : memref<79x1x128xi32, #tpu.memory_space<vmem>>, vector<1x1x16xi32>,
      %get3A_598 = vector.shape_cast %get3A_597 : vector<1x1x16xi32> to vector<16xi32>
      %swap3A_599 = arith.constant 0 : index
      %swap3A_600 = tpu.vector_load %arg16[%swap3A_599] {strides = array<i32>} : memref<32xi32, #tpu.memory_space<vmem>>, vector<16xi32>,
      %swap3A_601 = vector.shape_cast %swap3A_600 : vector<16xi32> to vector<16xi32>
      %swap3A_602 = vector.shape_cast %get3A_598 : vector<16xi32> to vector<16xi32>
      tpu.vector_store %arg16[%swap3A_599], %swap3A_602 {strides = array<i32>} : memref<32xi32, #tpu.memory_space<vmem>>, vector<16xi32>,
      %jit3A_603 = arith.constant 4 : i32
      %div3A_604 = arith.divsi %add3A_568, %jit3A_603 : i32
      %sign3A_605 = arith.constant 0 : i32
      %sign3A_606 = arith.cmpi sgt, %add3A_568, %sign3A_605 : i32
      %sign3A_607 = arith.extui %sign3A_606 : i1 to i32
      %sign3A_608 = arith.constant 0 : i32
      %sign3A_609 = arith.cmpi slt, %add3A_568, %sign3A_608 : i32
      %sign3A_610 = arith.extui %sign3A_609 : i1 to i32
      %sign3A_611 = arith.subi %sign3A_607, %sign3A_610 : i32
      %sign3A_612 = arith.constant 0 : i32
      %sign3A_613 = arith.cmpi sgt, %jit3A_603, %sign3A_612 : i32
      %sign3A_614 = arith.extui %sign3A_613 : i1 to i32
      %sign3A_615 = arith.constant 0 : i32
      %sign3A_616 = arith.cmpi slt, %jit3A_603, %sign3A_615 : i32
      %sign3A_617 = arith.extui %sign3A_616 : i1 to i32
      %sign3A_618 = arith.subi %sign3A_614, %sign3A_617 : i32
      %ne3A_619 = arith.cmpi ne, %sign3A_611, %sign3A_618 : i32
      %rem3A_620 = arith.remsi %add3A_568, %jit3A_603 : i32
      %ne3A_621 = arith.constant 0 : i32
      %ne3A_622 = arith.cmpi ne, %rem3A_620, %ne3A_621 : i32
      %and3A_623 = arith.andi %ne3A_619, %ne3A_622 : i1
      %sub3A_624 = arith.constant 1 : i32
      %sub3A_625 = arith.subi %div3A_604, %sub3A_624 : i32
      %select_n3A_626 = arith.select %and3A_623, %sub3A_625, %div3A_604 : i32
      %get3A_627 = arith.constant 0 : i32
      %get3A_628 = arith.index_cast %select_n3A_626 : i32 to index
      %get3A_629 = arith.index_cast %get3A_627 : i32 to index
      %get3A_630 = arith.constant 48 : index
      %get3A_631 = tpu.vector_load %arg14[%get3A_628, %get3A_629, %get3A_630] {strides = array<i32>} : memref<79x1x128xi32, #tpu.memory_space<vmem>>, vector<1x1x16xi32>,
      %get3A_632 = vector.shape_cast %get3A_631 : vector<1x1x16xi32> to vector<16xi32>
      %swap3A_633 = arith.constant 16 : index
      %swap3A_634 = tpu.vector_load %arg16[%swap3A_633] {strides = array<i32>} : memref<32xi32, #tpu.memory_space<vmem>>, vector<16xi32>,
      %swap3A_635 = vector.shape_cast %swap3A_634 : vector<16xi32> to vector<16xi32>
      %swap3A_636 = vector.shape_cast %get3A_632 : vector<16xi32> to vector<16xi32>
      tpu.vector_store %arg16[%swap3A_633], %swap3A_636 {strides = array<i32>} : memref<32xi32, #tpu.memory_space<vmem>>, vector<16xi32>,
      %dma_start3A_637 = arith.constant 0 : i32
      %dma_start3A_638 = arith.constant 0 : i32
      %dma_start3A_639 = tpu.memref_slice %arg5[%dma_start3A_637, %dma_start3A_638] : memref<10000x128xf32, #tpu.memory_space<vmem_shared>> -> memref<10000x128xf32, #tpu.memory_space<vmem_shared>>
      tpu.enqueue_indirect_dma source(%arg7 : memref<32x128xf32, #tpu.memory_space<vmem>>) target(%dma_start3A_639 : memref<10000x128xf32, #tpu.memory_space<vmem_shared>>) offsets(%arg16 : memref<32xi32, #tpu.memory_space<vmem>>) semaphore(%arg33 : memref<!tpu.dma_semaphore, #tpu.memory_space<semaphore_mem>>) {add = true}
      %dma_wait3A_640 = arith.constant 0 : i32
      %dma_wait3A_641 = arith.constant 0 : i32
      %dma_wait3A_642 = tpu.memref_slice %arg2[%dma_wait3A_640, %dma_wait3A_641] : memref<320000x128xf32, #tpu.memory_space<hbm>> -> memref<32x128xf32, #tpu.memory_space<hbm>>
      %dma_wait3A_643 = arith.constant 0 : i32
      %dma_wait3A_644 = arith.constant 0 : i32
      %dma_wait3A_645 = tpu.memref_slice %arg2[%dma_wait3A_643, %dma_wait3A_644] : memref<320000x128xf32, #tpu.memory_space<hbm>> -> memref<32x128xf32, #tpu.memory_space<hbm>>
      tpu.wait_dma2 semaphore(%arg25 : memref<!tpu.dma_semaphore, #tpu.memory_space<semaphore_mem>>) src(%dma_wait3A_645 : memref<32x128xf32, #tpu.memory_space<hbm>>) dst(%arg8 : memref<32x128xf32, #tpu.memory_space<vmem>>)
      %add3A_646 = arith.constant 2 : i32
      %add3A_647 = arith.addi %mul3A_483, %add3A_646 : i32
      %jit3A_648 = arith.constant 4 : i32
      %div3A_649 = arith.divsi %add3A_647, %jit3A_648 : i32
      %sign3A_650 = arith.constant 0 : i32
      %sign3A_651 = arith.cmpi sgt, %add3A_647, %sign3A_650 : i32
      %sign3A_652 = arith.extui %sign3A_651 : i1 to i32
      %sign3A_653 = arith.constant 0 : i32
      %sign3A_654 = arith.cmpi slt, %add3A_647, %sign3A_653 : i32
      %sign3A_655 = arith.extui %sign3A_654 : i1 to i32
      %sign3A_656 = arith.subi %sign3A_652, %sign3A_655 : i32
      %sign3A_657 = arith.constant 0 : i32
      %sign3A_658 = arith.cmpi sgt, %jit3A_648, %sign3A_657 : i32
      %sign3A_659 = arith.extui %sign3A_658 : i1 to i32
      %sign3A_660 = arith.constant 0 : i32
      %sign3A_661 = arith.cmpi slt, %jit3A_648, %sign3A_660 : i32
      %sign3A_662 = arith.extui %sign3A_661 : i1 to i32
      %sign3A_663 = arith.subi %sign3A_659, %sign3A_662 : i32
      %ne3A_664 = arith.cmpi ne, %sign3A_656, %sign3A_663 : i32
      %rem3A_665 = arith.remsi %add3A_647, %jit3A_648 : i32
      %ne3A_666 = arith.constant 0 : i32
      %ne3A_667 = arith.cmpi ne, %rem3A_665, %ne3A_666 : i32
      %and3A_668 = arith.andi %ne3A_664, %ne3A_667 : i1
      %sub3A_669 = arith.constant 1 : i32
      %sub3A_670 = arith.subi %div3A_649, %sub3A_669 : i32
      %select_n3A_671 = arith.select %and3A_668, %sub3A_670, %div3A_649 : i32
      %get3A_672 = arith.constant 0 : i32
      %get3A_673 = arith.index_cast %select_n3A_671 : i32 to index
      %get3A_674 = arith.index_cast %get3A_672 : i32 to index
      %get3A_675 = arith.constant 64 : index
      %get3A_676 = tpu.vector_load %arg14[%get3A_673, %get3A_674, %get3A_675] {strides = array<i32>} : memref<79x1x128xi32, #tpu.memory_space<vmem>>, vector<1x1x16xi32>,
      %get3A_677 = vector.shape_cast %get3A_676 : vector<1x1x16xi32> to vector<16xi32>
      %swap3A_678 = arith.constant 0 : index
      %swap3A_679 = tpu.vector_load %arg17[%swap3A_678] {strides = array<i32>} : memref<32xi32, #tpu.memory_space<vmem>>, vector<16xi32>,
      %swap3A_680 = vector.shape_cast %swap3A_679 : vector<16xi32> to vector<16xi32>
      %swap3A_681 = vector.shape_cast %get3A_677 : vector<16xi32> to vector<16xi32>
      tpu.vector_store %arg17[%swap3A_678], %swap3A_681 {strides = array<i32>} : memref<32xi32, #tpu.memory_space<vmem>>, vector<16xi32>,
      %jit3A_682 = arith.constant 4 : i32
      %div3A_683 = arith.divsi %add3A_647, %jit3A_682 : i32
      %sign3A_684 = arith.constant 0 : i32
      %sign3A_685 = arith.cmpi sgt, %add3A_647, %sign3A_684 : i32
      %sign3A_686 = arith.extui %sign3A_685 : i1 to i32
      %sign3A_687 = arith.constant 0 : i32
      %sign3A_688 = arith.cmpi slt, %add3A_647, %sign3A_687 : i32
      %sign3A_689 = arith.extui %sign3A_688 : i1 to i32
      %sign3A_690 = arith.subi %sign3A_686, %sign3A_689 : i32
      %sign3A_691 = arith.constant 0 : i32
      %sign3A_692 = arith.cmpi sgt, %jit3A_682, %sign3A_691 : i32
      %sign3A_693 = arith.extui %sign3A_692 : i1 to i32
      %sign3A_694 = arith.constant 0 : i32
      %sign3A_695 = arith.cmpi slt, %jit3A_682, %sign3A_694 : i32
      %sign3A_696 = arith.extui %sign3A_695 : i1 to i32
      %sign3A_697 = arith.subi %sign3A_693, %sign3A_696 : i32
      %ne3A_698 = arith.cmpi ne, %sign3A_690, %sign3A_697 : i32
      %rem3A_699 = arith.remsi %add3A_647, %jit3A_682 : i32
      %ne3A_700 = arith.constant 0 : i32
      %ne3A_701 = arith.cmpi ne, %rem3A_699, %ne3A_700 : i32
      %and3A_702 = arith.andi %ne3A_698, %ne3A_701 : i1
      %sub3A_703 = arith.constant 1 : i32
      %sub3A_704 = arith.subi %div3A_683, %sub3A_703 : i32
      %select_n3A_705 = arith.select %and3A_702, %sub3A_704, %div3A_683 : i32
      %get3A_706 = arith.constant 0 : i32
      %get3A_707 = arith.index_cast %select_n3A_705 : i32 to index
      %get3A_708 = arith.index_cast %get3A_706 : i32 to index
      %get3A_709 = arith.constant 80 : index
      %get3A_710 = tpu.vector_load %arg14[%get3A_707, %get3A_708, %get3A_709] {strides = array<i32>} : memref<79x1x128xi32, #tpu.memory_space<vmem>>, vector<1x1x16xi32>,
      %get3A_711 = vector.shape_cast %get3A_710 : vector<1x1x16xi32> to vector<16xi32>
      %swap3A_712 = arith.constant 16 : index
      %swap3A_713 = tpu.vector_load %arg17[%swap3A_712] {strides = array<i32>} : memref<32xi32, #tpu.memory_space<vmem>>, vector<16xi32>,
      %swap3A_714 = vector.shape_cast %swap3A_713 : vector<16xi32> to vector<16xi32>
      %swap3A_715 = vector.shape_cast %get3A_711 : vector<16xi32> to vector<16xi32>
      tpu.vector_store %arg17[%swap3A_712], %swap3A_715 {strides = array<i32>} : memref<32xi32, #tpu.memory_space<vmem>>, vector<16xi32>,
      %dma_start3A_716 = arith.constant 0 : i32
      %dma_start3A_717 = arith.constant 0 : i32
      %dma_start3A_718 = tpu.memref_slice %arg5[%dma_start3A_716, %dma_start3A_717] : memref<10000x128xf32, #tpu.memory_space<vmem_shared>> -> memref<10000x128xf32, #tpu.memory_space<vmem_shared>>
      tpu.enqueue_indirect_dma source(%arg8 : memref<32x128xf32, #tpu.memory_space<vmem>>) target(%dma_start3A_718 : memref<10000x128xf32, #tpu.memory_space<vmem_shared>>) offsets(%arg17 : memref<32xi32, #tpu.memory_space<vmem>>) semaphore(%arg34 : memref<!tpu.dma_semaphore, #tpu.memory_space<semaphore_mem>>) {add = true}
      %dma_wait3A_719 = arith.constant 0 : i32
      %dma_wait3A_720 = arith.constant 0 : i32
      %dma_wait3A_721 = tpu.memref_slice %arg2[%dma_wait3A_719, %dma_wait3A_720] : memref<320000x128xf32, #tpu.memory_space<hbm>> -> memref<32x128xf32, #tpu.memory_space<hbm>>
      %dma_wait3A_722 = arith.constant 0 : i32
      %dma_wait3A_723 = arith.constant 0 : i32
      %dma_wait3A_724 = tpu.memref_slice %arg2[%dma_wait3A_722, %dma_wait3A_723] : memref<320000x128xf32, #tpu.memory_space<hbm>> -> memref<32x128xf32, #tpu.memory_space<hbm>>
      tpu.wait_dma2 semaphore(%arg26 : memref<!tpu.dma_semaphore, #tpu.memory_space<semaphore_mem>>) src(%dma_wait3A_724 : memref<32x128xf32, #tpu.memory_space<hbm>>) dst(%arg9 : memref<32x128xf32, #tpu.memory_space<vmem>>)
      %add3A_725 = arith.constant 3 : i32
      %add3A_726 = arith.addi %mul3A_483, %add3A_725 : i32
      %jit3A_727 = arith.constant 4 : i32
      %div3A_728 = arith.divsi %add3A_726, %jit3A_727 : i32
      %sign3A_729 = arith.constant 0 : i32
      %sign3A_730 = arith.cmpi sgt, %add3A_726, %sign3A_729 : i32
      %sign3A_731 = arith.extui %sign3A_730 : i1 to i32
      %sign3A_732 = arith.constant 0 : i32
      %sign3A_733 = arith.cmpi slt, %add3A_726, %sign3A_732 : i32
      %sign3A_734 = arith.extui %sign3A_733 : i1 to i32
      %sign3A_735 = arith.subi %sign3A_731, %sign3A_734 : i32
      %sign3A_736 = arith.constant 0 : i32
      %sign3A_737 = arith.cmpi sgt, %jit3A_727, %sign3A_736 : i32
      %sign3A_738 = arith.extui %sign3A_737 : i1 to i32
      %sign3A_739 = arith.constant 0 : i32
      %sign3A_740 = arith.cmpi slt, %jit3A_727, %sign3A_739 : i32
      %sign3A_741 = arith.extui %sign3A_740 : i1 to i32
      %sign3A_742 = arith.subi %sign3A_738, %sign3A_741 : i32
      %ne3A_743 = arith.cmpi ne, %sign3A_735, %sign3A_742 : i32
      %rem3A_744 = arith.remsi %add3A_726, %jit3A_727 : i32
      %ne3A_745 = arith.constant 0 : i32
      %ne3A_746 = arith.cmpi ne, %rem3A_744, %ne3A_745 : i32
      %and3A_747 = arith.andi %ne3A_743, %ne3A_746 : i1
      %sub3A_748 = arith.constant 1 : i32
      %sub3A_749 = arith.subi %div3A_728, %sub3A_748 : i32
      %select_n3A_750 = arith.select %and3A_747, %sub3A_749, %div3A_728 : i32
      %get3A_751 = arith.constant 0 : i32
      %get3A_752 = arith.index_cast %select_n3A_750 : i32 to index
      %get3A_753 = arith.index_cast %get3A_751 : i32 to index
      %get3A_754 = arith.constant 96 : index
      %get3A_755 = tpu.vector_load %arg14[%get3A_752, %get3A_753, %get3A_754] {strides = array<i32>} : memref<79x1x128xi32, #tpu.memory_space<vmem>>, vector<1x1x16xi32>,
      %get3A_756 = vector.shape_cast %get3A_755 : vector<1x1x16xi32> to vector<16xi32>
      %swap3A_757 = arith.constant 0 : index
      %swap3A_758 = tpu.vector_load %arg18[%swap3A_757] {strides = array<i32>} : memref<32xi32, #tpu.memory_space<vmem>>, vector<16xi32>,
      %swap3A_759 = vector.shape_cast %swap3A_758 : vector<16xi32> to vector<16xi32>
      %swap3A_760 = vector.shape_cast %get3A_756 : vector<16xi32> to vector<16xi32>
      tpu.vector_store %arg18[%swap3A_757], %swap3A_760 {strides = array<i32>} : memref<32xi32, #tpu.memory_space<vmem>>, vector<16xi32>,
      %jit3A_761 = arith.constant 4 : i32
      %div3A_762 = arith.divsi %add3A_726, %jit3A_761 : i32
      %sign3A_763 = arith.constant 0 : i32
      %sign3A_764 = arith.cmpi sgt, %add3A_726, %sign3A_763 : i32
      %sign3A_765 = arith.extui %sign3A_764 : i1 to i32
      %sign3A_766 = arith.constant 0 : i32
      %sign3A_767 = arith.cmpi slt, %add3A_726, %sign3A_766 : i32
      %sign3A_768 = arith.extui %sign3A_767 : i1 to i32
      %sign3A_769 = arith.subi %sign3A_765, %sign3A_768 : i32
      %sign3A_770 = arith.constant 0 : i32
      %sign3A_771 = arith.cmpi sgt, %jit3A_761, %sign3A_770 : i32
      %sign3A_772 = arith.extui %sign3A_771 : i1 to i32
      %sign3A_773 = arith.constant 0 : i32
      %sign3A_774 = arith.cmpi slt, %jit3A_761, %sign3A_773 : i32
      %sign3A_775 = arith.extui %sign3A_774 : i1 to i32
      %sign3A_776 = arith.subi %sign3A_772, %sign3A_775 : i32
      %ne3A_777 = arith.cmpi ne, %sign3A_769, %sign3A_776 : i32
      %rem3A_778 = arith.remsi %add3A_726, %jit3A_761 : i32
      %ne3A_779 = arith.constant 0 : i32
      %ne3A_780 = arith.cmpi ne, %rem3A_778, %ne3A_779 : i32
      %and3A_781 = arith.andi %ne3A_777, %ne3A_780 : i1
      %sub3A_782 = arith.constant 1 : i32
      %sub3A_783 = arith.subi %div3A_762, %sub3A_782 : i32
      %select_n3A_784 = arith.select %and3A_781, %sub3A_783, %div3A_762 : i32
      %get3A_785 = arith.constant 0 : i32
      %get3A_786 = arith.index_cast %select_n3A_784 : i32 to index
      %get3A_787 = arith.index_cast %get3A_785 : i32 to index
      %get3A_788 = arith.constant 112 : index
      %get3A_789 = tpu.vector_load %arg14[%get3A_786, %get3A_787, %get3A_788] {strides = array<i32>} : memref<79x1x128xi32, #tpu.memory_space<vmem>>, vector<1x1x16xi32>,
      %get3A_790 = vector.shape_cast %get3A_789 : vector<1x1x16xi32> to vector<16xi32>
      %swap3A_791 = arith.constant 16 : index
      %swap3A_792 = tpu.vector_load %arg18[%swap3A_791] {strides = array<i32>} : memref<32xi32, #tpu.memory_space<vmem>>, vector<16xi32>,
      %swap3A_793 = vector.shape_cast %swap3A_792 : vector<16xi32> to vector<16xi32>
      %swap3A_794 = vector.shape_cast %get3A_790 : vector<16xi32> to vector<16xi32>
      tpu.vector_store %arg18[%swap3A_791], %swap3A_794 {strides = array<i32>} : memref<32xi32, #tpu.memory_space<vmem>>, vector<16xi32>,
      %dma_start3A_795 = arith.constant 0 : i32
      %dma_start3A_796 = arith.constant 0 : i32
      %dma_start3A_797 = tpu.memref_slice %arg5[%dma_start3A_795, %dma_start3A_796] : memref<10000x128xf32, #tpu.memory_space<vmem_shared>> -> memref<10000x128xf32, #tpu.memory_space<vmem_shared>>
      tpu.enqueue_indirect_dma source(%arg9 : memref<32x128xf32, #tpu.memory_space<vmem>>) target(%dma_start3A_797 : memref<10000x128xf32, #tpu.memory_space<vmem_shared>>) offsets(%arg18 : memref<32xi32, #tpu.memory_space<vmem>>) semaphore(%arg35 : memref<!tpu.dma_semaphore, #tpu.memory_space<semaphore_mem>>) {add = true}
      %dma_wait3A_798 = arith.constant 0 : i32
      %dma_wait3A_799 = arith.constant 0 : i32
      %dma_wait3A_800 = tpu.memref_slice %arg2[%dma_wait3A_798, %dma_wait3A_799] : memref<320000x128xf32, #tpu.memory_space<hbm>> -> memref<32x128xf32, #tpu.memory_space<hbm>>
      %dma_wait3A_801 = arith.constant 0 : i32
      %dma_wait3A_802 = arith.constant 0 : i32
      %dma_wait3A_803 = tpu.memref_slice %arg2[%dma_wait3A_801, %dma_wait3A_802] : memref<320000x128xf32, #tpu.memory_space<hbm>> -> memref<32x128xf32, #tpu.memory_space<hbm>>
      tpu.wait_dma2 semaphore(%arg27 : memref<!tpu.dma_semaphore, #tpu.memory_space<semaphore_mem>>) src(%dma_wait3A_803 : memref<32x128xf32, #tpu.memory_space<hbm>>) dst(%arg10 : memref<32x128xf32, #tpu.memory_space<vmem>>)
      %add3A_804 = arith.constant 4 : i32
      %add3A_805 = arith.addi %mul3A_483, %add3A_804 : i32
      %jit3A_806 = arith.constant 4 : i32
      %div3A_807 = arith.divsi %add3A_805, %jit3A_806 : i32
      %sign3A_808 = arith.constant 0 : i32
      %sign3A_809 = arith.cmpi sgt, %add3A_805, %sign3A_808 : i32
      %sign3A_810 = arith.extui %sign3A_809 : i1 to i32
      %sign3A_811 = arith.constant 0 : i32
      %sign3A_812 = arith.cmpi slt, %add3A_805, %sign3A_811 : i32
      %sign3A_813 = arith.extui %sign3A_812 : i1 to i32
      %sign3A_814 = arith.subi %sign3A_810, %sign3A_813 : i32
      %sign3A_815 = arith.constant 0 : i32
      %sign3A_816 = arith.cmpi sgt, %jit3A_806, %sign3A_815 : i32
      %sign3A_817 = arith.extui %sign3A_816 : i1 to i32
      %sign3A_818 = arith.constant 0 : i32
      %sign3A_819 = arith.cmpi slt, %jit3A_806, %sign3A_818 : i32
      %sign3A_820 = arith.extui %sign3A_819 : i1 to i32
      %sign3A_821 = arith.subi %sign3A_817, %sign3A_820 : i32
      %ne3A_822 = arith.cmpi ne, %sign3A_814, %sign3A_821 : i32
      %rem3A_823 = arith.remsi %add3A_805, %jit3A_806 : i32
      %ne3A_824 = arith.constant 0 : i32
      %ne3A_825 = arith.cmpi ne, %rem3A_823, %ne3A_824 : i32
      %and3A_826 = arith.andi %ne3A_822, %ne3A_825 : i1
      %sub3A_827 = arith.constant 1 : i32
      %sub3A_828 = arith.subi %div3A_807, %sub3A_827 : i32
      %select_n3A_829 = arith.select %and3A_826, %sub3A_828, %div3A_807 : i32
      %get3A_830 = arith.constant 0 : i32
      %get3A_831 = arith.index_cast %select_n3A_829 : i32 to index
      %get3A_832 = arith.index_cast %get3A_830 : i32 to index
      %get3A_833 = arith.constant 0 : index
      %get3A_834 = tpu.vector_load %arg14[%get3A_831, %get3A_832, %get3A_833] {strides = array<i32>} : memref<79x1x128xi32, #tpu.memory_space<vmem>>, vector<1x1x16xi32>,
      %get3A_835 = vector.shape_cast %get3A_834 : vector<1x1x16xi32> to vector<16xi32>
      %swap3A_836 = arith.constant 0 : index
      %swap3A_837 = tpu.vector_load %arg19[%swap3A_836] {strides = array<i32>} : memref<32xi32, #tpu.memory_space<vmem>>, vector<16xi32>,
      %swap3A_838 = vector.shape_cast %swap3A_837 : vector<16xi32> to vector<16xi32>
      %swap3A_839 = vector.shape_cast %get3A_835 : vector<16xi32> to vector<16xi32>
      tpu.vector_store %arg19[%swap3A_836], %swap3A_839 {strides = array<i32>} : memref<32xi32, #tpu.memory_space<vmem>>, vector<16xi32>,
      %jit3A_840 = arith.constant 4 : i32
      %div3A_841 = arith.divsi %add3A_805, %jit3A_840 : i32
      %sign3A_842 = arith.constant 0 : i32
      %sign3A_843 = arith.cmpi sgt, %add3A_805, %sign3A_842 : i32
      %sign3A_844 = arith.extui %sign3A_843 : i1 to i32
      %sign3A_845 = arith.constant 0 : i32
      %sign3A_846 = arith.cmpi slt, %add3A_805, %sign3A_845 : i32
      %sign3A_847 = arith.extui %sign3A_846 : i1 to i32
      %sign3A_848 = arith.subi %sign3A_844, %sign3A_847 : i32
      %sign3A_849 = arith.constant 0 : i32
      %sign3A_850 = arith.cmpi sgt, %jit3A_840, %sign3A_849 : i32
      %sign3A_851 = arith.extui %sign3A_850 : i1 to i32
      %sign3A_852 = arith.constant 0 : i32
      %sign3A_853 = arith.cmpi slt, %jit3A_840, %sign3A_852 : i32
      %sign3A_854 = arith.extui %sign3A_853 : i1 to i32
      %sign3A_855 = arith.subi %sign3A_851, %sign3A_854 : i32
      %ne3A_856 = arith.cmpi ne, %sign3A_848, %sign3A_855 : i32
      %rem3A_857 = arith.remsi %add3A_805, %jit3A_840 : i32
      %ne3A_858 = arith.constant 0 : i32
      %ne3A_859 = arith.cmpi ne, %rem3A_857, %ne3A_858 : i32
      %and3A_860 = arith.andi %ne3A_856, %ne3A_859 : i1
      %sub3A_861 = arith.constant 1 : i32
      %sub3A_862 = arith.subi %div3A_841, %sub3A_861 : i32
      %select_n3A_863 = arith.select %and3A_860, %sub3A_862, %div3A_841 : i32
      %get3A_864 = arith.constant 0 : i32
      %get3A_865 = arith.index_cast %select_n3A_863 : i32 to index
      %get3A_866 = arith.index_cast %get3A_864 : i32 to index
      %get3A_867 = arith.constant 16 : index
      %get3A_868 = tpu.vector_load %arg14[%get3A_865, %get3A_866, %get3A_867] {strides = array<i32>} : memref<79x1x128xi32, #tpu.memory_space<vmem>>, vector<1x1x16xi32>,
      %get3A_869 = vector.shape_cast %get3A_868 : vector<1x1x16xi32> to vector<16xi32>
      %swap3A_870 = arith.constant 16 : index
      %swap3A_871 = tpu.vector_load %arg19[%swap3A_870] {strides = array<i32>} : memref<32xi32, #tpu.memory_space<vmem>>, vector<16xi32>,
      %swap3A_872 = vector.shape_cast %swap3A_871 : vector<16xi32> to vector<16xi32>
      %swap3A_873 = vector.shape_cast %get3A_869 : vector<16xi32> to vector<16xi32>
      tpu.vector_store %arg19[%swap3A_870], %swap3A_873 {strides = array<i32>} : memref<32xi32, #tpu.memory_space<vmem>>, vector<16xi32>,
      %dma_start3A_874 = arith.constant 0 : i32
      %dma_start3A_875 = arith.constant 0 : i32
      %dma_start3A_876 = tpu.memref_slice %arg5[%dma_start3A_874, %dma_start3A_875] : memref<10000x128xf32, #tpu.memory_space<vmem_shared>> -> memref<10000x128xf32, #tpu.memory_space<vmem_shared>>
      tpu.enqueue_indirect_dma source(%arg10 : memref<32x128xf32, #tpu.memory_space<vmem>>) target(%dma_start3A_876 : memref<10000x128xf32, #tpu.memory_space<vmem_shared>>) offsets(%arg19 : memref<32xi32, #tpu.memory_space<vmem>>) semaphore(%arg36 : memref<!tpu.dma_semaphore, #tpu.memory_space<semaphore_mem>>) {add = true}
      %dma_wait3A_877 = arith.constant 0 : i32
      %dma_wait3A_878 = arith.constant 0 : i32
      %dma_wait3A_879 = tpu.memref_slice %arg2[%dma_wait3A_877, %dma_wait3A_878] : memref<320000x128xf32, #tpu.memory_space<hbm>> -> memref<32x128xf32, #tpu.memory_space<hbm>>
      %dma_wait3A_880 = arith.constant 0 : i32
      %dma_wait3A_881 = arith.constant 0 : i32
      %dma_wait3A_882 = tpu.memref_slice %arg2[%dma_wait3A_880, %dma_wait3A_881] : memref<320000x128xf32, #tpu.memory_space<hbm>> -> memref<32x128xf32, #tpu.memory_space<hbm>>
      tpu.wait_dma2 semaphore(%arg28 : memref<!tpu.dma_semaphore, #tpu.memory_space<semaphore_mem>>) src(%dma_wait3A_882 : memref<32x128xf32, #tpu.memory_space<hbm>>) dst(%arg11 : memref<32x128xf32, #tpu.memory_space<vmem>>)
      %add3A_883 = arith.constant 5 : i32
      %add3A_884 = arith.addi %mul3A_483, %add3A_883 : i32
      %jit3A_885 = arith.constant 4 : i32
      %div3A_886 = arith.divsi %add3A_884, %jit3A_885 : i32
      %sign3A_887 = arith.constant 0 : i32
      %sign3A_888 = arith.cmpi sgt, %add3A_884, %sign3A_887 : i32
      %sign3A_889 = arith.extui %sign3A_888 : i1 to i32
      %sign3A_890 = arith.constant 0 : i32
      %sign3A_891 = arith.cmpi slt, %add3A_884, %sign3A_890 : i32
      %sign3A_892 = arith.extui %sign3A_891 : i1 to i32
      %sign3A_893 = arith.subi %sign3A_889, %sign3A_892 : i32
      %sign3A_894 = arith.constant 0 : i32
      %sign3A_895 = arith.cmpi sgt, %jit3A_885, %sign3A_894 : i32
      %sign3A_896 = arith.extui %sign3A_895 : i1 to i32
      %sign3A_897 = arith.constant 0 : i32
      %sign3A_898 = arith.cmpi slt, %jit3A_885, %sign3A_897 : i32
      %sign3A_899 = arith.extui %sign3A_898 : i1 to i32
      %sign3A_900 = arith.subi %sign3A_896, %sign3A_899 : i32
      %ne3A_901 = arith.cmpi ne, %sign3A_893, %sign3A_900 : i32
      %rem3A_902 = arith.remsi %add3A_884, %jit3A_885 : i32
      %ne3A_903 = arith.constant 0 : i32
      %ne3A_904 = arith.cmpi ne, %rem3A_902, %ne3A_903 : i32
      %and3A_905 = arith.andi %ne3A_901, %ne3A_904 : i1
      %sub3A_906 = arith.constant 1 : i32
      %sub3A_907 = arith.subi %div3A_886, %sub3A_906 : i32
      %select_n3A_908 = arith.select %and3A_905, %sub3A_907, %div3A_886 : i32
      %get3A_909 = arith.constant 0 : i32
      %get3A_910 = arith.index_cast %select_n3A_908 : i32 to index
      %get3A_911 = arith.index_cast %get3A_909 : i32 to index
      %get3A_912 = arith.constant 32 : index
      %get3A_913 = tpu.vector_load %arg14[%get3A_910, %get3A_911, %get3A_912] {strides = array<i32>} : memref<79x1x128xi32, #tpu.memory_space<vmem>>, vector<1x1x16xi32>,
      %get3A_914 = vector.shape_cast %get3A_913 : vector<1x1x16xi32> to vector<16xi32>
      %swap3A_915 = arith.constant 0 : index
      %swap3A_916 = tpu.vector_load %arg20[%swap3A_915] {strides = array<i32>} : memref<32xi32, #tpu.memory_space<vmem>>, vector<16xi32>,
      %swap3A_917 = vector.shape_cast %swap3A_916 : vector<16xi32> to vector<16xi32>
      %swap3A_918 = vector.shape_cast %get3A_914 : vector<16xi32> to vector<16xi32>
      tpu.vector_store %arg20[%swap3A_915], %swap3A_918 {strides = array<i32>} : memref<32xi32, #tpu.memory_space<vmem>>, vector<16xi32>,
      %jit3A_919 = arith.constant 4 : i32
      %div3A_920 = arith.divsi %add3A_884, %jit3A_919 : i32
      %sign3A_921 = arith.constant 0 : i32
      %sign3A_922 = arith.cmpi sgt, %add3A_884, %sign3A_921 : i32
      %sign3A_923 = arith.extui %sign3A_922 : i1 to i32
      %sign3A_924 = arith.constant 0 : i32
      %sign3A_925 = arith.cmpi slt, %add3A_884, %sign3A_924 : i32
      %sign3A_926 = arith.extui %sign3A_925 : i1 to i32
      %sign3A_927 = arith.subi %sign3A_923, %sign3A_926 : i32
      %sign3A_928 = arith.constant 0 : i32
      %sign3A_929 = arith.cmpi sgt, %jit3A_919, %sign3A_928 : i32
      %sign3A_930 = arith.extui %sign3A_929 : i1 to i32
      %sign3A_931 = arith.constant 0 : i32
      %sign3A_932 = arith.cmpi slt, %jit3A_919, %sign3A_931 : i32
      %sign3A_933 = arith.extui %sign3A_932 : i1 to i32
      %sign3A_934 = arith.subi %sign3A_930, %sign3A_933 : i32
      %ne3A_935 = arith.cmpi ne, %sign3A_927, %sign3A_934 : i32
      %rem3A_936 = arith.remsi %add3A_884, %jit3A_919 : i32
      %ne3A_937 = arith.constant 0 : i32
      %ne3A_938 = arith.cmpi ne, %rem3A_936, %ne3A_937 : i32
      %and3A_939 = arith.andi %ne3A_935, %ne3A_938 : i1
      %sub3A_940 = arith.constant 1 : i32
      %sub3A_941 = arith.subi %div3A_920, %sub3A_940 : i32
      %select_n3A_942 = arith.select %and3A_939, %sub3A_941, %div3A_920 : i32
      %get3A_943 = arith.constant 0 : i32
      %get3A_944 = arith.index_cast %select_n3A_942 : i32 to index
      %get3A_945 = arith.index_cast %get3A_943 : i32 to index
      %get3A_946 = arith.constant 48 : index
      %get3A_947 = tpu.vector_load %arg14[%get3A_944, %get3A_945, %get3A_946] {strides = array<i32>} : memref<79x1x128xi32, #tpu.memory_space<vmem>>, vector<1x1x16xi32>,
      %get3A_948 = vector.shape_cast %get3A_947 : vector<1x1x16xi32> to vector<16xi32>
      %swap3A_949 = arith.constant 16 : index
      %swap3A_950 = tpu.vector_load %arg20[%swap3A_949] {strides = array<i32>} : memref<32xi32, #tpu.memory_space<vmem>>, vector<16xi32>,
      %swap3A_951 = vector.shape_cast %swap3A_950 : vector<16xi32> to vector<16xi32>
      %swap3A_952 = vector.shape_cast %get3A_948 : vector<16xi32> to vector<16xi32>
      tpu.vector_store %arg20[%swap3A_949], %swap3A_952 {strides = array<i32>} : memref<32xi32, #tpu.memory_space<vmem>>, vector<16xi32>,
      %dma_start3A_953 = arith.constant 0 : i32
      %dma_start3A_954 = arith.constant 0 : i32
      %dma_start3A_955 = tpu.memref_slice %arg5[%dma_start3A_953, %dma_start3A_954] : memref<10000x128xf32, #tpu.memory_space<vmem_shared>> -> memref<10000x128xf32, #tpu.memory_space<vmem_shared>>
      tpu.enqueue_indirect_dma source(%arg11 : memref<32x128xf32, #tpu.memory_space<vmem>>) target(%dma_start3A_955 : memref<10000x128xf32, #tpu.memory_space<vmem_shared>>) offsets(%arg20 : memref<32xi32, #tpu.memory_space<vmem>>) semaphore(%arg37 : memref<!tpu.dma_semaphore, #tpu.memory_space<semaphore_mem>>) {add = true}
      %dma_wait3A_956 = arith.constant 0 : i32
      %dma_wait3A_957 = arith.constant 0 : i32
      %dma_wait3A_958 = tpu.memref_slice %arg2[%dma_wait3A_956, %dma_wait3A_957] : memref<320000x128xf32, #tpu.memory_space<hbm>> -> memref<32x128xf32, #tpu.memory_space<hbm>>
      %dma_wait3A_959 = arith.constant 0 : i32
      %dma_wait3A_960 = arith.constant 0 : i32
      %dma_wait3A_961 = tpu.memref_slice %arg2[%dma_wait3A_959, %dma_wait3A_960] : memref<320000x128xf32, #tpu.memory_space<hbm>> -> memref<32x128xf32, #tpu.memory_space<hbm>>
      tpu.wait_dma2 semaphore(%arg29 : memref<!tpu.dma_semaphore, #tpu.memory_space<semaphore_mem>>) src(%dma_wait3A_961 : memref<32x128xf32, #tpu.memory_space<hbm>>) dst(%arg12 : memref<32x128xf32, #tpu.memory_space<vmem>>)
      %add3A_962 = arith.constant 6 : i32
      %add3A_963 = arith.addi %mul3A_483, %add3A_962 : i32
      %jit3A_964 = arith.constant 4 : i32
      %div3A_965 = arith.divsi %add3A_963, %jit3A_964 : i32
      %sign3A_966 = arith.constant 0 : i32
      %sign3A_967 = arith.cmpi sgt, %add3A_963, %sign3A_966 : i32
      %sign3A_968 = arith.extui %sign3A_967 : i1 to i32
      %sign3A_969 = arith.constant 0 : i32
      %sign3A_970 = arith.cmpi slt, %add3A_963, %sign3A_969 : i32
      %sign3A_971 = arith.extui %sign3A_970 : i1 to i32
      %sign3A_972 = arith.subi %sign3A_968, %sign3A_971 : i32
      %sign3A_973 = arith.constant 0 : i32
      %sign3A_974 = arith.cmpi sgt, %jit3A_964, %sign3A_973 : i32
      %sign3A_975 = arith.extui %sign3A_974 : i1 to i32
      %sign3A_976 = arith.constant 0 : i32
      %sign3A_977 = arith.cmpi slt, %jit3A_964, %sign3A_976 : i32
      %sign3A_978 = arith.extui %sign3A_977 : i1 to i32
      %sign3A_979 = arith.subi %sign3A_975, %sign3A_978 : i32
      %ne3A_980 = arith.cmpi ne, %sign3A_972, %sign3A_979 : i32
      %rem3A_981 = arith.remsi %add3A_963, %jit3A_964 : i32
      %ne3A_982 = arith.constant 0 : i32
      %ne3A_983 = arith.cmpi ne, %rem3A_981, %ne3A_982 : i32
      %and3A_984 = arith.andi %ne3A_980, %ne3A_983 : i1
      %sub3A_985 = arith.constant 1 : i32
      %sub3A_986 = arith.subi %div3A_965, %sub3A_985 : i32
      %select_n3A_987 = arith.select %and3A_984, %sub3A_986, %div3A_965 : i32
      %get3A_988 = arith.constant 0 : i32
      %get3A_989 = arith.index_cast %select_n3A_987 : i32 to index
      %get3A_990 = arith.index_cast %get3A_988 : i32 to index
      %get3A_991 = arith.constant 64 : index
      %get3A_992 = tpu.vector_load %arg14[%get3A_989, %get3A_990, %get3A_991] {strides = array<i32>} : memref<79x1x128xi32, #tpu.memory_space<vmem>>, vector<1x1x16xi32>,
      %get3A_993 = vector.shape_cast %get3A_992 : vector<1x1x16xi32> to vector<16xi32>
      %swap3A_994 = arith.constant 0 : index
      %swap3A_995 = tpu.vector_load %arg21[%swap3A_994] {strides = array<i32>} : memref<32xi32, #tpu.memory_space<vmem>>, vector<16xi32>,
      %swap3A_996 = vector.shape_cast %swap3A_995 : vector<16xi32> to vector<16xi32>
      %swap3A_997 = vector.shape_cast %get3A_993 : vector<16xi32> to vector<16xi32>
      tpu.vector_store %arg21[%swap3A_994], %swap3A_997 {strides = array<i32>} : memref<32xi32, #tpu.memory_space<vmem>>, vector<16xi32>,
      %jit3A_998 = arith.constant 4 : i32
      %div3A_999 = arith.divsi %add3A_963, %jit3A_998 : i32
      %sign3A_1000 = arith.constant 0 : i32
      %sign3A_1001 = arith.cmpi sgt, %add3A_963, %sign3A_1000 : i32
      %sign3A_1002 = arith.extui %sign3A_1001 : i1 to i32
      %sign3A_1003 = arith.constant 0 : i32
      %sign3A_1004 = arith.cmpi slt, %add3A_963, %sign3A_1003 : i32
      %sign3A_1005 = arith.extui %sign3A_1004 : i1 to i32
      %sign3A_1006 = arith.subi %sign3A_1002, %sign3A_1005 : i32
      %sign3A_1007 = arith.constant 0 : i32
      %sign3A_1008 = arith.cmpi sgt, %jit3A_998, %sign3A_1007 : i32
      %sign3A_1009 = arith.extui %sign3A_1008 : i1 to i32
      %sign3A_1010 = arith.constant 0 : i32
      %sign3A_1011 = arith.cmpi slt, %jit3A_998, %sign3A_1010 : i32
      %sign3A_1012 = arith.extui %sign3A_1011 : i1 to i32
      %sign3A_1013 = arith.subi %sign3A_1009, %sign3A_1012 : i32
      %ne3A_1014 = arith.cmpi ne, %sign3A_1006, %sign3A_1013 : i32
      %rem3A_1015 = arith.remsi %add3A_963, %jit3A_998 : i32
      %ne3A_1016 = arith.constant 0 : i32
      %ne3A_1017 = arith.cmpi ne, %rem3A_1015, %ne3A_1016 : i32
      %and3A_1018 = arith.andi %ne3A_1014, %ne3A_1017 : i1
      %sub3A_1019 = arith.constant 1 : i32
      %sub3A_1020 = arith.subi %div3A_999, %sub3A_1019 : i32
      %select_n3A_1021 = arith.select %and3A_1018, %sub3A_1020, %div3A_999 : i32
      %get3A_1022 = arith.constant 0 : i32
      %get3A_1023 = arith.index_cast %select_n3A_1021 : i32 to index
      %get3A_1024 = arith.index_cast %get3A_1022 : i32 to index
      %get3A_1025 = arith.constant 80 : index
      %get3A_1026 = tpu.vector_load %arg14[%get3A_1023, %get3A_1024, %get3A_1025] {strides = array<i32>} : memref<79x1x128xi32, #tpu.memory_space<vmem>>, vector<1x1x16xi32>,
      %get3A_1027 = vector.shape_cast %get3A_1026 : vector<1x1x16xi32> to vector<16xi32>
      %swap3A_1028 = arith.constant 16 : index
      %swap3A_1029 = tpu.vector_load %arg21[%swap3A_1028] {strides = array<i32>} : memref<32xi32, #tpu.memory_space<vmem>>, vector<16xi32>,
      %swap3A_1030 = vector.shape_cast %swap3A_1029 : vector<16xi32> to vector<16xi32>
      %swap3A_1031 = vector.shape_cast %get3A_1027 : vector<16xi32> to vector<16xi32>
      tpu.vector_store %arg21[%swap3A_1028], %swap3A_1031 {strides = array<i32>} : memref<32xi32, #tpu.memory_space<vmem>>, vector<16xi32>,
      %dma_start3A_1032 = arith.constant 0 : i32
      %dma_start3A_1033 = arith.constant 0 : i32
      %dma_start3A_1034 = tpu.memref_slice %arg5[%dma_start3A_1032, %dma_start3A_1033] : memref<10000x128xf32, #tpu.memory_space<vmem_shared>> -> memref<10000x128xf32, #tpu.memory_space<vmem_shared>>
      tpu.enqueue_indirect_dma source(%arg12 : memref<32x128xf32, #tpu.memory_space<vmem>>) target(%dma_start3A_1034 : memref<10000x128xf32, #tpu.memory_space<vmem_shared>>) offsets(%arg21 : memref<32xi32, #tpu.memory_space<vmem>>) semaphore(%arg38 : memref<!tpu.dma_semaphore, #tpu.memory_space<semaphore_mem>>) {add = true}
      %dma_wait3A_1035 = arith.constant 0 : i32
      %dma_wait3A_1036 = arith.constant 0 : i32
      %dma_wait3A_1037 = tpu.memref_slice %arg2[%dma_wait3A_1035, %dma_wait3A_1036] : memref<320000x128xf32, #tpu.memory_space<hbm>> -> memref<32x128xf32, #tpu.memory_space<hbm>>
      %dma_wait3A_1038 = arith.constant 0 : i32
      %dma_wait3A_1039 = arith.constant 0 : i32
      %dma_wait3A_1040 = tpu.memref_slice %arg2[%dma_wait3A_1038, %dma_wait3A_1039] : memref<320000x128xf32, #tpu.memory_space<hbm>> -> memref<32x128xf32, #tpu.memory_space<hbm>>
      tpu.wait_dma2 semaphore(%arg30 : memref<!tpu.dma_semaphore, #tpu.memory_space<semaphore_mem>>) src(%dma_wait3A_1040 : memref<32x128xf32, #tpu.memory_space<hbm>>) dst(%arg13 : memref<32x128xf32, #tpu.memory_space<vmem>>)
      %add3A_1041 = arith.constant 7 : i32
      %add3A_1042 = arith.addi %mul3A_483, %add3A_1041 : i32
      %jit3A_1043 = arith.constant 4 : i32
      %div3A_1044 = arith.divsi %add3A_1042, %jit3A_1043 : i32
      %sign3A_1045 = arith.constant 0 : i32
      %sign3A_1046 = arith.cmpi sgt, %add3A_1042, %sign3A_1045 : i32
      %sign3A_1047 = arith.extui %sign3A_1046 : i1 to i32
      %sign3A_1048 = arith.constant 0 : i32
      %sign3A_1049 = arith.cmpi slt, %add3A_1042, %sign3A_1048 : i32
      %sign3A_1050 = arith.extui %sign3A_1049 : i1 to i32
      %sign3A_1051 = arith.subi %sign3A_1047, %sign3A_1050 : i32
      %sign3A_1052 = arith.constant 0 : i32
      %sign3A_1053 = arith.cmpi sgt, %jit3A_1043, %sign3A_1052 : i32
      %sign3A_1054 = arith.extui %sign3A_1053 : i1 to i32
      %sign3A_1055 = arith.constant 0 : i32
      %sign3A_1056 = arith.cmpi slt, %jit3A_1043, %sign3A_1055 : i32
      %sign3A_1057 = arith.extui %sign3A_1056 : i1 to i32
      %sign3A_1058 = arith.subi %sign3A_1054, %sign3A_1057 : i32
      %ne3A_1059 = arith.cmpi ne, %sign3A_1051, %sign3A_1058 : i32
      %rem3A_1060 = arith.remsi %add3A_1042, %jit3A_1043 : i32
      %ne3A_1061 = arith.constant 0 : i32
      %ne3A_1062 = arith.cmpi ne, %rem3A_1060, %ne3A_1061 : i32
      %and3A_1063 = arith.andi %ne3A_1059, %ne3A_1062 : i1
      %sub3A_1064 = arith.constant 1 : i32
      %sub3A_1065 = arith.subi %div3A_1044, %sub3A_1064 : i32
      %select_n3A_1066 = arith.select %and3A_1063, %sub3A_1065, %div3A_1044 : i32
      %get3A_1067 = arith.constant 0 : i32
      %get3A_1068 = arith.index_cast %select_n3A_1066 : i32 to index
      %get3A_1069 = arith.index_cast %get3A_1067 : i32 to index
      %get3A_1070 = arith.constant 96 : index
      %get3A_1071 = tpu.vector_load %arg14[%get3A_1068, %get3A_1069, %get3A_1070] {strides = array<i32>} : memref<79x1x128xi32, #tpu.memory_space<vmem>>, vector<1x1x16xi32>,
      %get3A_1072 = vector.shape_cast %get3A_1071 : vector<1x1x16xi32> to vector<16xi32>
      %swap3A_1073 = arith.constant 0 : index
      %swap3A_1074 = tpu.vector_load %arg22[%swap3A_1073] {strides = array<i32>} : memref<32xi32, #tpu.memory_space<vmem>>, vector<16xi32>,
      %swap3A_1075 = vector.shape_cast %swap3A_1074 : vector<16xi32> to vector<16xi32>
      %swap3A_1076 = vector.shape_cast %get3A_1072 : vector<16xi32> to vector<16xi32>
      tpu.vector_store %arg22[%swap3A_1073], %swap3A_1076 {strides = array<i32>} : memref<32xi32, #tpu.memory_space<vmem>>, vector<16xi32>,
      %jit3A_1077 = arith.constant 4 : i32
      %div3A_1078 = arith.divsi %add3A_1042, %jit3A_1077 : i32
      %sign3A_1079 = arith.constant 0 : i32
      %sign3A_1080 = arith.cmpi sgt, %add3A_1042, %sign3A_1079 : i32
      %sign3A_1081 = arith.extui %sign3A_1080 : i1 to i32
      %sign3A_1082 = arith.constant 0 : i32
      %sign3A_1083 = arith.cmpi slt, %add3A_1042, %sign3A_1082 : i32
      %sign3A_1084 = arith.extui %sign3A_1083 : i1 to i32
      %sign3A_1085 = arith.subi %sign3A_1081, %sign3A_1084 : i32
      %sign3A_1086 = arith.constant 0 : i32
      %sign3A_1087 = arith.cmpi sgt, %jit3A_1077, %sign3A_1086 : i32
      %sign3A_1088 = arith.extui %sign3A_1087 : i1 to i32
      %sign3A_1089 = arith.constant 0 : i32
      %sign3A_1090 = arith.cmpi slt, %jit3A_1077, %sign3A_1089 : i32
      %sign3A_1091 = arith.extui %sign3A_1090 : i1 to i32
      %sign3A_1092 = arith.subi %sign3A_1088, %sign3A_1091 : i32
      %ne3A_1093 = arith.cmpi ne, %sign3A_1085, %sign3A_1092 : i32
      %rem3A_1094 = arith.remsi %add3A_1042, %jit3A_1077 : i32
      %ne3A_1095 = arith.constant 0 : i32
      %ne3A_1096 = arith.cmpi ne, %rem3A_1094, %ne3A_1095 : i32
      %and3A_1097 = arith.andi %ne3A_1093, %ne3A_1096 : i1
      %sub3A_1098 = arith.constant 1 : i32
      %sub3A_1099 = arith.subi %div3A_1078, %sub3A_1098 : i32
      %select_n3A_1100 = arith.select %and3A_1097, %sub3A_1099, %div3A_1078 : i32
      %get3A_1101 = arith.constant 0 : i32
      %get3A_1102 = arith.index_cast %select_n3A_1100 : i32 to index
      %get3A_1103 = arith.index_cast %get3A_1101 : i32 to index
      %get3A_1104 = arith.constant 112 : index
      %get3A_1105 = tpu.vector_load %arg14[%get3A_1102, %get3A_1103, %get3A_1104] {strides = array<i32>} : memref<79x1x128xi32, #tpu.memory_space<vmem>>, vector<1x1x16xi32>,
      %get3A_1106 = vector.shape_cast %get3A_1105 : vector<1x1x16xi32> to vector<16xi32>
      %swap3A_1107 = arith.constant 16 : index
      %swap3A_1108 = tpu.vector_load %arg22[%swap3A_1107] {strides = array<i32>} : memref<32xi32, #tpu.memory_space<vmem>>, vector<16xi32>,
      %swap3A_1109 = vector.shape_cast %swap3A_1108 : vector<16xi32> to vector<16xi32>
      %swap3A_1110 = vector.shape_cast %get3A_1106 : vector<16xi32> to vector<16xi32>
      tpu.vector_store %arg22[%swap3A_1107], %swap3A_1110 {strides = array<i32>} : memref<32xi32, #tpu.memory_space<vmem>>, vector<16xi32>,
      %dma_start3A_1111 = arith.constant 0 : i32
      %dma_start3A_1112 = arith.constant 0 : i32
      %dma_start3A_1113 = tpu.memref_slice %arg5[%dma_start3A_1111, %dma_start3A_1112] : memref<10000x128xf32, #tpu.memory_space<vmem_shared>> -> memref<10000x128xf32, #tpu.memory_space<vmem_shared>>
      tpu.enqueue_indirect_dma source(%arg13 : memref<32x128xf32, #tpu.memory_space<vmem>>) target(%dma_start3A_1113 : memref<10000x128xf32, #tpu.memory_space<vmem_shared>>) offsets(%arg22 : memref<32xi32, #tpu.memory_space<vmem>>) semaphore(%arg39 : memref<!tpu.dma_semaphore, #tpu.memory_space<semaphore_mem>>) {add = true}
      %dma_wait3A_1114 = arith.constant 0 : i32
      %dma_wait3A_1115 = arith.constant 0 : i32
      %dma_wait3A_1116 = tpu.memref_slice %arg5[%dma_wait3A_1114, %dma_wait3A_1115] : memref<10000x128xf32, #tpu.memory_space<vmem_shared>> -> memref<10000x128xf32, #tpu.memory_space<vmem_shared>>
      tpu.wait_indirect_dma semaphore(%arg32 : memref<!tpu.dma_semaphore, #tpu.memory_space<semaphore_mem>>) src(%arg6 : memref<32x128xf32, #tpu.memory_space<vmem>>) dst(%dma_wait3A_1116 : memref<10000x128xf32, #tpu.memory_space<vmem_shared>>)
      %add3A_1117 = arith.constant 8 : i32
      %add3A_1118 = arith.addi %mul3A_483, %add3A_1117 : i32
      %add3A_1119 = arith.constant 0 : i32
      %add3A_1120 = arith.addi %add3A_1118, %add3A_1119 : i32
      %lt3A_1121 = arith.cmpi slt, %add3A_1120, %select_n3A : i32
      %convert_element_type3A_1122 = arith.extui %lt3A_1121 : i1 to i32
      %cond3A_1123 = arith.constant 0 : i32
      %cond3A_1124 = arith.cmpi ne, %convert_element_type3A_1122, %cond3A_1123 : i32
      scf.if %cond3A_1124 {
        %add3A_1202 = arith.constant 8 : i32
        %add3A_1203 = arith.addi %mul3A_483, %add3A_1202 : i32
        %add3A_1204 = arith.constant 0 : i32
        %add3A_1205 = arith.addi %add3A_1203, %add3A_1204 : i32
        %add3A_1206 = arith.addi %add3A_212, %add3A_1205 : i32
        %mul3A_1207 = arith.constant 32 : i32
        %mul3A_1208 = arith.muli %add3A_1206, %mul3A_1207 : i32
        %dma_start3A_1209 = arith.constant 0 : i32
        %dma_start3A_1210 = tpu.memref_slice %arg2[%mul3A_1208, %dma_start3A_1209] : memref<320000x128xf32, #tpu.memory_space<hbm>> -> memref<32x128xf32, #tpu.memory_space<hbm>>
        %dma_start3A_1211 = arith.constant 0 : i32
        %dma_start3A_1212 = tpu.memref_slice %arg2[%mul3A_1208, %dma_start3A_1211] : memref<320000x128xf32, #tpu.memory_space<hbm>> -> memref<32x128xf32, #tpu.memory_space<hbm>>
        tpu.enqueue_dma source(%dma_start3A_1212 : memref<32x128xf32, #tpu.memory_space<hbm>>) target(%arg6 : memref<32x128xf32, #tpu.memory_space<vmem>>) target_semaphore(%arg23 : memref<!tpu.dma_semaphore, #tpu.memory_space<semaphore_mem>>)
      } else {
      }
      %dma_wait3A_1125 = arith.constant 0 : i32
      %dma_wait3A_1126 = arith.constant 0 : i32
      %dma_wait3A_1127 = tpu.memref_slice %arg5[%dma_wait3A_1125, %dma_wait3A_1126] : memref<10000x128xf32, #tpu.memory_space<vmem_shared>> -> memref<10000x128xf32, #tpu.memory_space<vmem_shared>>
      tpu.wait_indirect_dma semaphore(%arg33 : memref<!tpu.dma_semaphore, #tpu.memory_space<semaphore_mem>>) src(%arg7 : memref<32x128xf32, #tpu.memory_space<vmem>>) dst(%dma_wait3A_1127 : memref<10000x128xf32, #tpu.memory_space<vmem_shared>>)
      %add3A_1128 = arith.constant 8 : i32
      %add3A_1129 = arith.addi %mul3A_483, %add3A_1128 : i32
      %add3A_1130 = arith.constant 1 : i32
      %add3A_1131 = arith.addi %add3A_1129, %add3A_1130 : i32
      %lt3A_1132 = arith.cmpi slt, %add3A_1131, %select_n3A : i32
      %convert_element_type3A_1133 = arith.extui %lt3A_1132 : i1 to i32
      %cond3A_1134 = arith.constant 0 : i32
      %cond3A_1135 = arith.cmpi ne, %convert_element_type3A_1133, %cond3A_1134 : i32
      scf.if %cond3A_1135 {
        %add3A_1202 = arith.constant 8 : i32
        %add3A_1203 = arith.addi %mul3A_483, %add3A_1202 : i32
        %add3A_1204 = arith.constant 1 : i32
        %add3A_1205 = arith.addi %add3A_1203, %add3A_1204 : i32
        %add3A_1206 = arith.addi %add3A_212, %add3A_1205 : i32
        %mul3A_1207 = arith.constant 32 : i32
        %mul3A_1208 = arith.muli %add3A_1206, %mul3A_1207 : i32
        %dma_start3A_1209 = arith.constant 0 : i32
        %dma_start3A_1210 = tpu.memref_slice %arg2[%mul3A_1208, %dma_start3A_1209] : memref<320000x128xf32, #tpu.memory_space<hbm>> -> memref<32x128xf32, #tpu.memory_space<hbm>>
        %dma_start3A_1211 = arith.constant 0 : i32
        %dma_start3A_1212 = tpu.memref_slice %arg2[%mul3A_1208, %dma_start3A_1211] : memref<320000x128xf32, #tpu.memory_space<hbm>> -> memref<32x128xf32, #tpu.memory_space<hbm>>
        tpu.enqueue_dma source(%dma_start3A_1212 : memref<32x128xf32, #tpu.memory_space<hbm>>) target(%arg7 : memref<32x128xf32, #tpu.memory_space<vmem>>) target_semaphore(%arg24 : memref<!tpu.dma_semaphore, #tpu.memory_space<semaphore_mem>>)
      } else {
      }
      %dma_wait3A_1136 = arith.constant 0 : i32
      %dma_wait3A_1137 = arith.constant 0 : i32
      %dma_wait3A_1138 = tpu.memref_slice %arg5[%dma_wait3A_1136, %dma_wait3A_1137] : memref<10000x128xf32, #tpu.memory_space<vmem_shared>> -> memref<10000x128xf32, #tpu.memory_space<vmem_shared>>
      tpu.wait_indirect_dma semaphore(%arg34 : memref<!tpu.dma_semaphore, #tpu.memory_space<semaphore_mem>>) src(%arg8 : memref<32x128xf32, #tpu.memory_space<vmem>>) dst(%dma_wait3A_1138 : memref<10000x128xf32, #tpu.memory_space<vmem_shared>>)
      %add3A_1139 = arith.constant 8 : i32
      %add3A_1140 = arith.addi %mul3A_483, %add3A_1139 : i32
      %add3A_1141 = arith.constant 2 : i32
      %add3A_1142 = arith.addi %add3A_1140, %add3A_1141 : i32
      %lt3A_1143 = arith.cmpi slt, %add3A_1142, %select_n3A : i32
      %convert_element_type3A_1144 = arith.extui %lt3A_1143 : i1 to i32
      %cond3A_1145 = arith.constant 0 : i32
      %cond3A_1146 = arith.cmpi ne, %convert_element_type3A_1144, %cond3A_1145 : i32
      scf.if %cond3A_1146 {
        %add3A_1202 = arith.constant 8 : i32
        %add3A_1203 = arith.addi %mul3A_483, %add3A_1202 : i32
        %add3A_1204 = arith.constant 2 : i32
        %add3A_1205 = arith.addi %add3A_1203, %add3A_1204 : i32
        %add3A_1206 = arith.addi %add3A_212, %add3A_1205 : i32
        %mul3A_1207 = arith.constant 32 : i32
        %mul3A_1208 = arith.muli %add3A_1206, %mul3A_1207 : i32
        %dma_start3A_1209 = arith.constant 0 : i32
        %dma_start3A_1210 = tpu.memref_slice %arg2[%mul3A_1208, %dma_start3A_1209] : memref<320000x128xf32, #tpu.memory_space<hbm>> -> memref<32x128xf32, #tpu.memory_space<hbm>>
        %dma_start3A_1211 = arith.constant 0 : i32
        %dma_start3A_1212 = tpu.memref_slice %arg2[%mul3A_1208, %dma_start3A_1211] : memref<320000x128xf32, #tpu.memory_space<hbm>> -> memref<32x128xf32, #tpu.memory_space<hbm>>
        tpu.enqueue_dma source(%dma_start3A_1212 : memref<32x128xf32, #tpu.memory_space<hbm>>) target(%arg8 : memref<32x128xf32, #tpu.memory_space<vmem>>) target_semaphore(%arg25 : memref<!tpu.dma_semaphore, #tpu.memory_space<semaphore_mem>>)
      } else {
      }
      %dma_wait3A_1147 = arith.constant 0 : i32
      %dma_wait3A_1148 = arith.constant 0 : i32
      %dma_wait3A_1149 = tpu.memref_slice %arg5[%dma_wait3A_1147, %dma_wait3A_1148] : memref<10000x128xf32, #tpu.memory_space<vmem_shared>> -> memref<10000x128xf32, #tpu.memory_space<vmem_shared>>
      tpu.wait_indirect_dma semaphore(%arg35 : memref<!tpu.dma_semaphore, #tpu.memory_space<semaphore_mem>>) src(%arg9 : memref<32x128xf32, #tpu.memory_space<vmem>>) dst(%dma_wait3A_1149 : memref<10000x128xf32, #tpu.memory_space<vmem_shared>>)
      %add3A_1150 = arith.constant 8 : i32
      %add3A_1151 = arith.addi %mul3A_483, %add3A_1150 : i32
      %add3A_1152 = arith.constant 3 : i32
      %add3A_1153 = arith.addi %add3A_1151, %add3A_1152 : i32
      %lt3A_1154 = arith.cmpi slt, %add3A_1153, %select_n3A : i32
      %convert_element_type3A_1155 = arith.extui %lt3A_1154 : i1 to i32
      %cond3A_1156 = arith.constant 0 : i32
      %cond3A_1157 = arith.cmpi ne, %convert_element_type3A_1155, %cond3A_1156 : i32
      scf.if %cond3A_1157 {
        %add3A_1202 = arith.constant 8 : i32
        %add3A_1203 = arith.addi %mul3A_483, %add3A_1202 : i32
        %add3A_1204 = arith.constant 3 : i32
        %add3A_1205 = arith.addi %add3A_1203, %add3A_1204 : i32
        %add3A_1206 = arith.addi %add3A_212, %add3A_1205 : i32
        %mul3A_1207 = arith.constant 32 : i32
        %mul3A_1208 = arith.muli %add3A_1206, %mul3A_1207 : i32
        %dma_start3A_1209 = arith.constant 0 : i32
        %dma_start3A_1210 = tpu.memref_slice %arg2[%mul3A_1208, %dma_start3A_1209] : memref<320000x128xf32, #tpu.memory_space<hbm>> -> memref<32x128xf32, #tpu.memory_space<hbm>>
        %dma_start3A_1211 = arith.constant 0 : i32
        %dma_start3A_1212 = tpu.memref_slice %arg2[%mul3A_1208, %dma_start3A_1211] : memref<320000x128xf32, #tpu.memory_space<hbm>> -> memref<32x128xf32, #tpu.memory_space<hbm>>
        tpu.enqueue_dma source(%dma_start3A_1212 : memref<32x128xf32, #tpu.memory_space<hbm>>) target(%arg9 : memref<32x128xf32, #tpu.memory_space<vmem>>) target_semaphore(%arg26 : memref<!tpu.dma_semaphore, #tpu.memory_space<semaphore_mem>>)
      } else {
      }
      %dma_wait3A_1158 = arith.constant 0 : i32
      %dma_wait3A_1159 = arith.constant 0 : i32
      %dma_wait3A_1160 = tpu.memref_slice %arg5[%dma_wait3A_1158, %dma_wait3A_1159] : memref<10000x128xf32, #tpu.memory_space<vmem_shared>> -> memref<10000x128xf32, #tpu.memory_space<vmem_shared>>
      tpu.wait_indirect_dma semaphore(%arg36 : memref<!tpu.dma_semaphore, #tpu.memory_space<semaphore_mem>>) src(%arg10 : memref<32x128xf32, #tpu.memory_space<vmem>>) dst(%dma_wait3A_1160 : memref<10000x128xf32, #tpu.memory_space<vmem_shared>>)
      %add3A_1161 = arith.constant 8 : i32
      %add3A_1162 = arith.addi %mul3A_483, %add3A_1161 : i32
      %add3A_1163 = arith.constant 4 : i32
      %add3A_1164 = arith.addi %add3A_1162, %add3A_1163 : i32
      %lt3A_1165 = arith.cmpi slt, %add3A_1164, %select_n3A : i32
      %convert_element_type3A_1166 = arith.extui %lt3A_1165 : i1 to i32
      %cond3A_1167 = arith.constant 0 : i32
      %cond3A_1168 = arith.cmpi ne, %convert_element_type3A_1166, %cond3A_1167 : i32
      scf.if %cond3A_1168 {
        %add3A_1202 = arith.constant 8 : i32
        %add3A_1203 = arith.addi %mul3A_483, %add3A_1202 : i32
        %add3A_1204 = arith.constant 4 : i32
        %add3A_1205 = arith.addi %add3A_1203, %add3A_1204 : i32
        %add3A_1206 = arith.addi %add3A_212, %add3A_1205 : i32
        %mul3A_1207 = arith.constant 32 : i32
        %mul3A_1208 = arith.muli %add3A_1206, %mul3A_1207 : i32
        %dma_start3A_1209 = arith.constant 0 : i32
        %dma_start3A_1210 = tpu.memref_slice %arg2[%mul3A_1208, %dma_start3A_1209] : memref<320000x128xf32, #tpu.memory_space<hbm>> -> memref<32x128xf32, #tpu.memory_space<hbm>>
        %dma_start3A_1211 = arith.constant 0 : i32
        %dma_start3A_1212 = tpu.memref_slice %arg2[%mul3A_1208, %dma_start3A_1211] : memref<320000x128xf32, #tpu.memory_space<hbm>> -> memref<32x128xf32, #tpu.memory_space<hbm>>
        tpu.enqueue_dma source(%dma_start3A_1212 : memref<32x128xf32, #tpu.memory_space<hbm>>) target(%arg10 : memref<32x128xf32, #tpu.memory_space<vmem>>) target_semaphore(%arg27 : memref<!tpu.dma_semaphore, #tpu.memory_space<semaphore_mem>>)
      } else {
      }
      %dma_wait3A_1169 = arith.constant 0 : i32
      %dma_wait3A_1170 = arith.constant 0 : i32
      %dma_wait3A_1171 = tpu.memref_slice %arg5[%dma_wait3A_1169, %dma_wait3A_1170] : memref<10000x128xf32, #tpu.memory_space<vmem_shared>> -> memref<10000x128xf32, #tpu.memory_space<vmem_shared>>
      tpu.wait_indirect_dma semaphore(%arg37 : memref<!tpu.dma_semaphore, #tpu.memory_space<semaphore_mem>>) src(%arg11 : memref<32x128xf32, #tpu.memory_space<vmem>>) dst(%dma_wait3A_1171 : memref<10000x128xf32, #tpu.memory_space<vmem_shared>>)
      %add3A_1172 = arith.constant 8 : i32
      %add3A_1173 = arith.addi %mul3A_483, %add3A_1172 : i32
      %add3A_1174 = arith.constant 5 : i32
      %add3A_1175 = arith.addi %add3A_1173, %add3A_1174 : i32
      %lt3A_1176 = arith.cmpi slt, %add3A_1175, %select_n3A : i32
      %convert_element_type3A_1177 = arith.extui %lt3A_1176 : i1 to i32
      %cond3A_1178 = arith.constant 0 : i32
      %cond3A_1179 = arith.cmpi ne, %convert_element_type3A_1177, %cond3A_1178 : i32
      scf.if %cond3A_1179 {
        %add3A_1202 = arith.constant 8 : i32
        %add3A_1203 = arith.addi %mul3A_483, %add3A_1202 : i32
        %add3A_1204 = arith.constant 5 : i32
        %add3A_1205 = arith.addi %add3A_1203, %add3A_1204 : i32
        %add3A_1206 = arith.addi %add3A_212, %add3A_1205 : i32
        %mul3A_1207 = arith.constant 32 : i32
        %mul3A_1208 = arith.muli %add3A_1206, %mul3A_1207 : i32
        %dma_start3A_1209 = arith.constant 0 : i32
        %dma_start3A_1210 = tpu.memref_slice %arg2[%mul3A_1208, %dma_start3A_1209] : memref<320000x128xf32, #tpu.memory_space<hbm>> -> memref<32x128xf32, #tpu.memory_space<hbm>>
        %dma_start3A_1211 = arith.constant 0 : i32
        %dma_start3A_1212 = tpu.memref_slice %arg2[%mul3A_1208, %dma_start3A_1211] : memref<320000x128xf32, #tpu.memory_space<hbm>> -> memref<32x128xf32, #tpu.memory_space<hbm>>
        tpu.enqueue_dma source(%dma_start3A_1212 : memref<32x128xf32, #tpu.memory_space<hbm>>) target(%arg11 : memref<32x128xf32, #tpu.memory_space<vmem>>) target_semaphore(%arg28 : memref<!tpu.dma_semaphore, #tpu.memory_space<semaphore_mem>>)
      } else {
      }
      %dma_wait3A_1180 = arith.constant 0 : i32
      %dma_wait3A_1181 = arith.constant 0 : i32
      %dma_wait3A_1182 = tpu.memref_slice %arg5[%dma_wait3A_1180, %dma_wait3A_1181] : memref<10000x128xf32, #tpu.memory_space<vmem_shared>> -> memref<10000x128xf32, #tpu.memory_space<vmem_shared>>
      tpu.wait_indirect_dma semaphore(%arg38 : memref<!tpu.dma_semaphore, #tpu.memory_space<semaphore_mem>>) src(%arg12 : memref<32x128xf32, #tpu.memory_space<vmem>>) dst(%dma_wait3A_1182 : memref<10000x128xf32, #tpu.memory_space<vmem_shared>>)
      %add3A_1183 = arith.constant 8 : i32
      %add3A_1184 = arith.addi %mul3A_483, %add3A_1183 : i32
      %add3A_1185 = arith.constant 6 : i32
      %add3A_1186 = arith.addi %add3A_1184, %add3A_1185 : i32
      %lt3A_1187 = arith.cmpi slt, %add3A_1186, %select_n3A : i32
      %convert_element_type3A_1188 = arith.extui %lt3A_1187 : i1 to i32
      %cond3A_1189 = arith.constant 0 : i32
      %cond3A_1190 = arith.cmpi ne, %convert_element_type3A_1188, %cond3A_1189 : i32
      scf.if %cond3A_1190 {
        %add3A_1202 = arith.constant 8 : i32
        %add3A_1203 = arith.addi %mul3A_483, %add3A_1202 : i32
        %add3A_1204 = arith.constant 6 : i32
        %add3A_1205 = arith.addi %add3A_1203, %add3A_1204 : i32
        %add3A_1206 = arith.addi %add3A_212, %add3A_1205 : i32
        %mul3A_1207 = arith.constant 32 : i32
        %mul3A_1208 = arith.muli %add3A_1206, %mul3A_1207 : i32
        %dma_start3A_1209 = arith.constant 0 : i32
        %dma_start3A_1210 = tpu.memref_slice %arg2[%mul3A_1208, %dma_start3A_1209] : memref<320000x128xf32, #tpu.memory_space<hbm>> -> memref<32x128xf32, #tpu.memory_space<hbm>>
        %dma_start3A_1211 = arith.constant 0 : i32
        %dma_start3A_1212 = tpu.memref_slice %arg2[%mul3A_1208, %dma_start3A_1211] : memref<320000x128xf32, #tpu.memory_space<hbm>> -> memref<32x128xf32, #tpu.memory_space<hbm>>
        tpu.enqueue_dma source(%dma_start3A_1212 : memref<32x128xf32, #tpu.memory_space<hbm>>) target(%arg12 : memref<32x128xf32, #tpu.memory_space<vmem>>) target_semaphore(%arg29 : memref<!tpu.dma_semaphore, #tpu.memory_space<semaphore_mem>>)
      } else {
      }
      %dma_wait3A_1191 = arith.constant 0 : i32
      %dma_wait3A_1192 = arith.constant 0 : i32
      %dma_wait3A_1193 = tpu.memref_slice %arg5[%dma_wait3A_1191, %dma_wait3A_1192] : memref<10000x128xf32, #tpu.memory_space<vmem_shared>> -> memref<10000x128xf32, #tpu.memory_space<vmem_shared>>
      tpu.wait_indirect_dma semaphore(%arg39 : memref<!tpu.dma_semaphore, #tpu.memory_space<semaphore_mem>>) src(%arg13 : memref<32x128xf32, #tpu.memory_space<vmem>>) dst(%dma_wait3A_1193 : memref<10000x128xf32, #tpu.memory_space<vmem_shared>>)
      %add3A_1194 = arith.constant 8 : i32
      %add3A_1195 = arith.addi %mul3A_483, %add3A_1194 : i32
      %add3A_1196 = arith.constant 7 : i32
      %add3A_1197 = arith.addi %add3A_1195, %add3A_1196 : i32
      %lt3A_1198 = arith.cmpi slt, %add3A_1197, %select_n3A : i32
      %convert_element_type3A_1199 = arith.extui %lt3A_1198 : i1 to i32
      %cond3A_1200 = arith.constant 0 : i32
      %cond3A_1201 = arith.cmpi ne, %convert_element_type3A_1199, %cond3A_1200 : i32
      scf.if %cond3A_1201 {
        %add3A_1202 = arith.constant 8 : i32
        %add3A_1203 = arith.addi %mul3A_483, %add3A_1202 : i32
        %add3A_1204 = arith.constant 7 : i32
        %add3A_1205 = arith.addi %add3A_1203, %add3A_1204 : i32
        %add3A_1206 = arith.addi %add3A_212, %add3A_1205 : i32
        %mul3A_1207 = arith.constant 32 : i32
        %mul3A_1208 = arith.muli %add3A_1206, %mul3A_1207 : i32
        %dma_start3A_1209 = arith.constant 0 : i32
        %dma_start3A_1210 = tpu.memref_slice %arg2[%mul3A_1208, %dma_start3A_1209] : memref<320000x128xf32, #tpu.memory_space<hbm>> -> memref<32x128xf32, #tpu.memory_space<hbm>>
        %dma_start3A_1211 = arith.constant 0 : i32
        %dma_start3A_1212 = tpu.memref_slice %arg2[%mul3A_1208, %dma_start3A_1211] : memref<320000x128xf32, #tpu.memory_space<hbm>> -> memref<32x128xf32, #tpu.memory_space<hbm>>
        tpu.enqueue_dma source(%dma_start3A_1212 : memref<32x128xf32, #tpu.memory_space<hbm>>) target(%arg13 : memref<32x128xf32, #tpu.memory_space<vmem>>) target_semaphore(%arg30 : memref<!tpu.dma_semaphore, #tpu.memory_space<semaphore_mem>>)
      } else {
      }
    }
    %while3A_367 = arith.constant 1 : i32
    scf.for %while3A_479 = %while3A_365 to %while3A_361 step %while3A_367  : i32 {
      %mul3A_480 = arith.muli %while3A_479, %while3A : i32
      %add3A_481 = arith.addi %while3A_358, %mul3A_480 : i32
      %mul3A_482 = arith.constant 8 : i32
      %mul3A_483 = arith.muli %mul3A_482, %add3A_481 : i32
      %dma_wait3A_484 = arith.constant 0 : i32
      %dma_wait3A_485 = arith.constant 0 : i32
      %dma_wait3A_486 = tpu.memref_slice %arg2[%dma_wait3A_484, %dma_wait3A_485] : memref<320000x128xf32, #tpu.memory_space<hbm>> -> memref<32x128xf32, #tpu.memory_space<hbm>>
      %dma_wait3A_487 = arith.constant 0 : i32
      %dma_wait3A_488 = arith.constant 0 : i32
      %dma_wait3A_489 = tpu.memref_slice %arg2[%dma_wait3A_487, %dma_wait3A_488] : memref<320000x128xf32, #tpu.memory_space<hbm>> -> memref<32x128xf32, #tpu.memory_space<hbm>>
      tpu.wait_dma2 semaphore(%arg23 : memref<!tpu.dma_semaphore, #tpu.memory_space<semaphore_mem>>) src(%dma_wait3A_489 : memref<32x128xf32, #tpu.memory_space<hbm>>) dst(%arg6 : memref<32x128xf32, #tpu.memory_space<vmem>>)
      %add3A_490 = arith.constant 0 : i32
      %add3A_491 = arith.addi %mul3A_483, %add3A_490 : i32
      %jit3A_492 = arith.constant 4 : i32
      %div3A_493 = arith.divsi %add3A_491, %jit3A_492 : i32
      %sign3A_494 = arith.constant 0 : i32
      %sign3A_495 = arith.cmpi sgt, %add3A_491, %sign3A_494 : i32
      %sign3A_496 = arith.extui %sign3A_495 : i1 to i32
      %sign3A_497 = arith.constant 0 : i32
      %sign3A_498 = arith.cmpi slt, %add3A_491, %sign3A_497 : i32
      %sign3A_499 = arith.extui %sign3A_498 : i1 to i32
      %sign3A_500 = arith.subi %sign3A_496, %sign3A_499 : i32
      %sign3A_501 = arith.constant 0 : i32
      %sign3A_502 = arith.cmpi sgt, %jit3A_492, %sign3A_501 : i32
      %sign3A_503 = arith.extui %sign3A_502 : i1 to i32
      %sign3A_504 = arith.constant 0 : i32
      %sign3A_505 = arith.cmpi slt, %jit3A_492, %sign3A_504 : i32
      %sign3A_506 = arith.extui %sign3A_505 : i1 to i32
      %sign3A_507 = arith.subi %sign3A_503, %sign3A_506 : i32
      %ne3A_508 = arith.cmpi ne, %sign3A_500, %sign3A_507 : i32
      %rem3A_509 = arith.remsi %add3A_491, %jit3A_492 : i32
      %ne3A_510 = arith.constant 0 : i32
      %ne3A_511 = arith.cmpi ne, %rem3A_509, %ne3A_510 : i32
      %and3A_512 = arith.andi %ne3A_508, %ne3A_511 : i1
      %sub3A_513 = arith.constant 1 : i32
      %sub3A_514 = arith.subi %div3A_493, %sub3A_513 : i32
      %select_n3A_515 = arith.select %and3A_512, %sub3A_514, %div3A_493 : i32
      %get3A = arith.constant 0 : i32
      %get3A_516 = arith.index_cast %select_n3A_515 : i32 to index
      %get3A_517 = arith.index_cast %get3A : i32 to index
      %get3A_518 = arith.constant 0 : index
      %get3A_519 = tpu.vector_load %arg14[%get3A_516, %get3A_517, %get3A_518] {strides = array<i32>} : memref<79x1x128xi32, #tpu.memory_space<vmem>>, vector<1x1x16xi32>,
      %get3A_520 = vector.shape_cast %get3A_519 : vector<1x1x16xi32> to vector<16xi32>
      %swap3A = arith.constant 0 : index
      %swap3A_521 = tpu.vector_load %arg15[%swap3A] {strides = array<i32>} : memref<32xi32, #tpu.memory_space<vmem>>, vector<16xi32>,
      %swap3A_522 = vector.shape_cast %swap3A_521 : vector<16xi32> to vector<16xi32>
      %swap3A_523 = vector.shape_cast %get3A_520 : vector<16xi32> to vector<16xi32>
      tpu.vector_store %arg15[%swap3A], %swap3A_523 {strides = array<i32>} : memref<32xi32, #tpu.memory_space<vmem>>, vector<16xi32>,
      %jit3A_524 = arith.constant 4 : i32
      %div3A_525 = arith.divsi %add3A_491, %jit3A_524 : i32
      %sign3A_526 = arith.constant 0 : i32
      %sign3A_527 = arith.cmpi sgt, %add3A_491, %sign3A_526 : i32
      %sign3A_528 = arith.extui %sign3A_527 : i1 to i32
      %sign3A_529 = arith.constant 0 : i32
      %sign3A_530 = arith.cmpi slt, %add3A_491, %sign3A_529 : i32
      %sign3A_531 = arith.extui %sign3A_530 : i1 to i32
      %sign3A_532 = arith.subi %sign3A_528, %sign3A_531 : i32
      %sign3A_533 = arith.constant 0 : i32
      %sign3A_534 = arith.cmpi sgt, %jit3A_524, %sign3A_533 : i32
      %sign3A_535 = arith.extui %sign3A_534 : i1 to i32
      %sign3A_536 = arith.constant 0 : i32
      %sign3A_537 = arith.cmpi slt, %jit3A_524, %sign3A_536 : i32
      %sign3A_538 = arith.extui %sign3A_537 : i1 to i32
      %sign3A_539 = arith.subi %sign3A_535, %sign3A_538 : i32
      %ne3A_540 = arith.cmpi ne, %sign3A_532, %sign3A_539 : i32
      %rem3A_541 = arith.remsi %add3A_491, %jit3A_524 : i32
      %ne3A_542 = arith.constant 0 : i32
      %ne3A_543 = arith.cmpi ne, %rem3A_541, %ne3A_542 : i32
      %and3A_544 = arith.andi %ne3A_540, %ne3A_543 : i1
      %sub3A_545 = arith.constant 1 : i32
      %sub3A_546 = arith.subi %div3A_525, %sub3A_545 : i32
      %select_n3A_547 = arith.select %and3A_544, %sub3A_546, %div3A_525 : i32
      %get3A_548 = arith.constant 0 : i32
      %get3A_549 = arith.index_cast %select_n3A_547 : i32 to index
      %get3A_550 = arith.index_cast %get3A_548 : i32 to index
      %get3A_551 = arith.constant 16 : index
      %get3A_552 = tpu.vector_load %arg14[%get3A_549, %get3A_550, %get3A_551] {strides = array<i32>} : memref<79x1x128xi32, #tpu.memory_space<vmem>>, vector<1x1x16xi32>,
      %get3A_553 = vector.shape_cast %get3A_552 : vector<1x1x16xi32> to vector<16xi32>
      %swap3A_554 = arith.constant 16 : index
      %swap3A_555 = tpu.vector_load %arg15[%swap3A_554] {strides = array<i32>} : memref<32xi32, #tpu.memory_space<vmem>>, vector<16xi32>,
      %swap3A_556 = vector.shape_cast %swap3A_555 : vector<16xi32> to vector<16xi32>
      %swap3A_557 = vector.shape_cast %get3A_553 : vector<16xi32> to vector<16xi32>
      tpu.vector_store %arg15[%swap3A_554], %swap3A_557 {strides = array<i32>} : memref<32xi32, #tpu.memory_space<vmem>>, vector<16xi32>,
      %dma_start3A_558 = arith.constant 0 : i32
      %dma_start3A_559 = arith.constant 0 : i32
      %dma_start3A_560 = tpu.memref_slice %arg5[%dma_start3A_558, %dma_start3A_559] : memref<10000x128xf32, #tpu.memory_space<vmem_shared>> -> memref<10000x128xf32, #tpu.memory_space<vmem_shared>>
      tpu.enqueue_indirect_dma source(%arg6 : memref<32x128xf32, #tpu.memory_space<vmem>>) target(%dma_start3A_560 : memref<10000x128xf32, #tpu.memory_space<vmem_shared>>) offsets(%arg15 : memref<32xi32, #tpu.memory_space<vmem>>) semaphore(%arg32 : memref<!tpu.dma_semaphore, #tpu.memory_space<semaphore_mem>>) {add = true}
      %dma_wait3A_561 = arith.constant 0 : i32
      %dma_wait3A_562 = arith.constant 0 : i32
      %dma_wait3A_563 = tpu.memref_slice %arg2[%dma_wait3A_561, %dma_wait3A_562] : memref<320000x128xf32, #tpu.memory_space<hbm>> -> memref<32x128xf32, #tpu.memory_space<hbm>>
      %dma_wait3A_564 = arith.constant 0 : i32
      %dma_wait3A_565 = arith.constant 0 : i32
      %dma_wait3A_566 = tpu.memref_slice %arg2[%dma_wait3A_564, %dma_wait3A_565] : memref<320000x128xf32, #tpu.memory_space<hbm>> -> memref<32x128xf32, #tpu.memory_space<hbm>>
      tpu.wait_dma2 semaphore(%arg24 : memref<!tpu.dma_semaphore, #tpu.memory_space<semaphore_mem>>) src(%dma_wait3A_566 : memref<32x128xf32, #tpu.memory_space<hbm>>) dst(%arg7 : memref<32x128xf32, #tpu.memory_space<vmem>>)
      %add3A_567 = arith.constant 1 : i32
      %add3A_568 = arith.addi %mul3A_483, %add3A_567 : i32
      %jit3A_569 = arith.constant 4 : i32
      %div3A_570 = arith.divsi %add3A_568, %jit3A_569 : i32
      %sign3A_571 = arith.constant 0 : i32
      %sign3A_572 = arith.cmpi sgt, %add3A_568, %sign3A_571 : i32
      %sign3A_573 = arith.extui %sign3A_572 : i1 to i32
      %sign3A_574 = arith.constant 0 : i32
      %sign3A_575 = arith.cmpi slt, %add3A_568, %sign3A_574 : i32
      %sign3A_576 = arith.extui %sign3A_575 : i1 to i32
      %sign3A_577 = arith.subi %sign3A_573, %sign3A_576 : i32
      %sign3A_578 = arith.constant 0 : i32
      %sign3A_579 = arith.cmpi sgt, %jit3A_569, %sign3A_578 : i32
      %sign3A_580 = arith.extui %sign3A_579 : i1 to i32
      %sign3A_581 = arith.constant 0 : i32
      %sign3A_582 = arith.cmpi slt, %jit3A_569, %sign3A_581 : i32
      %sign3A_583 = arith.extui %sign3A_582 : i1 to i32
      %sign3A_584 = arith.subi %sign3A_580, %sign3A_583 : i32
      %ne3A_585 = arith.cmpi ne, %sign3A_577, %sign3A_584 : i32
      %rem3A_586 = arith.remsi %add3A_568, %jit3A_569 : i32
      %ne3A_587 = arith.constant 0 : i32
      %ne3A_588 = arith.cmpi ne, %rem3A_586, %ne3A_587 : i32
      %and3A_589 = arith.andi %ne3A_585, %ne3A_588 : i1
      %sub3A_590 = arith.constant 1 : i32
      %sub3A_591 = arith.subi %div3A_570, %sub3A_590 : i32
      %select_n3A_592 = arith.select %and3A_589, %sub3A_591, %div3A_570 : i32
      %get3A_593 = arith.constant 0 : i32
      %get3A_594 = arith.index_cast %select_n3A_592 : i32 to index
      %get3A_595 = arith.index_cast %get3A_593 : i32 to index
      %get3A_596 = arith.constant 32 : index
      %get3A_597 = tpu.vector_load %arg14[%get3A_594, %get3A_595, %get3A_596] {strides = array<i32>} : memref<79x1x128xi32, #tpu.memory_space<vmem>>, vector<1x1x16xi32>,
      %get3A_598 = vector.shape_cast %get3A_597 : vector<1x1x16xi32> to vector<16xi32>
      %swap3A_599 = arith.constant 0 : index
      %swap3A_600 = tpu.vector_load %arg16[%swap3A_599] {strides = array<i32>} : memref<32xi32, #tpu.memory_space<vmem>>, vector<16xi32>,
      %swap3A_601 = vector.shape_cast %swap3A_600 : vector<16xi32> to vector<16xi32>
      %swap3A_602 = vector.shape_cast %get3A_598 : vector<16xi32> to vector<16xi32>
      tpu.vector_store %arg16[%swap3A_599], %swap3A_602 {strides = array<i32>} : memref<32xi32, #tpu.memory_space<vmem>>, vector<16xi32>,
      %jit3A_603 = arith.constant 4 : i32
      %div3A_604 = arith.divsi %add3A_568, %jit3A_603 : i32
      %sign3A_605 = arith.constant 0 : i32
      %sign3A_606 = arith.cmpi sgt, %add3A_568, %sign3A_605 : i32
      %sign3A_607 = arith.extui %sign3A_606 : i1 to i32
      %sign3A_608 = arith.constant 0 : i32
      %sign3A_609 = arith.cmpi slt, %add3A_568, %sign3A_608 : i32
      %sign3A_610 = arith.extui %sign3A_609 : i1 to i32
      %sign3A_611 = arith.subi %sign3A_607, %sign3A_610 : i32
      %sign3A_612 = arith.constant 0 : i32
      %sign3A_613 = arith.cmpi sgt, %jit3A_603, %sign3A_612 : i32
      %sign3A_614 = arith.extui %sign3A_613 : i1 to i32
      %sign3A_615 = arith.constant 0 : i32
      %sign3A_616 = arith.cmpi slt, %jit3A_603, %sign3A_615 : i32
      %sign3A_617 = arith.extui %sign3A_616 : i1 to i32
      %sign3A_618 = arith.subi %sign3A_614, %sign3A_617 : i32
      %ne3A_619 = arith.cmpi ne, %sign3A_611, %sign3A_618 : i32
      %rem3A_620 = arith.remsi %add3A_568, %jit3A_603 : i32
      %ne3A_621 = arith.constant 0 : i32
      %ne3A_622 = arith.cmpi ne, %rem3A_620, %ne3A_621 : i32
      %and3A_623 = arith.andi %ne3A_619, %ne3A_622 : i1
      %sub3A_624 = arith.constant 1 : i32
      %sub3A_625 = arith.subi %div3A_604, %sub3A_624 : i32
      %select_n3A_626 = arith.select %and3A_623, %sub3A_625, %div3A_604 : i32
      %get3A_627 = arith.constant 0 : i32
      %get3A_628 = arith.index_cast %select_n3A_626 : i32 to index
      %get3A_629 = arith.index_cast %get3A_627 : i32 to index
      %get3A_630 = arith.constant 48 : index
      %get3A_631 = tpu.vector_load %arg14[%get3A_628, %get3A_629, %get3A_630] {strides = array<i32>} : memref<79x1x128xi32, #tpu.memory_space<vmem>>, vector<1x1x16xi32>,
      %get3A_632 = vector.shape_cast %get3A_631 : vector<1x1x16xi32> to vector<16xi32>
      %swap3A_633 = arith.constant 16 : index
      %swap3A_634 = tpu.vector_load %arg16[%swap3A_633] {strides = array<i32>} : memref<32xi32, #tpu.memory_space<vmem>>, vector<16xi32>,
      %swap3A_635 = vector.shape_cast %swap3A_634 : vector<16xi32> to vector<16xi32>
      %swap3A_636 = vector.shape_cast %get3A_632 : vector<16xi32> to vector<16xi32>
      tpu.vector_store %arg16[%swap3A_633], %swap3A_636 {strides = array<i32>} : memref<32xi32, #tpu.memory_space<vmem>>, vector<16xi32>,
      %dma_start3A_637 = arith.constant 0 : i32
      %dma_start3A_638 = arith.constant 0 : i32
      %dma_start3A_639 = tpu.memref_slice %arg5[%dma_start3A_637, %dma_start3A_638] : memref<10000x128xf32, #tpu.memory_space<vmem_shared>> -> memref<10000x128xf32, #tpu.memory_space<vmem_shared>>
      tpu.enqueue_indirect_dma source(%arg7 : memref<32x128xf32, #tpu.memory_space<vmem>>) target(%dma_start3A_639 : memref<10000x128xf32, #tpu.memory_space<vmem_shared>>) offsets(%arg16 : memref<32xi32, #tpu.memory_space<vmem>>) semaphore(%arg33 : memref<!tpu.dma_semaphore, #tpu.memory_space<semaphore_mem>>) {add = true}
      %dma_wait3A_640 = arith.constant 0 : i32
      %dma_wait3A_641 = arith.constant 0 : i32
      %dma_wait3A_642 = tpu.memref_slice %arg2[%dma_wait3A_640, %dma_wait3A_641] : memref<320000x128xf32, #tpu.memory_space<hbm>> -> memref<32x128xf32, #tpu.memory_space<hbm>>
      %dma_wait3A_643 = arith.constant 0 : i32
      %dma_wait3A_644 = arith.constant 0 : i32
      %dma_wait3A_645 = tpu.memref_slice %arg2[%dma_wait3A_643, %dma_wait3A_644] : memref<320000x128xf32, #tpu.memory_space<hbm>> -> memref<32x128xf32, #tpu.memory_space<hbm>>
      tpu.wait_dma2 semaphore(%arg25 : memref<!tpu.dma_semaphore, #tpu.memory_space<semaphore_mem>>) src(%dma_wait3A_645 : memref<32x128xf32, #tpu.memory_space<hbm>>) dst(%arg8 : memref<32x128xf32, #tpu.memory_space<vmem>>)
      %add3A_646 = arith.constant 2 : i32
      %add3A_647 = arith.addi %mul3A_483, %add3A_646 : i32
      %jit3A_648 = arith.constant 4 : i32
      %div3A_649 = arith.divsi %add3A_647, %jit3A_648 : i32
      %sign3A_650 = arith.constant 0 : i32
      %sign3A_651 = arith.cmpi sgt, %add3A_647, %sign3A_650 : i32
      %sign3A_652 = arith.extui %sign3A_651 : i1 to i32
      %sign3A_653 = arith.constant 0 : i32
      %sign3A_654 = arith.cmpi slt, %add3A_647, %sign3A_653 : i32
      %sign3A_655 = arith.extui %sign3A_654 : i1 to i32
      %sign3A_656 = arith.subi %sign3A_652, %sign3A_655 : i32
      %sign3A_657 = arith.constant 0 : i32
      %sign3A_658 = arith.cmpi sgt, %jit3A_648, %sign3A_657 : i32
      %sign3A_659 = arith.extui %sign3A_658 : i1 to i32
      %sign3A_660 = arith.constant 0 : i32
      %sign3A_661 = arith.cmpi slt, %jit3A_648, %sign3A_660 : i32
      %sign3A_662 = arith.extui %sign3A_661 : i1 to i32
      %sign3A_663 = arith.subi %sign3A_659, %sign3A_662 : i32
      %ne3A_664 = arith.cmpi ne, %sign3A_656, %sign3A_663 : i32
      %rem3A_665 = arith.remsi %add3A_647, %jit3A_648 : i32
      %ne3A_666 = arith.constant 0 : i32
      %ne3A_667 = arith.cmpi ne, %rem3A_665, %ne3A_666 : i32
      %and3A_668 = arith.andi %ne3A_664, %ne3A_667 : i1
      %sub3A_669 = arith.constant 1 : i32
      %sub3A_670 = arith.subi %div3A_649, %sub3A_669 : i32
      %select_n3A_671 = arith.select %and3A_668, %sub3A_670, %div3A_649 : i32
      %get3A_672 = arith.constant 0 : i32
      %get3A_673 = arith.index_cast %select_n3A_671 : i32 to index
      %get3A_674 = arith.index_cast %get3A_672 : i32 to index
      %get3A_675 = arith.constant 64 : index
      %get3A_676 = tpu.vector_load %arg14[%get3A_673, %get3A_674, %get3A_675] {strides = array<i32>} : memref<79x1x128xi32, #tpu.memory_space<vmem>>, vector<1x1x16xi32>,
      %get3A_677 = vector.shape_cast %get3A_676 : vector<1x1x16xi32> to vector<16xi32>
      %swap3A_678 = arith.constant 0 : index
      %swap3A_679 = tpu.vector_load %arg17[%swap3A_678] {strides = array<i32>} : memref<32xi32, #tpu.memory_space<vmem>>, vector<16xi32>,
      %swap3A_680 = vector.shape_cast %swap3A_679 : vector<16xi32> to vector<16xi32>
      %swap3A_681 = vector.shape_cast %get3A_677 : vector<16xi32> to vector<16xi32>
      tpu.vector_store %arg17[%swap3A_678], %swap3A_681 {strides = array<i32>} : memref<32xi32, #tpu.memory_space<vmem>>, vector<16xi32>,
      %jit3A_682 = arith.constant 4 : i32
      %div3A_683 = arith.divsi %add3A_647, %jit3A_682 : i32
      %sign3A_684 = arith.constant 0 : i32
      %sign3A_685 = arith.cmpi sgt, %add3A_647, %sign3A_684 : i32
      %sign3A_686 = arith.extui %sign3A_685 : i1 to i32
      %sign3A_687 = arith.constant 0 : i32
      %sign3A_688 = arith.cmpi slt, %add3A_647, %sign3A_687 : i32
      %sign3A_689 = arith.extui %sign3A_688 : i1 to i32
      %sign3A_690 = arith.subi %sign3A_686, %sign3A_689 : i32
      %sign3A_691 = arith.constant 0 : i32
      %sign3A_692 = arith.cmpi sgt, %jit3A_682, %sign3A_691 : i32
      %sign3A_693 = arith.extui %sign3A_692 : i1 to i32
      %sign3A_694 = arith.constant 0 : i32
      %sign3A_695 = arith.cmpi slt, %jit3A_682, %sign3A_694 : i32
      %sign3A_696 = arith.extui %sign3A_695 : i1 to i32
      %sign3A_697 = arith.subi %sign3A_693, %sign3A_696 : i32
      %ne3A_698 = arith.cmpi ne, %sign3A_690, %sign3A_697 : i32
      %rem3A_699 = arith.remsi %add3A_647, %jit3A_682 : i32
      %ne3A_700 = arith.constant 0 : i32
      %ne3A_701 = arith.cmpi ne, %rem3A_699, %ne3A_700 : i32
      %and3A_702 = arith.andi %ne3A_698, %ne3A_701 : i1
      %sub3A_703 = arith.constant 1 : i32
      %sub3A_704 = arith.subi %div3A_683, %sub3A_703 : i32
      %select_n3A_705 = arith.select %and3A_702, %sub3A_704, %div3A_683 : i32
      %get3A_706 = arith.constant 0 : i32
      %get3A_707 = arith.index_cast %select_n3A_705 : i32 to index
      %get3A_708 = arith.index_cast %get3A_706 : i32 to index
      %get3A_709 = arith.constant 80 : index
      %get3A_710 = tpu.vector_load %arg14[%get3A_707, %get3A_708, %get3A_709] {strides = array<i32>} : memref<79x1x128xi32, #tpu.memory_space<vmem>>, vector<1x1x16xi32>,
      %get3A_711 = vector.shape_cast %get3A_710 : vector<1x1x16xi32> to vector<16xi32>
      %swap3A_712 = arith.constant 16 : index
      %swap3A_713 = tpu.vector_load %arg17[%swap3A_712] {strides = array<i32>} : memref<32xi32, #tpu.memory_space<vmem>>, vector<16xi32>,
      %swap3A_714 = vector.shape_cast %swap3A_713 : vector<16xi32> to vector<16xi32>
      %swap3A_715 = vector.shape_cast %get3A_711 : vector<16xi32> to vector<16xi32>
      tpu.vector_store %arg17[%swap3A_712], %swap3A_715 {strides = array<i32>} : memref<32xi32, #tpu.memory_space<vmem>>, vector<16xi32>,
      %dma_start3A_716 = arith.constant 0 : i32
      %dma_start3A_717 = arith.constant 0 : i32
      %dma_start3A_718 = tpu.memref_slice %arg5[%dma_start3A_716, %dma_start3A_717] : memref<10000x128xf32, #tpu.memory_space<vmem_shared>> -> memref<10000x128xf32, #tpu.memory_space<vmem_shared>>
      tpu.enqueue_indirect_dma source(%arg8 : memref<32x128xf32, #tpu.memory_space<vmem>>) target(%dma_start3A_718 : memref<10000x128xf32, #tpu.memory_space<vmem_shared>>) offsets(%arg17 : memref<32xi32, #tpu.memory_space<vmem>>) semaphore(%arg34 : memref<!tpu.dma_semaphore, #tpu.memory_space<semaphore_mem>>) {add = true}
      %dma_wait3A_719 = arith.constant 0 : i32
      %dma_wait3A_720 = arith.constant 0 : i32
      %dma_wait3A_721 = tpu.memref_slice %arg2[%dma_wait3A_719, %dma_wait3A_720] : memref<320000x128xf32, #tpu.memory_space<hbm>> -> memref<32x128xf32, #tpu.memory_space<hbm>>
      %dma_wait3A_722 = arith.constant 0 : i32
      %dma_wait3A_723 = arith.constant 0 : i32
      %dma_wait3A_724 = tpu.memref_slice %arg2[%dma_wait3A_722, %dma_wait3A_723] : memref<320000x128xf32, #tpu.memory_space<hbm>> -> memref<32x128xf32, #tpu.memory_space<hbm>>
      tpu.wait_dma2 semaphore(%arg26 : memref<!tpu.dma_semaphore, #tpu.memory_space<semaphore_mem>>) src(%dma_wait3A_724 : memref<32x128xf32, #tpu.memory_space<hbm>>) dst(%arg9 : memref<32x128xf32, #tpu.memory_space<vmem>>)
      %add3A_725 = arith.constant 3 : i32
      %add3A_726 = arith.addi %mul3A_483, %add3A_725 : i32
      %jit3A_727 = arith.constant 4 : i32
      %div3A_728 = arith.divsi %add3A_726, %jit3A_727 : i32
      %sign3A_729 = arith.constant 0 : i32
      %sign3A_730 = arith.cmpi sgt, %add3A_726, %sign3A_729 : i32
      %sign3A_731 = arith.extui %sign3A_730 : i1 to i32
      %sign3A_732 = arith.constant 0 : i32
      %sign3A_733 = arith.cmpi slt, %add3A_726, %sign3A_732 : i32
      %sign3A_734 = arith.extui %sign3A_733 : i1 to i32
      %sign3A_735 = arith.subi %sign3A_731, %sign3A_734 : i32
      %sign3A_736 = arith.constant 0 : i32
      %sign3A_737 = arith.cmpi sgt, %jit3A_727, %sign3A_736 : i32
      %sign3A_738 = arith.extui %sign3A_737 : i1 to i32
      %sign3A_739 = arith.constant 0 : i32
      %sign3A_740 = arith.cmpi slt, %jit3A_727, %sign3A_739 : i32
      %sign3A_741 = arith.extui %sign3A_740 : i1 to i32
      %sign3A_742 = arith.subi %sign3A_738, %sign3A_741 : i32
      %ne3A_743 = arith.cmpi ne, %sign3A_735, %sign3A_742 : i32
      %rem3A_744 = arith.remsi %add3A_726, %jit3A_727 : i32
      %ne3A_745 = arith.constant 0 : i32
      %ne3A_746 = arith.cmpi ne, %rem3A_744, %ne3A_745 : i32
      %and3A_747 = arith.andi %ne3A_743, %ne3A_746 : i1
      %sub3A_748 = arith.constant 1 : i32
      %sub3A_749 = arith.subi %div3A_728, %sub3A_748 : i32
      %select_n3A_750 = arith.select %and3A_747, %sub3A_749, %div3A_728 : i32
      %get3A_751 = arith.constant 0 : i32
      %get3A_752 = arith.index_cast %select_n3A_750 : i32 to index
      %get3A_753 = arith.index_cast %get3A_751 : i32 to index
      %get3A_754 = arith.constant 96 : index
      %get3A_755 = tpu.vector_load %arg14[%get3A_752, %get3A_753, %get3A_754] {strides = array<i32>} : memref<79x1x128xi32, #tpu.memory_space<vmem>>, vector<1x1x16xi32>,
      %get3A_756 = vector.shape_cast %get3A_755 : vector<1x1x16xi32> to vector<16xi32>
      %swap3A_757 = arith.constant 0 : index
      %swap3A_758 = tpu.vector_load %arg18[%swap3A_757] {strides = array<i32>} : memref<32xi32, #tpu.memory_space<vmem>>, vector<16xi32>,
      %swap3A_759 = vector.shape_cast %swap3A_758 : vector<16xi32> to vector<16xi32>
      %swap3A_760 = vector.shape_cast %get3A_756 : vector<16xi32> to vector<16xi32>
      tpu.vector_store %arg18[%swap3A_757], %swap3A_760 {strides = array<i32>} : memref<32xi32, #tpu.memory_space<vmem>>, vector<16xi32>,
      %jit3A_761 = arith.constant 4 : i32
      %div3A_762 = arith.divsi %add3A_726, %jit3A_761 : i32
      %sign3A_763 = arith.constant 0 : i32
      %sign3A_764 = arith.cmpi sgt, %add3A_726, %sign3A_763 : i32
      %sign3A_765 = arith.extui %sign3A_764 : i1 to i32
      %sign3A_766 = arith.constant 0 : i32
      %sign3A_767 = arith.cmpi slt, %add3A_726, %sign3A_766 : i32
      %sign3A_768 = arith.extui %sign3A_767 : i1 to i32
      %sign3A_769 = arith.subi %sign3A_765, %sign3A_768 : i32
      %sign3A_770 = arith.constant 0 : i32
      %sign3A_771 = arith.cmpi sgt, %jit3A_761, %sign3A_770 : i32
      %sign3A_772 = arith.extui %sign3A_771 : i1 to i32
      %sign3A_773 = arith.constant 0 : i32
      %sign3A_774 = arith.cmpi slt, %jit3A_761, %sign3A_773 : i32
      %sign3A_775 = arith.extui %sign3A_774 : i1 to i32
      %sign3A_776 = arith.subi %sign3A_772, %sign3A_775 : i32
      %ne3A_777 = arith.cmpi ne, %sign3A_769, %sign3A_776 : i32
      %rem3A_778 = arith.remsi %add3A_726, %jit3A_761 : i32
      %ne3A_779 = arith.constant 0 : i32
      %ne3A_780 = arith.cmpi ne, %rem3A_778, %ne3A_779 : i32
      %and3A_781 = arith.andi %ne3A_777, %ne3A_780 : i1
      %sub3A_782 = arith.constant 1 : i32
      %sub3A_783 = arith.subi %div3A_762, %sub3A_782 : i32
      %select_n3A_784 = arith.select %and3A_781, %sub3A_783, %div3A_762 : i32
      %get3A_785 = arith.constant 0 : i32
      %get3A_786 = arith.index_cast %select_n3A_784 : i32 to index
      %get3A_787 = arith.index_cast %get3A_785 : i32 to index
      %get3A_788 = arith.constant 112 : index
      %get3A_789 = tpu.vector_load %arg14[%get3A_786, %get3A_787, %get3A_788] {strides = array<i32>} : memref<79x1x128xi32, #tpu.memory_space<vmem>>, vector<1x1x16xi32>,
      %get3A_790 = vector.shape_cast %get3A_789 : vector<1x1x16xi32> to vector<16xi32>
      %swap3A_791 = arith.constant 16 : index
      %swap3A_792 = tpu.vector_load %arg18[%swap3A_791] {strides = array<i32>} : memref<32xi32, #tpu.memory_space<vmem>>, vector<16xi32>,
      %swap3A_793 = vector.shape_cast %swap3A_792 : vector<16xi32> to vector<16xi32>
      %swap3A_794 = vector.shape_cast %get3A_790 : vector<16xi32> to vector<16xi32>
      tpu.vector_store %arg18[%swap3A_791], %swap3A_794 {strides = array<i32>} : memref<32xi32, #tpu.memory_space<vmem>>, vector<16xi32>,
      %dma_start3A_795 = arith.constant 0 : i32
      %dma_start3A_796 = arith.constant 0 : i32
      %dma_start3A_797 = tpu.memref_slice %arg5[%dma_start3A_795, %dma_start3A_796] : memref<10000x128xf32, #tpu.memory_space<vmem_shared>> -> memref<10000x128xf32, #tpu.memory_space<vmem_shared>>
      tpu.enqueue_indirect_dma source(%arg9 : memref<32x128xf32, #tpu.memory_space<vmem>>) target(%dma_start3A_797 : memref<10000x128xf32, #tpu.memory_space<vmem_shared>>) offsets(%arg18 : memref<32xi32, #tpu.memory_space<vmem>>) semaphore(%arg35 : memref<!tpu.dma_semaphore, #tpu.memory_space<semaphore_mem>>) {add = true}
      %dma_wait3A_798 = arith.constant 0 : i32
      %dma_wait3A_799 = arith.constant 0 : i32
      %dma_wait3A_800 = tpu.memref_slice %arg2[%dma_wait3A_798, %dma_wait3A_799] : memref<320000x128xf32, #tpu.memory_space<hbm>> -> memref<32x128xf32, #tpu.memory_space<hbm>>
      %dma_wait3A_801 = arith.constant 0 : i32
      %dma_wait3A_802 = arith.constant 0 : i32
      %dma_wait3A_803 = tpu.memref_slice %arg2[%dma_wait3A_801, %dma_wait3A_802] : memref<320000x128xf32, #tpu.memory_space<hbm>> -> memref<32x128xf32, #tpu.memory_space<hbm>>
      tpu.wait_dma2 semaphore(%arg27 : memref<!tpu.dma_semaphore, #tpu.memory_space<semaphore_mem>>) src(%dma_wait3A_803 : memref<32x128xf32, #tpu.memory_space<hbm>>) dst(%arg10 : memref<32x128xf32, #tpu.memory_space<vmem>>)
      %add3A_804 = arith.constant 4 : i32
      %add3A_805 = arith.addi %mul3A_483, %add3A_804 : i32
      %jit3A_806 = arith.constant 4 : i32
      %div3A_807 = arith.divsi %add3A_805, %jit3A_806 : i32
      %sign3A_808 = arith.constant 0 : i32
      %sign3A_809 = arith.cmpi sgt, %add3A_805, %sign3A_808 : i32
      %sign3A_810 = arith.extui %sign3A_809 : i1 to i32
      %sign3A_811 = arith.constant 0 : i32
      %sign3A_812 = arith.cmpi slt, %add3A_805, %sign3A_811 : i32
      %sign3A_813 = arith.extui %sign3A_812 : i1 to i32
      %sign3A_814 = arith.subi %sign3A_810, %sign3A_813 : i32
      %sign3A_815 = arith.constant 0 : i32
      %sign3A_816 = arith.cmpi sgt, %jit3A_806, %sign3A_815 : i32
      %sign3A_817 = arith.extui %sign3A_816 : i1 to i32
      %sign3A_818 = arith.constant 0 : i32
      %sign3A_819 = arith.cmpi slt, %jit3A_806, %sign3A_818 : i32
      %sign3A_820 = arith.extui %sign3A_819 : i1 to i32
      %sign3A_821 = arith.subi %sign3A_817, %sign3A_820 : i32
      %ne3A_822 = arith.cmpi ne, %sign3A_814, %sign3A_821 : i32
      %rem3A_823 = arith.remsi %add3A_805, %jit3A_806 : i32
      %ne3A_824 = arith.constant 0 : i32
      %ne3A_825 = arith.cmpi ne, %rem3A_823, %ne3A_824 : i32
      %and3A_826 = arith.andi %ne3A_822, %ne3A_825 : i1
      %sub3A_827 = arith.constant 1 : i32
      %sub3A_828 = arith.subi %div3A_807, %sub3A_827 : i32
      %select_n3A_829 = arith.select %and3A_826, %sub3A_828, %div3A_807 : i32
      %get3A_830 = arith.constant 0 : i32
      %get3A_831 = arith.index_cast %select_n3A_829 : i32 to index
      %get3A_832 = arith.index_cast %get3A_830 : i32 to index
      %get3A_833 = arith.constant 0 : index
      %get3A_834 = tpu.vector_load %arg14[%get3A_831, %get3A_832, %get3A_833] {strides = array<i32>} : memref<79x1x128xi32, #tpu.memory_space<vmem>>, vector<1x1x16xi32>,
      %get3A_835 = vector.shape_cast %get3A_834 : vector<1x1x16xi32> to vector<16xi32>
      %swap3A_836 = arith.constant 0 : index
      %swap3A_837 = tpu.vector_load %arg19[%swap3A_836] {strides = array<i32>} : memref<32xi32, #tpu.memory_space<vmem>>, vector<16xi32>,
      %swap3A_838 = vector.shape_cast %swap3A_837 : vector<16xi32> to vector<16xi32>
      %swap3A_839 = vector.shape_cast %get3A_835 : vector<16xi32> to vector<16xi32>
      tpu.vector_store %arg19[%swap3A_836], %swap3A_839 {strides = array<i32>} : memref<32xi32, #tpu.memory_space<vmem>>, vector<16xi32>,
      %jit3A_840 = arith.constant 4 : i32
      %div3A_841 = arith.divsi %add3A_805, %jit3A_840 : i32
      %sign3A_842 = arith.constant 0 : i32
      %sign3A_843 = arith.cmpi sgt, %add3A_805, %sign3A_842 : i32
      %sign3A_844 = arith.extui %sign3A_843 : i1 to i32
      %sign3A_845 = arith.constant 0 : i32
      %sign3A_846 = arith.cmpi slt, %add3A_805, %sign3A_845 : i32
      %sign3A_847 = arith.extui %sign3A_846 : i1 to i32
      %sign3A_848 = arith.subi %sign3A_844, %sign3A_847 : i32
      %sign3A_849 = arith.constant 0 : i32
      %sign3A_850 = arith.cmpi sgt, %jit3A_840, %sign3A_849 : i32
      %sign3A_851 = arith.extui %sign3A_850 : i1 to i32
      %sign3A_852 = arith.constant 0 : i32
      %sign3A_853 = arith.cmpi slt, %jit3A_840, %sign3A_852 : i32
      %sign3A_854 = arith.extui %sign3A_853 : i1 to i32
      %sign3A_855 = arith.subi %sign3A_851, %sign3A_854 : i32
      %ne3A_856 = arith.cmpi ne, %sign3A_848, %sign3A_855 : i32
      %rem3A_857 = arith.remsi %add3A_805, %jit3A_840 : i32
      %ne3A_858 = arith.constant 0 : i32
      %ne3A_859 = arith.cmpi ne, %rem3A_857, %ne3A_858 : i32
      %and3A_860 = arith.andi %ne3A_856, %ne3A_859 : i1
      %sub3A_861 = arith.constant 1 : i32
      %sub3A_862 = arith.subi %div3A_841, %sub3A_861 : i32
      %select_n3A_863 = arith.select %and3A_860, %sub3A_862, %div3A_841 : i32
      %get3A_864 = arith.constant 0 : i32
      %get3A_865 = arith.index_cast %select_n3A_863 : i32 to index
      %get3A_866 = arith.index_cast %get3A_864 : i32 to index
      %get3A_867 = arith.constant 16 : index
      %get3A_868 = tpu.vector_load %arg14[%get3A_865, %get3A_866, %get3A_867] {strides = array<i32>} : memref<79x1x128xi32, #tpu.memory_space<vmem>>, vector<1x1x16xi32>,
      %get3A_869 = vector.shape_cast %get3A_868 : vector<1x1x16xi32> to vector<16xi32>
      %swap3A_870 = arith.constant 16 : index
      %swap3A_871 = tpu.vector_load %arg19[%swap3A_870] {strides = array<i32>} : memref<32xi32, #tpu.memory_space<vmem>>, vector<16xi32>,
      %swap3A_872 = vector.shape_cast %swap3A_871 : vector<16xi32> to vector<16xi32>
      %swap3A_873 = vector.shape_cast %get3A_869 : vector<16xi32> to vector<16xi32>
      tpu.vector_store %arg19[%swap3A_870], %swap3A_873 {strides = array<i32>} : memref<32xi32, #tpu.memory_space<vmem>>, vector<16xi32>,
      %dma_start3A_874 = arith.constant 0 : i32
      %dma_start3A_875 = arith.constant 0 : i32
      %dma_start3A_876 = tpu.memref_slice %arg5[%dma_start3A_874, %dma_start3A_875] : memref<10000x128xf32, #tpu.memory_space<vmem_shared>> -> memref<10000x128xf32, #tpu.memory_space<vmem_shared>>
      tpu.enqueue_indirect_dma source(%arg10 : memref<32x128xf32, #tpu.memory_space<vmem>>) target(%dma_start3A_876 : memref<10000x128xf32, #tpu.memory_space<vmem_shared>>) offsets(%arg19 : memref<32xi32, #tpu.memory_space<vmem>>) semaphore(%arg36 : memref<!tpu.dma_semaphore, #tpu.memory_space<semaphore_mem>>) {add = true}
      %dma_wait3A_877 = arith.constant 0 : i32
      %dma_wait3A_878 = arith.constant 0 : i32
      %dma_wait3A_879 = tpu.memref_slice %arg2[%dma_wait3A_877, %dma_wait3A_878] : memref<320000x128xf32, #tpu.memory_space<hbm>> -> memref<32x128xf32, #tpu.memory_space<hbm>>
      %dma_wait3A_880 = arith.constant 0 : i32
      %dma_wait3A_881 = arith.constant 0 : i32
      %dma_wait3A_882 = tpu.memref_slice %arg2[%dma_wait3A_880, %dma_wait3A_881] : memref<320000x128xf32, #tpu.memory_space<hbm>> -> memref<32x128xf32, #tpu.memory_space<hbm>>
      tpu.wait_dma2 semaphore(%arg28 : memref<!tpu.dma_semaphore, #tpu.memory_space<semaphore_mem>>) src(%dma_wait3A_882 : memref<32x128xf32, #tpu.memory_space<hbm>>) dst(%arg11 : memref<32x128xf32, #tpu.memory_space<vmem>>)
      %add3A_883 = arith.constant 5 : i32
      %add3A_884 = arith.addi %mul3A_483, %add3A_883 : i32
      %jit3A_885 = arith.constant 4 : i32
      %div3A_886 = arith.divsi %add3A_884, %jit3A_885 : i32
      %sign3A_887 = arith.constant 0 : i32
      %sign3A_888 = arith.cmpi sgt, %add3A_884, %sign3A_887 : i32
      %sign3A_889 = arith.extui %sign3A_888 : i1 to i32
      %sign3A_890 = arith.constant 0 : i32
      %sign3A_891 = arith.cmpi slt, %add3A_884, %sign3A_890 : i32
      %sign3A_892 = arith.extui %sign3A_891 : i1 to i32
      %sign3A_893 = arith.subi %sign3A_889, %sign3A_892 : i32
      %sign3A_894 = arith.constant 0 : i32
      %sign3A_895 = arith.cmpi sgt, %jit3A_885, %sign3A_894 : i32
      %sign3A_896 = arith.extui %sign3A_895 : i1 to i32
      %sign3A_897 = arith.constant 0 : i32
      %sign3A_898 = arith.cmpi slt, %jit3A_885, %sign3A_897 : i32
      %sign3A_899 = arith.extui %sign3A_898 : i1 to i32
      %sign3A_900 = arith.subi %sign3A_896, %sign3A_899 : i32
      %ne3A_901 = arith.cmpi ne, %sign3A_893, %sign3A_900 : i32
      %rem3A_902 = arith.remsi %add3A_884, %jit3A_885 : i32
      %ne3A_903 = arith.constant 0 : i32
      %ne3A_904 = arith.cmpi ne, %rem3A_902, %ne3A_903 : i32
      %and3A_905 = arith.andi %ne3A_901, %ne3A_904 : i1
      %sub3A_906 = arith.constant 1 : i32
      %sub3A_907 = arith.subi %div3A_886, %sub3A_906 : i32
      %select_n3A_908 = arith.select %and3A_905, %sub3A_907, %div3A_886 : i32
      %get3A_909 = arith.constant 0 : i32
      %get3A_910 = arith.index_cast %select_n3A_908 : i32 to index
      %get3A_911 = arith.index_cast %get3A_909 : i32 to index
      %get3A_912 = arith.constant 32 : index
      %get3A_913 = tpu.vector_load %arg14[%get3A_910, %get3A_911, %get3A_912] {strides = array<i32>} : memref<79x1x128xi32, #tpu.memory_space<vmem>>, vector<1x1x16xi32>,
      %get3A_914 = vector.shape_cast %get3A_913 : vector<1x1x16xi32> to vector<16xi32>
      %swap3A_915 = arith.constant 0 : index
      %swap3A_916 = tpu.vector_load %arg20[%swap3A_915] {strides = array<i32>} : memref<32xi32, #tpu.memory_space<vmem>>, vector<16xi32>,
      %swap3A_917 = vector.shape_cast %swap3A_916 : vector<16xi32> to vector<16xi32>
      %swap3A_918 = vector.shape_cast %get3A_914 : vector<16xi32> to vector<16xi32>
      tpu.vector_store %arg20[%swap3A_915], %swap3A_918 {strides = array<i32>} : memref<32xi32, #tpu.memory_space<vmem>>, vector<16xi32>,
      %jit3A_919 = arith.constant 4 : i32
      %div3A_920 = arith.divsi %add3A_884, %jit3A_919 : i32
      %sign3A_921 = arith.constant 0 : i32
      %sign3A_922 = arith.cmpi sgt, %add3A_884, %sign3A_921 : i32
      %sign3A_923 = arith.extui %sign3A_922 : i1 to i32
      %sign3A_924 = arith.constant 0 : i32
      %sign3A_925 = arith.cmpi slt, %add3A_884, %sign3A_924 : i32
      %sign3A_926 = arith.extui %sign3A_925 : i1 to i32
      %sign3A_927 = arith.subi %sign3A_923, %sign3A_926 : i32
      %sign3A_928 = arith.constant 0 : i32
      %sign3A_929 = arith.cmpi sgt, %jit3A_919, %sign3A_928 : i32
      %sign3A_930 = arith.extui %sign3A_929 : i1 to i32
      %sign3A_931 = arith.constant 0 : i32
      %sign3A_932 = arith.cmpi slt, %jit3A_919, %sign3A_931 : i32
      %sign3A_933 = arith.extui %sign3A_932 : i1 to i32
      %sign3A_934 = arith.subi %sign3A_930, %sign3A_933 : i32
      %ne3A_935 = arith.cmpi ne, %sign3A_927, %sign3A_934 : i32
      %rem3A_936 = arith.remsi %add3A_884, %jit3A_919 : i32
      %ne3A_937 = arith.constant 0 : i32
      %ne3A_938 = arith.cmpi ne, %rem3A_936, %ne3A_937 : i32
      %and3A_939 = arith.andi %ne3A_935, %ne3A_938 : i1
      %sub3A_940 = arith.constant 1 : i32
      %sub3A_941 = arith.subi %div3A_920, %sub3A_940 : i32
      %select_n3A_942 = arith.select %and3A_939, %sub3A_941, %div3A_920 : i32
      %get3A_943 = arith.constant 0 : i32
      %get3A_944 = arith.index_cast %select_n3A_942 : i32 to index
      %get3A_945 = arith.index_cast %get3A_943 : i32 to index
      %get3A_946 = arith.constant 48 : index
      %get3A_947 = tpu.vector_load %arg14[%get3A_944, %get3A_945, %get3A_946] {strides = array<i32>} : memref<79x1x128xi32, #tpu.memory_space<vmem>>, vector<1x1x16xi32>,
      %get3A_948 = vector.shape_cast %get3A_947 : vector<1x1x16xi32> to vector<16xi32>
      %swap3A_949 = arith.constant 16 : index
      %swap3A_950 = tpu.vector_load %arg20[%swap3A_949] {strides = array<i32>} : memref<32xi32, #tpu.memory_space<vmem>>, vector<16xi32>,
      %swap3A_951 = vector.shape_cast %swap3A_950 : vector<16xi32> to vector<16xi32>
      %swap3A_952 = vector.shape_cast %get3A_948 : vector<16xi32> to vector<16xi32>
      tpu.vector_store %arg20[%swap3A_949], %swap3A_952 {strides = array<i32>} : memref<32xi32, #tpu.memory_space<vmem>>, vector<16xi32>,
      %dma_start3A_953 = arith.constant 0 : i32
      %dma_start3A_954 = arith.constant 0 : i32
      %dma_start3A_955 = tpu.memref_slice %arg5[%dma_start3A_953, %dma_start3A_954] : memref<10000x128xf32, #tpu.memory_space<vmem_shared>> -> memref<10000x128xf32, #tpu.memory_space<vmem_shared>>
      tpu.enqueue_indirect_dma source(%arg11 : memref<32x128xf32, #tpu.memory_space<vmem>>) target(%dma_start3A_955 : memref<10000x128xf32, #tpu.memory_space<vmem_shared>>) offsets(%arg20 : memref<32xi32, #tpu.memory_space<vmem>>) semaphore(%arg37 : memref<!tpu.dma_semaphore, #tpu.memory_space<semaphore_mem>>) {add = true}
      %dma_wait3A_956 = arith.constant 0 : i32
      %dma_wait3A_957 = arith.constant 0 : i32
      %dma_wait3A_958 = tpu.memref_slice %arg2[%dma_wait3A_956, %dma_wait3A_957] : memref<320000x128xf32, #tpu.memory_space<hbm>> -> memref<32x128xf32, #tpu.memory_space<hbm>>
      %dma_wait3A_959 = arith.constant 0 : i32
      %dma_wait3A_960 = arith.constant 0 : i32
      %dma_wait3A_961 = tpu.memref_slice %arg2[%dma_wait3A_959, %dma_wait3A_960] : memref<320000x128xf32, #tpu.memory_space<hbm>> -> memref<32x128xf32, #tpu.memory_space<hbm>>
      tpu.wait_dma2 semaphore(%arg29 : memref<!tpu.dma_semaphore, #tpu.memory_space<semaphore_mem>>) src(%dma_wait3A_961 : memref<32x128xf32, #tpu.memory_space<hbm>>) dst(%arg12 : memref<32x128xf32, #tpu.memory_space<vmem>>)
      %add3A_962 = arith.constant 6 : i32
      %add3A_963 = arith.addi %mul3A_483, %add3A_962 : i32
      %jit3A_964 = arith.constant 4 : i32
      %div3A_965 = arith.divsi %add3A_963, %jit3A_964 : i32
      %sign3A_966 = arith.constant 0 : i32
      %sign3A_967 = arith.cmpi sgt, %add3A_963, %sign3A_966 : i32
      %sign3A_968 = arith.extui %sign3A_967 : i1 to i32
      %sign3A_969 = arith.constant 0 : i32
      %sign3A_970 = arith.cmpi slt, %add3A_963, %sign3A_969 : i32
      %sign3A_971 = arith.extui %sign3A_970 : i1 to i32
      %sign3A_972 = arith.subi %sign3A_968, %sign3A_971 : i32
      %sign3A_973 = arith.constant 0 : i32
      %sign3A_974 = arith.cmpi sgt, %jit3A_964, %sign3A_973 : i32
      %sign3A_975 = arith.extui %sign3A_974 : i1 to i32
      %sign3A_976 = arith.constant 0 : i32
      %sign3A_977 = arith.cmpi slt, %jit3A_964, %sign3A_976 : i32
      %sign3A_978 = arith.extui %sign3A_977 : i1 to i32
      %sign3A_979 = arith.subi %sign3A_975, %sign3A_978 : i32
      %ne3A_980 = arith.cmpi ne, %sign3A_972, %sign3A_979 : i32
      %rem3A_981 = arith.remsi %add3A_963, %jit3A_964 : i32
      %ne3A_982 = arith.constant 0 : i32
      %ne3A_983 = arith.cmpi ne, %rem3A_981, %ne3A_982 : i32
      %and3A_984 = arith.andi %ne3A_980, %ne3A_983 : i1
      %sub3A_985 = arith.constant 1 : i32
      %sub3A_986 = arith.subi %div3A_965, %sub3A_985 : i32
      %select_n3A_987 = arith.select %and3A_984, %sub3A_986, %div3A_965 : i32
      %get3A_988 = arith.constant 0 : i32
      %get3A_989 = arith.index_cast %select_n3A_987 : i32 to index
      %get3A_990 = arith.index_cast %get3A_988 : i32 to index
      %get3A_991 = arith.constant 64 : index
      %get3A_992 = tpu.vector_load %arg14[%get3A_989, %get3A_990, %get3A_991] {strides = array<i32>} : memref<79x1x128xi32, #tpu.memory_space<vmem>>, vector<1x1x16xi32>,
      %get3A_993 = vector.shape_cast %get3A_992 : vector<1x1x16xi32> to vector<16xi32>
      %swap3A_994 = arith.constant 0 : index
      %swap3A_995 = tpu.vector_load %arg21[%swap3A_994] {strides = array<i32>} : memref<32xi32, #tpu.memory_space<vmem>>, vector<16xi32>,
      %swap3A_996 = vector.shape_cast %swap3A_995 : vector<16xi32> to vector<16xi32>
      %swap3A_997 = vector.shape_cast %get3A_993 : vector<16xi32> to vector<16xi32>
      tpu.vector_store %arg21[%swap3A_994], %swap3A_997 {strides = array<i32>} : memref<32xi32, #tpu.memory_space<vmem>>, vector<16xi32>,
      %jit3A_998 = arith.constant 4 : i32
      %div3A_999 = arith.divsi %add3A_963, %jit3A_998 : i32
      %sign3A_1000 = arith.constant 0 : i32
      %sign3A_1001 = arith.cmpi sgt, %add3A_963, %sign3A_1000 : i32
      %sign3A_1002 = arith.extui %sign3A_1001 : i1 to i32
      %sign3A_1003 = arith.constant 0 : i32
      %sign3A_1004 = arith.cmpi slt, %add3A_963, %sign3A_1003 : i32
      %sign3A_1005 = arith.extui %sign3A_1004 : i1 to i32
      %sign3A_1006 = arith.subi %sign3A_1002, %sign3A_1005 : i32
      %sign3A_1007 = arith.constant 0 : i32
      %sign3A_1008 = arith.cmpi sgt, %jit3A_998, %sign3A_1007 : i32
      %sign3A_1009 = arith.extui %sign3A_1008 : i1 to i32
      %sign3A_1010 = arith.constant 0 : i32
      %sign3A_1011 = arith.cmpi slt, %jit3A_998, %sign3A_1010 : i32
      %sign3A_1012 = arith.extui %sign3A_1011 : i1 to i32
      %sign3A_1013 = arith.subi %sign3A_1009, %sign3A_1012 : i32
      %ne3A_1014 = arith.cmpi ne, %sign3A_1006, %sign3A_1013 : i32
      %rem3A_1015 = arith.remsi %add3A_963, %jit3A_998 : i32
      %ne3A_1016 = arith.constant 0 : i32
      %ne3A_1017 = arith.cmpi ne, %rem3A_1015, %ne3A_1016 : i32
      %and3A_1018 = arith.andi %ne3A_1014, %ne3A_1017 : i1
      %sub3A_1019 = arith.constant 1 : i32
      %sub3A_1020 = arith.subi %div3A_999, %sub3A_1019 : i32
      %select_n3A_1021 = arith.select %and3A_1018, %sub3A_1020, %div3A_999 : i32
      %get3A_1022 = arith.constant 0 : i32
      %get3A_1023 = arith.index_cast %select_n3A_1021 : i32 to index
      %get3A_1024 = arith.index_cast %get3A_1022 : i32 to index
      %get3A_1025 = arith.constant 80 : index
      %get3A_1026 = tpu.vector_load %arg14[%get3A_1023, %get3A_1024, %get3A_1025] {strides = array<i32>} : memref<79x1x128xi32, #tpu.memory_space<vmem>>, vector<1x1x16xi32>,
      %get3A_1027 = vector.shape_cast %get3A_1026 : vector<1x1x16xi32> to vector<16xi32>
      %swap3A_1028 = arith.constant 16 : index
      %swap3A_1029 = tpu.vector_load %arg21[%swap3A_1028] {strides = array<i32>} : memref<32xi32, #tpu.memory_space<vmem>>, vector<16xi32>,
      %swap3A_1030 = vector.shape_cast %swap3A_1029 : vector<16xi32> to vector<16xi32>
      %swap3A_1031 = vector.shape_cast %get3A_1027 : vector<16xi32> to vector<16xi32>
      tpu.vector_store %arg21[%swap3A_1028], %swap3A_1031 {strides = array<i32>} : memref<32xi32, #tpu.memory_space<vmem>>, vector<16xi32>,
      %dma_start3A_1032 = arith.constant 0 : i32
      %dma_start3A_1033 = arith.constant 0 : i32
      %dma_start3A_1034 = tpu.memref_slice %arg5[%dma_start3A_1032, %dma_start3A_1033] : memref<10000x128xf32, #tpu.memory_space<vmem_shared>> -> memref<10000x128xf32, #tpu.memory_space<vmem_shared>>
      tpu.enqueue_indirect_dma source(%arg12 : memref<32x128xf32, #tpu.memory_space<vmem>>) target(%dma_start3A_1034 : memref<10000x128xf32, #tpu.memory_space<vmem_shared>>) offsets(%arg21 : memref<32xi32, #tpu.memory_space<vmem>>) semaphore(%arg38 : memref<!tpu.dma_semaphore, #tpu.memory_space<semaphore_mem>>) {add = true}
      %dma_wait3A_1035 = arith.constant 0 : i32
      %dma_wait3A_1036 = arith.constant 0 : i32
      %dma_wait3A_1037 = tpu.memref_slice %arg2[%dma_wait3A_1035, %dma_wait3A_1036] : memref<320000x128xf32, #tpu.memory_space<hbm>> -> memref<32x128xf32, #tpu.memory_space<hbm>>
      %dma_wait3A_1038 = arith.constant 0 : i32
      %dma_wait3A_1039 = arith.constant 0 : i32
      %dma_wait3A_1040 = tpu.memref_slice %arg2[%dma_wait3A_1038, %dma_wait3A_1039] : memref<320000x128xf32, #tpu.memory_space<hbm>> -> memref<32x128xf32, #tpu.memory_space<hbm>>
      tpu.wait_dma2 semaphore(%arg30 : memref<!tpu.dma_semaphore, #tpu.memory_space<semaphore_mem>>) src(%dma_wait3A_1040 : memref<32x128xf32, #tpu.memory_space<hbm>>) dst(%arg13 : memref<32x128xf32, #tpu.memory_space<vmem>>)
      %add3A_1041 = arith.constant 7 : i32
      %add3A_1042 = arith.addi %mul3A_483, %add3A_1041 : i32
      %jit3A_1043 = arith.constant 4 : i32
      %div3A_1044 = arith.divsi %add3A_1042, %jit3A_1043 : i32
      %sign3A_1045 = arith.constant 0 : i32
      %sign3A_1046 = arith.cmpi sgt, %add3A_1042, %sign3A_1045 : i32
      %sign3A_1047 = arith.extui %sign3A_1046 : i1 to i32
      %sign3A_1048 = arith.constant 0 : i32
      %sign3A_1049 = arith.cmpi slt, %add3A_1042, %sign3A_1048 : i32
      %sign3A_1050 = arith.extui %sign3A_1049 : i1 to i32
      %sign3A_1051 = arith.subi %sign3A_1047, %sign3A_1050 : i32
      %sign3A_1052 = arith.constant 0 : i32
      %sign3A_1053 = arith.cmpi sgt, %jit3A_1043, %sign3A_1052 : i32
      %sign3A_1054 = arith.extui %sign3A_1053 : i1 to i32
      %sign3A_1055 = arith.constant 0 : i32
      %sign3A_1056 = arith.cmpi slt, %jit3A_1043, %sign3A_1055 : i32
      %sign3A_1057 = arith.extui %sign3A_1056 : i1 to i32
      %sign3A_1058 = arith.subi %sign3A_1054, %sign3A_1057 : i32
      %ne3A_1059 = arith.cmpi ne, %sign3A_1051, %sign3A_1058 : i32
      %rem3A_1060 = arith.remsi %add3A_1042, %jit3A_1043 : i32
      %ne3A_1061 = arith.constant 0 : i32
      %ne3A_1062 = arith.cmpi ne, %rem3A_1060, %ne3A_1061 : i32
      %and3A_1063 = arith.andi %ne3A_1059, %ne3A_1062 : i1
      %sub3A_1064 = arith.constant 1 : i32
      %sub3A_1065 = arith.subi %div3A_1044, %sub3A_1064 : i32
      %select_n3A_1066 = arith.select %and3A_1063, %sub3A_1065, %div3A_1044 : i32
      %get3A_1067 = arith.constant 0 : i32
      %get3A_1068 = arith.index_cast %select_n3A_1066 : i32 to index
      %get3A_1069 = arith.index_cast %get3A_1067 : i32 to index
      %get3A_1070 = arith.constant 96 : index
      %get3A_1071 = tpu.vector_load %arg14[%get3A_1068, %get3A_1069, %get3A_1070] {strides = array<i32>} : memref<79x1x128xi32, #tpu.memory_space<vmem>>, vector<1x1x16xi32>,
      %get3A_1072 = vector.shape_cast %get3A_1071 : vector<1x1x16xi32> to vector<16xi32>
      %swap3A_1073 = arith.constant 0 : index
      %swap3A_1074 = tpu.vector_load %arg22[%swap3A_1073] {strides = array<i32>} : memref<32xi32, #tpu.memory_space<vmem>>, vector<16xi32>,
      %swap3A_1075 = vector.shape_cast %swap3A_1074 : vector<16xi32> to vector<16xi32>
      %swap3A_1076 = vector.shape_cast %get3A_1072 : vector<16xi32> to vector<16xi32>
      tpu.vector_store %arg22[%swap3A_1073], %swap3A_1076 {strides = array<i32>} : memref<32xi32, #tpu.memory_space<vmem>>, vector<16xi32>,
      %jit3A_1077 = arith.constant 4 : i32
      %div3A_1078 = arith.divsi %add3A_1042, %jit3A_1077 : i32
      %sign3A_1079 = arith.constant 0 : i32
      %sign3A_1080 = arith.cmpi sgt, %add3A_1042, %sign3A_1079 : i32
      %sign3A_1081 = arith.extui %sign3A_1080 : i1 to i32
      %sign3A_1082 = arith.constant 0 : i32
      %sign3A_1083 = arith.cmpi slt, %add3A_1042, %sign3A_1082 : i32
      %sign3A_1084 = arith.extui %sign3A_1083 : i1 to i32
      %sign3A_1085 = arith.subi %sign3A_1081, %sign3A_1084 : i32
      %sign3A_1086 = arith.constant 0 : i32
      %sign3A_1087 = arith.cmpi sgt, %jit3A_1077, %sign3A_1086 : i32
      %sign3A_1088 = arith.extui %sign3A_1087 : i1 to i32
      %sign3A_1089 = arith.constant 0 : i32
      %sign3A_1090 = arith.cmpi slt, %jit3A_1077, %sign3A_1089 : i32
      %sign3A_1091 = arith.extui %sign3A_1090 : i1 to i32
      %sign3A_1092 = arith.subi %sign3A_1088, %sign3A_1091 : i32
      %ne3A_1093 = arith.cmpi ne, %sign3A_1085, %sign3A_1092 : i32
      %rem3A_1094 = arith.remsi %add3A_1042, %jit3A_1077 : i32
      %ne3A_1095 = arith.constant 0 : i32
      %ne3A_1096 = arith.cmpi ne, %rem3A_1094, %ne3A_1095 : i32
      %and3A_1097 = arith.andi %ne3A_1093, %ne3A_1096 : i1
      %sub3A_1098 = arith.constant 1 : i32
      %sub3A_1099 = arith.subi %div3A_1078, %sub3A_1098 : i32
      %select_n3A_1100 = arith.select %and3A_1097, %sub3A_1099, %div3A_1078 : i32
      %get3A_1101 = arith.constant 0 : i32
      %get3A_1102 = arith.index_cast %select_n3A_1100 : i32 to index
      %get3A_1103 = arith.index_cast %get3A_1101 : i32 to index
      %get3A_1104 = arith.constant 112 : index
      %get3A_1105 = tpu.vector_load %arg14[%get3A_1102, %get3A_1103, %get3A_1104] {strides = array<i32>} : memref<79x1x128xi32, #tpu.memory_space<vmem>>, vector<1x1x16xi32>,
      %get3A_1106 = vector.shape_cast %get3A_1105 : vector<1x1x16xi32> to vector<16xi32>
      %swap3A_1107 = arith.constant 16 : index
      %swap3A_1108 = tpu.vector_load %arg22[%swap3A_1107] {strides = array<i32>} : memref<32xi32, #tpu.memory_space<vmem>>, vector<16xi32>,
      %swap3A_1109 = vector.shape_cast %swap3A_1108 : vector<16xi32> to vector<16xi32>
      %swap3A_1110 = vector.shape_cast %get3A_1106 : vector<16xi32> to vector<16xi32>
      tpu.vector_store %arg22[%swap3A_1107], %swap3A_1110 {strides = array<i32>} : memref<32xi32, #tpu.memory_space<vmem>>, vector<16xi32>,
      %dma_start3A_1111 = arith.constant 0 : i32
      %dma_start3A_1112 = arith.constant 0 : i32
      %dma_start3A_1113 = tpu.memref_slice %arg5[%dma_start3A_1111, %dma_start3A_1112] : memref<10000x128xf32, #tpu.memory_space<vmem_shared>> -> memref<10000x128xf32, #tpu.memory_space<vmem_shared>>
      tpu.enqueue_indirect_dma source(%arg13 : memref<32x128xf32, #tpu.memory_space<vmem>>) target(%dma_start3A_1113 : memref<10000x128xf32, #tpu.memory_space<vmem_shared>>) offsets(%arg22 : memref<32xi32, #tpu.memory_space<vmem>>) semaphore(%arg39 : memref<!tpu.dma_semaphore, #tpu.memory_space<semaphore_mem>>) {add = true}
      %dma_wait3A_1114 = arith.constant 0 : i32
      %dma_wait3A_1115 = arith.constant 0 : i32
      %dma_wait3A_1116 = tpu.memref_slice %arg5[%dma_wait3A_1114, %dma_wait3A_1115] : memref<10000x128xf32, #tpu.memory_space<vmem_shared>> -> memref<10000x128xf32, #tpu.memory_space<vmem_shared>>
      tpu.wait_indirect_dma semaphore(%arg32 : memref<!tpu.dma_semaphore, #tpu.memory_space<semaphore_mem>>) src(%arg6 : memref<32x128xf32, #tpu.memory_space<vmem>>) dst(%dma_wait3A_1116 : memref<10000x128xf32, #tpu.memory_space<vmem_shared>>)
      %add3A_1117 = arith.constant 8 : i32
      %add3A_1118 = arith.addi %mul3A_483, %add3A_1117 : i32
      %add3A_1119 = arith.constant 0 : i32
      %add3A_1120 = arith.addi %add3A_1118, %add3A_1119 : i32
      %lt3A_1121 = arith.cmpi slt, %add3A_1120, %select_n3A : i32
      %convert_element_type3A_1122 = arith.extui %lt3A_1121 : i1 to i32
      %cond3A_1123 = arith.constant 0 : i32
      %cond3A_1124 = arith.cmpi ne, %convert_element_type3A_1122, %cond3A_1123 : i32
      scf.if %cond3A_1124 {
        %add3A_1202 = arith.constant 8 : i32
        %add3A_1203 = arith.addi %mul3A_483, %add3A_1202 : i32
        %add3A_1204 = arith.constant 0 : i32
        %add3A_1205 = arith.addi %add3A_1203, %add3A_1204 : i32
        %add3A_1206 = arith.addi %add3A_212, %add3A_1205 : i32
        %mul3A_1207 = arith.constant 32 : i32
        %mul3A_1208 = arith.muli %add3A_1206, %mul3A_1207 : i32
        %dma_start3A_1209 = arith.constant 0 : i32
        %dma_start3A_1210 = tpu.memref_slice %arg2[%mul3A_1208, %dma_start3A_1209] : memref<320000x128xf32, #tpu.memory_space<hbm>> -> memref<32x128xf32, #tpu.memory_space<hbm>>
        %dma_start3A_1211 = arith.constant 0 : i32
        %dma_start3A_1212 = tpu.memref_slice %arg2[%mul3A_1208, %dma_start3A_1211] : memref<320000x128xf32, #tpu.memory_space<hbm>> -> memref<32x128xf32, #tpu.memory_space<hbm>>
        tpu.enqueue_dma source(%dma_start3A_1212 : memref<32x128xf32, #tpu.memory_space<hbm>>) target(%arg6 : memref<32x128xf32, #tpu.memory_space<vmem>>) target_semaphore(%arg23 : memref<!tpu.dma_semaphore, #tpu.memory_space<semaphore_mem>>)
      } else {
      }
      %dma_wait3A_1125 = arith.constant 0 : i32
      %dma_wait3A_1126 = arith.constant 0 : i32
      %dma_wait3A_1127 = tpu.memref_slice %arg5[%dma_wait3A_1125, %dma_wait3A_1126] : memref<10000x128xf32, #tpu.memory_space<vmem_shared>> -> memref<10000x128xf32, #tpu.memory_space<vmem_shared>>
      tpu.wait_indirect_dma semaphore(%arg33 : memref<!tpu.dma_semaphore, #tpu.memory_space<semaphore_mem>>) src(%arg7 : memref<32x128xf32, #tpu.memory_space<vmem>>) dst(%dma_wait3A_1127 : memref<10000x128xf32, #tpu.memory_space<vmem_shared>>)
      %add3A_1128 = arith.constant 8 : i32
      %add3A_1129 = arith.addi %mul3A_483, %add3A_1128 : i32
      %add3A_1130 = arith.constant 1 : i32
      %add3A_1131 = arith.addi %add3A_1129, %add3A_1130 : i32
      %lt3A_1132 = arith.cmpi slt, %add3A_1131, %select_n3A : i32
      %convert_element_type3A_1133 = arith.extui %lt3A_1132 : i1 to i32
      %cond3A_1134 = arith.constant 0 : i32
      %cond3A_1135 = arith.cmpi ne, %convert_element_type3A_1133, %cond3A_1134 : i32
      scf.if %cond3A_1135 {
        %add3A_1202 = arith.constant 8 : i32
        %add3A_1203 = arith.addi %mul3A_483, %add3A_1202 : i32
        %add3A_1204 = arith.constant 1 : i32
        %add3A_1205 = arith.addi %add3A_1203, %add3A_1204 : i32
        %add3A_1206 = arith.addi %add3A_212, %add3A_1205 : i32
        %mul3A_1207 = arith.constant 32 : i32
        %mul3A_1208 = arith.muli %add3A_1206, %mul3A_1207 : i32
        %dma_start3A_1209 = arith.constant 0 : i32
        %dma_start3A_1210 = tpu.memref_slice %arg2[%mul3A_1208, %dma_start3A_1209] : memref<320000x128xf32, #tpu.memory_space<hbm>> -> memref<32x128xf32, #tpu.memory_space<hbm>>
        %dma_start3A_1211 = arith.constant 0 : i32
        %dma_start3A_1212 = tpu.memref_slice %arg2[%mul3A_1208, %dma_start3A_1211] : memref<320000x128xf32, #tpu.memory_space<hbm>> -> memref<32x128xf32, #tpu.memory_space<hbm>>
        tpu.enqueue_dma source(%dma_start3A_1212 : memref<32x128xf32, #tpu.memory_space<hbm>>) target(%arg7 : memref<32x128xf32, #tpu.memory_space<vmem>>) target_semaphore(%arg24 : memref<!tpu.dma_semaphore, #tpu.memory_space<semaphore_mem>>)
      } else {
      }
      %dma_wait3A_1136 = arith.constant 0 : i32
      %dma_wait3A_1137 = arith.constant 0 : i32
      %dma_wait3A_1138 = tpu.memref_slice %arg5[%dma_wait3A_1136, %dma_wait3A_1137] : memref<10000x128xf32, #tpu.memory_space<vmem_shared>> -> memref<10000x128xf32, #tpu.memory_space<vmem_shared>>
      tpu.wait_indirect_dma semaphore(%arg34 : memref<!tpu.dma_semaphore, #tpu.memory_space<semaphore_mem>>) src(%arg8 : memref<32x128xf32, #tpu.memory_space<vmem>>) dst(%dma_wait3A_1138 : memref<10000x128xf32, #tpu.memory_space<vmem_shared>>)
      %add3A_1139 = arith.constant 8 : i32
      %add3A_1140 = arith.addi %mul3A_483, %add3A_1139 : i32
      %add3A_1141 = arith.constant 2 : i32
      %add3A_1142 = arith.addi %add3A_1140, %add3A_1141 : i32
      %lt3A_1143 = arith.cmpi slt, %add3A_1142, %select_n3A : i32
      %convert_element_type3A_1144 = arith.extui %lt3A_1143 : i1 to i32
      %cond3A_1145 = arith.constant 0 : i32
      %cond3A_1146 = arith.cmpi ne, %convert_element_type3A_1144, %cond3A_1145 : i32
      scf.if %cond3A_1146 {
        %add3A_1202 = arith.constant 8 : i32
        %add3A_1203 = arith.addi %mul3A_483, %add3A_1202 : i32
        %add3A_1204 = arith.constant 2 : i32
        %add3A_1205 = arith.addi %add3A_1203, %add3A_1204 : i32
        %add3A_1206 = arith.addi %add3A_212, %add3A_1205 : i32
        %mul3A_1207 = arith.constant 32 : i32
        %mul3A_1208 = arith.muli %add3A_1206, %mul3A_1207 : i32
        %dma_start3A_1209 = arith.constant 0 : i32
        %dma_start3A_1210 = tpu.memref_slice %arg2[%mul3A_1208, %dma_start3A_1209] : memref<320000x128xf32, #tpu.memory_space<hbm>> -> memref<32x128xf32, #tpu.memory_space<hbm>>
        %dma_start3A_1211 = arith.constant 0 : i32
        %dma_start3A_1212 = tpu.memref_slice %arg2[%mul3A_1208, %dma_start3A_1211] : memref<320000x128xf32, #tpu.memory_space<hbm>> -> memref<32x128xf32, #tpu.memory_space<hbm>>
        tpu.enqueue_dma source(%dma_start3A_1212 : memref<32x128xf32, #tpu.memory_space<hbm>>) target(%arg8 : memref<32x128xf32, #tpu.memory_space<vmem>>) target_semaphore(%arg25 : memref<!tpu.dma_semaphore, #tpu.memory_space<semaphore_mem>>)
      } else {
      }
      %dma_wait3A_1147 = arith.constant 0 : i32
      %dma_wait3A_1148 = arith.constant 0 : i32
      %dma_wait3A_1149 = tpu.memref_slice %arg5[%dma_wait3A_1147, %dma_wait3A_1148] : memref<10000x128xf32, #tpu.memory_space<vmem_shared>> -> memref<10000x128xf32, #tpu.memory_space<vmem_shared>>
      tpu.wait_indirect_dma semaphore(%arg35 : memref<!tpu.dma_semaphore, #tpu.memory_space<semaphore_mem>>) src(%arg9 : memref<32x128xf32, #tpu.memory_space<vmem>>) dst(%dma_wait3A_1149 : memref<10000x128xf32, #tpu.memory_space<vmem_shared>>)
      %add3A_1150 = arith.constant 8 : i32
      %add3A_1151 = arith.addi %mul3A_483, %add3A_1150 : i32
      %add3A_1152 = arith.constant 3 : i32
      %add3A_1153 = arith.addi %add3A_1151, %add3A_1152 : i32
      %lt3A_1154 = arith.cmpi slt, %add3A_1153, %select_n3A : i32
      %convert_element_type3A_1155 = arith.extui %lt3A_1154 : i1 to i32
      %cond3A_1156 = arith.constant 0 : i32
      %cond3A_1157 = arith.cmpi ne, %convert_element_type3A_1155, %cond3A_1156 : i32
      scf.if %cond3A_1157 {
        %add3A_1202 = arith.constant 8 : i32
        %add3A_1203 = arith.addi %mul3A_483, %add3A_1202 : i32
        %add3A_1204 = arith.constant 3 : i32
        %add3A_1205 = arith.addi %add3A_1203, %add3A_1204 : i32
        %add3A_1206 = arith.addi %add3A_212, %add3A_1205 : i32
        %mul3A_1207 = arith.constant 32 : i32
        %mul3A_1208 = arith.muli %add3A_1206, %mul3A_1207 : i32
        %dma_start3A_1209 = arith.constant 0 : i32
        %dma_start3A_1210 = tpu.memref_slice %arg2[%mul3A_1208, %dma_start3A_1209] : memref<320000x128xf32, #tpu.memory_space<hbm>> -> memref<32x128xf32, #tpu.memory_space<hbm>>
        %dma_start3A_1211 = arith.constant 0 : i32
        %dma_start3A_1212 = tpu.memref_slice %arg2[%mul3A_1208, %dma_start3A_1211] : memref<320000x128xf32, #tpu.memory_space<hbm>> -> memref<32x128xf32, #tpu.memory_space<hbm>>
        tpu.enqueue_dma source(%dma_start3A_1212 : memref<32x128xf32, #tpu.memory_space<hbm>>) target(%arg9 : memref<32x128xf32, #tpu.memory_space<vmem>>) target_semaphore(%arg26 : memref<!tpu.dma_semaphore, #tpu.memory_space<semaphore_mem>>)
      } else {
      }
      %dma_wait3A_1158 = arith.constant 0 : i32
      %dma_wait3A_1159 = arith.constant 0 : i32
      %dma_wait3A_1160 = tpu.memref_slice %arg5[%dma_wait3A_1158, %dma_wait3A_1159] : memref<10000x128xf32, #tpu.memory_space<vmem_shared>> -> memref<10000x128xf32, #tpu.memory_space<vmem_shared>>
      tpu.wait_indirect_dma semaphore(%arg36 : memref<!tpu.dma_semaphore, #tpu.memory_space<semaphore_mem>>) src(%arg10 : memref<32x128xf32, #tpu.memory_space<vmem>>) dst(%dma_wait3A_1160 : memref<10000x128xf32, #tpu.memory_space<vmem_shared>>)
      %add3A_1161 = arith.constant 8 : i32
      %add3A_1162 = arith.addi %mul3A_483, %add3A_1161 : i32
      %add3A_1163 = arith.constant 4 : i32
      %add3A_1164 = arith.addi %add3A_1162, %add3A_1163 : i32
      %lt3A_1165 = arith.cmpi slt, %add3A_1164, %select_n3A : i32
      %convert_element_type3A_1166 = arith.extui %lt3A_1165 : i1 to i32
      %cond3A_1167 = arith.constant 0 : i32
      %cond3A_1168 = arith.cmpi ne, %convert_element_type3A_1166, %cond3A_1167 : i32
      scf.if %cond3A_1168 {
        %add3A_1202 = arith.constant 8 : i32
        %add3A_1203 = arith.addi %mul3A_483, %add3A_1202 : i32
        %add3A_1204 = arith.constant 4 : i32
        %add3A_1205 = arith.addi %add3A_1203, %add3A_1204 : i32
        %add3A_1206 = arith.addi %add3A_212, %add3A_1205 : i32
        %mul3A_1207 = arith.constant 32 : i32
        %mul3A_1208 = arith.muli %add3A_1206, %mul3A_1207 : i32
        %dma_start3A_1209 = arith.constant 0 : i32
        %dma_start3A_1210 = tpu.memref_slice %arg2[%mul3A_1208, %dma_start3A_1209] : memref<320000x128xf32, #tpu.memory_space<hbm>> -> memref<32x128xf32, #tpu.memory_space<hbm>>
        %dma_start3A_1211 = arith.constant 0 : i32
        %dma_start3A_1212 = tpu.memref_slice %arg2[%mul3A_1208, %dma_start3A_1211] : memref<320000x128xf32, #tpu.memory_space<hbm>> -> memref<32x128xf32, #tpu.memory_space<hbm>>
        tpu.enqueue_dma source(%dma_start3A_1212 : memref<32x128xf32, #tpu.memory_space<hbm>>) target(%arg10 : memref<32x128xf32, #tpu.memory_space<vmem>>) target_semaphore(%arg27 : memref<!tpu.dma_semaphore, #tpu.memory_space<semaphore_mem>>)
      } else {
      }
      %dma_wait3A_1169 = arith.constant 0 : i32
      %dma_wait3A_1170 = arith.constant 0 : i32
      %dma_wait3A_1171 = tpu.memref_slice %arg5[%dma_wait3A_1169, %dma_wait3A_1170] : memref<10000x128xf32, #tpu.memory_space<vmem_shared>> -> memref<10000x128xf32, #tpu.memory_space<vmem_shared>>
      tpu.wait_indirect_dma semaphore(%arg37 : memref<!tpu.dma_semaphore, #tpu.memory_space<semaphore_mem>>) src(%arg11 : memref<32x128xf32, #tpu.memory_space<vmem>>) dst(%dma_wait3A_1171 : memref<10000x128xf32, #tpu.memory_space<vmem_shared>>)
      %add3A_1172 = arith.constant 8 : i32
      %add3A_1173 = arith.addi %mul3A_483, %add3A_1172 : i32
      %add3A_1174 = arith.constant 5 : i32
      %add3A_1175 = arith.addi %add3A_1173, %add3A_1174 : i32
      %lt3A_1176 = arith.cmpi slt, %add3A_1175, %select_n3A : i32
      %convert_element_type3A_1177 = arith.extui %lt3A_1176 : i1 to i32
      %cond3A_1178 = arith.constant 0 : i32
      %cond3A_1179 = arith.cmpi ne, %convert_element_type3A_1177, %cond3A_1178 : i32
      scf.if %cond3A_1179 {
        %add3A_1202 = arith.constant 8 : i32
        %add3A_1203 = arith.addi %mul3A_483, %add3A_1202 : i32
        %add3A_1204 = arith.constant 5 : i32
        %add3A_1205 = arith.addi %add3A_1203, %add3A_1204 : i32
        %add3A_1206 = arith.addi %add3A_212, %add3A_1205 : i32
        %mul3A_1207 = arith.constant 32 : i32
        %mul3A_1208 = arith.muli %add3A_1206, %mul3A_1207 : i32
        %dma_start3A_1209 = arith.constant 0 : i32
        %dma_start3A_1210 = tpu.memref_slice %arg2[%mul3A_1208, %dma_start3A_1209] : memref<320000x128xf32, #tpu.memory_space<hbm>> -> memref<32x128xf32, #tpu.memory_space<hbm>>
        %dma_start3A_1211 = arith.constant 0 : i32
        %dma_start3A_1212 = tpu.memref_slice %arg2[%mul3A_1208, %dma_start3A_1211] : memref<320000x128xf32, #tpu.memory_space<hbm>> -> memref<32x128xf32, #tpu.memory_space<hbm>>
        tpu.enqueue_dma source(%dma_start3A_1212 : memref<32x128xf32, #tpu.memory_space<hbm>>) target(%arg11 : memref<32x128xf32, #tpu.memory_space<vmem>>) target_semaphore(%arg28 : memref<!tpu.dma_semaphore, #tpu.memory_space<semaphore_mem>>)
      } else {
      }
      %dma_wait3A_1180 = arith.constant 0 : i32
      %dma_wait3A_1181 = arith.constant 0 : i32
      %dma_wait3A_1182 = tpu.memref_slice %arg5[%dma_wait3A_1180, %dma_wait3A_1181] : memref<10000x128xf32, #tpu.memory_space<vmem_shared>> -> memref<10000x128xf32, #tpu.memory_space<vmem_shared>>
      tpu.wait_indirect_dma semaphore(%arg38 : memref<!tpu.dma_semaphore, #tpu.memory_space<semaphore_mem>>) src(%arg12 : memref<32x128xf32, #tpu.memory_space<vmem>>) dst(%dma_wait3A_1182 : memref<10000x128xf32, #tpu.memory_space<vmem_shared>>)
      %add3A_1183 = arith.constant 8 : i32
      %add3A_1184 = arith.addi %mul3A_483, %add3A_1183 : i32
      %add3A_1185 = arith.constant 6 : i32
      %add3A_1186 = arith.addi %add3A_1184, %add3A_1185 : i32
      %lt3A_1187 = arith.cmpi slt, %add3A_1186, %select_n3A : i32
      %convert_element_type3A_1188 = arith.extui %lt3A_1187 : i1 to i32
      %cond3A_1189 = arith.constant 0 : i32
      %cond3A_1190 = arith.cmpi ne, %convert_element_type3A_1188, %cond3A_1189 : i32
      scf.if %cond3A_1190 {
        %add3A_1202 = arith.constant 8 : i32
        %add3A_1203 = arith.addi %mul3A_483, %add3A_1202 : i32
        %add3A_1204 = arith.constant 6 : i32
        %add3A_1205 = arith.addi %add3A_1203, %add3A_1204 : i32
        %add3A_1206 = arith.addi %add3A_212, %add3A_1205 : i32
        %mul3A_1207 = arith.constant 32 : i32
        %mul3A_1208 = arith.muli %add3A_1206, %mul3A_1207 : i32
        %dma_start3A_1209 = arith.constant 0 : i32
        %dma_start3A_1210 = tpu.memref_slice %arg2[%mul3A_1208, %dma_start3A_1209] : memref<320000x128xf32, #tpu.memory_space<hbm>> -> memref<32x128xf32, #tpu.memory_space<hbm>>
        %dma_start3A_1211 = arith.constant 0 : i32
        %dma_start3A_1212 = tpu.memref_slice %arg2[%mul3A_1208, %dma_start3A_1211] : memref<320000x128xf32, #tpu.memory_space<hbm>> -> memref<32x128xf32, #tpu.memory_space<hbm>>
        tpu.enqueue_dma source(%dma_start3A_1212 : memref<32x128xf32, #tpu.memory_space<hbm>>) target(%arg12 : memref<32x128xf32, #tpu.memory_space<vmem>>) target_semaphore(%arg29 : memref<!tpu.dma_semaphore, #tpu.memory_space<semaphore_mem>>)
      } else {
      }
      %dma_wait3A_1191 = arith.constant 0 : i32
      %dma_wait3A_1192 = arith.constant 0 : i32
      %dma_wait3A_1193 = tpu.memref_slice %arg5[%dma_wait3A_1191, %dma_wait3A_1192] : memref<10000x128xf32, #tpu.memory_space<vmem_shared>> -> memref<10000x128xf32, #tpu.memory_space<vmem_shared>>
      tpu.wait_indirect_dma semaphore(%arg39 : memref<!tpu.dma_semaphore, #tpu.memory_space<semaphore_mem>>) src(%arg13 : memref<32x128xf32, #tpu.memory_space<vmem>>) dst(%dma_wait3A_1193 : memref<10000x128xf32, #tpu.memory_space<vmem_shared>>)
      %add3A_1194 = arith.constant 8 : i32
      %add3A_1195 = arith.addi %mul3A_483, %add3A_1194 : i32
      %add3A_1196 = arith.constant 7 : i32
      %add3A_1197 = arith.addi %add3A_1195, %add3A_1196 : i32
      %lt3A_1198 = arith.cmpi slt, %add3A_1197, %select_n3A : i32
      %convert_element_type3A_1199 = arith.extui %lt3A_1198 : i1 to i32
      %cond3A_1200 = arith.constant 0 : i32
      %cond3A_1201 = arith.cmpi ne, %convert_element_type3A_1199, %cond3A_1200 : i32
      scf.if %cond3A_1201 {
        %add3A_1202 = arith.constant 8 : i32
        %add3A_1203 = arith.addi %mul3A_483, %add3A_1202 : i32
        %add3A_1204 = arith.constant 7 : i32
        %add3A_1205 = arith.addi %add3A_1203, %add3A_1204 : i32
        %add3A_1206 = arith.addi %add3A_212, %add3A_1205 : i32
        %mul3A_1207 = arith.constant 32 : i32
        %mul3A_1208 = arith.muli %add3A_1206, %mul3A_1207 : i32
        %dma_start3A_1209 = arith.constant 0 : i32
        %dma_start3A_1210 = tpu.memref_slice %arg2[%mul3A_1208, %dma_start3A_1209] : memref<320000x128xf32, #tpu.memory_space<hbm>> -> memref<32x128xf32, #tpu.memory_space<hbm>>
        %dma_start3A_1211 = arith.constant 0 : i32
        %dma_start3A_1212 = tpu.memref_slice %arg2[%mul3A_1208, %dma_start3A_1211] : memref<320000x128xf32, #tpu.memory_space<hbm>> -> memref<32x128xf32, #tpu.memory_space<hbm>>
        tpu.enqueue_dma source(%dma_start3A_1212 : memref<32x128xf32, #tpu.memory_space<hbm>>) target(%arg13 : memref<32x128xf32, #tpu.memory_space<vmem>>) target_semaphore(%arg30 : memref<!tpu.dma_semaphore, #tpu.memory_space<semaphore_mem>>)
      } else {
      }
    }
    %jit3A_368 = arith.constant 8 : i32
    %div3A_369 = arith.divsi %select_n3A, %jit3A_368 : i32
    %sign3A_370 = arith.constant 0 : i32
    %sign3A_371 = arith.cmpi sgt, %select_n3A, %sign3A_370 : i32
    %sign3A_372 = arith.extui %sign3A_371 : i1 to i32
    %sign3A_373 = arith.constant 0 : i32
    %sign3A_374 = arith.cmpi slt, %select_n3A, %sign3A_373 : i32
    %sign3A_375 = arith.extui %sign3A_374 : i1 to i32
    %sign3A_376 = arith.subi %sign3A_372, %sign3A_375 : i32
    %sign3A_377 = arith.constant 0 : i32
    %sign3A_378 = arith.cmpi sgt, %jit3A_368, %sign3A_377 : i32
    %sign3A_379 = arith.extui %sign3A_378 : i1 to i32
    %sign3A_380 = arith.constant 0 : i32
    %sign3A_381 = arith.cmpi slt, %jit3A_368, %sign3A_380 : i32
    %sign3A_382 = arith.extui %sign3A_381 : i1 to i32
    %sign3A_383 = arith.subi %sign3A_379, %sign3A_382 : i32
    %ne3A_384 = arith.cmpi ne, %sign3A_376, %sign3A_383 : i32
    %rem3A_385 = arith.remsi %select_n3A, %jit3A_368 : i32
    %ne3A_386 = arith.constant 0 : i32
    %ne3A_387 = arith.cmpi ne, %rem3A_385, %ne3A_386 : i32
    %and3A_388 = arith.andi %ne3A_384, %ne3A_387 : i1
    %sub3A_389 = arith.constant 1 : i32
    %sub3A_390 = arith.subi %div3A_369, %sub3A_389 : i32
    %select_n3A_391 = arith.select %and3A_388, %sub3A_390, %div3A_369 : i32
    %mul3A_392 = arith.constant 8 : i32
    %mul3A_393 = arith.muli %select_n3A_391, %mul3A_392 : i32
    %add3A_394 = arith.constant 0 : i32
    %add3A_395 = arith.addi %mul3A_393, %add3A_394 : i32
    %lt3A_396 = arith.cmpi slt, %add3A_395, %select_n3A : i32
    %convert_element_type3A_397 = arith.extui %lt3A_396 : i1 to i32
    %cond3A_398 = arith.constant 0 : i32
    %cond3A_399 = arith.cmpi ne, %convert_element_type3A_397, %cond3A_398 : i32
    scf.if %cond3A_399 {
      %dma_wait3A_479 = arith.constant 0 : i32
      %dma_wait3A_480 = arith.constant 0 : i32
      %dma_wait3A_481 = tpu.memref_slice %arg2[%dma_wait3A_479, %dma_wait3A_480] : memref<320000x128xf32, #tpu.memory_space<hbm>> -> memref<32x128xf32, #tpu.memory_space<hbm>>
      %dma_wait3A_482 = arith.constant 0 : i32
      %dma_wait3A_483 = arith.constant 0 : i32
      %dma_wait3A_484 = tpu.memref_slice %arg2[%dma_wait3A_482, %dma_wait3A_483] : memref<320000x128xf32, #tpu.memory_space<hbm>> -> memref<32x128xf32, #tpu.memory_space<hbm>>
      tpu.wait_dma2 semaphore(%arg23 : memref<!tpu.dma_semaphore, #tpu.memory_space<semaphore_mem>>) src(%dma_wait3A_484 : memref<32x128xf32, #tpu.memory_space<hbm>>) dst(%arg6 : memref<32x128xf32, #tpu.memory_space<vmem>>)
      %add3A_485 = arith.constant 0 : i32
      %add3A_486 = arith.addi %mul3A_393, %add3A_485 : i32
      %jit3A_487 = arith.constant 4 : i32
      %div3A_488 = arith.divsi %add3A_486, %jit3A_487 : i32
      %sign3A_489 = arith.constant 0 : i32
      %sign3A_490 = arith.cmpi sgt, %add3A_486, %sign3A_489 : i32
      %sign3A_491 = arith.extui %sign3A_490 : i1 to i32
      %sign3A_492 = arith.constant 0 : i32
      %sign3A_493 = arith.cmpi slt, %add3A_486, %sign3A_492 : i32
      %sign3A_494 = arith.extui %sign3A_493 : i1 to i32
      %sign3A_495 = arith.subi %sign3A_491, %sign3A_494 : i32
      %sign3A_496 = arith.constant 0 : i32
      %sign3A_497 = arith.cmpi sgt, %jit3A_487, %sign3A_496 : i32
      %sign3A_498 = arith.extui %sign3A_497 : i1 to i32
      %sign3A_499 = arith.constant 0 : i32
      %sign3A_500 = arith.cmpi slt, %jit3A_487, %sign3A_499 : i32
      %sign3A_501 = arith.extui %sign3A_500 : i1 to i32
      %sign3A_502 = arith.subi %sign3A_498, %sign3A_501 : i32
      %ne3A_503 = arith.cmpi ne, %sign3A_495, %sign3A_502 : i32
      %rem3A_504 = arith.remsi %add3A_486, %jit3A_487 : i32
      %ne3A_505 = arith.constant 0 : i32
      %ne3A_506 = arith.cmpi ne, %rem3A_504, %ne3A_505 : i32
      %and3A_507 = arith.andi %ne3A_503, %ne3A_506 : i1
      %sub3A_508 = arith.constant 1 : i32
      %sub3A_509 = arith.subi %div3A_488, %sub3A_508 : i32
      %select_n3A_510 = arith.select %and3A_507, %sub3A_509, %div3A_488 : i32
      %get3A = arith.constant 0 : i32
      %get3A_511 = arith.index_cast %select_n3A_510 : i32 to index
      %get3A_512 = arith.index_cast %get3A : i32 to index
      %get3A_513 = arith.constant 0 : index
      %get3A_514 = tpu.vector_load %arg14[%get3A_511, %get3A_512, %get3A_513] {strides = array<i32>} : memref<79x1x128xi32, #tpu.memory_space<vmem>>, vector<1x1x16xi32>,
      %get3A_515 = vector.shape_cast %get3A_514 : vector<1x1x16xi32> to vector<16xi32>
      %swap3A = arith.constant 0 : index
      %swap3A_516 = tpu.vector_load %arg15[%swap3A] {strides = array<i32>} : memref<32xi32, #tpu.memory_space<vmem>>, vector<16xi32>,
      %swap3A_517 = vector.shape_cast %swap3A_516 : vector<16xi32> to vector<16xi32>
      %swap3A_518 = vector.shape_cast %get3A_515 : vector<16xi32> to vector<16xi32>
      tpu.vector_store %arg15[%swap3A], %swap3A_518 {strides = array<i32>} : memref<32xi32, #tpu.memory_space<vmem>>, vector<16xi32>,
      %jit3A_519 = arith.constant 4 : i32
      %div3A_520 = arith.divsi %add3A_486, %jit3A_519 : i32
      %sign3A_521 = arith.constant 0 : i32
      %sign3A_522 = arith.cmpi sgt, %add3A_486, %sign3A_521 : i32
      %sign3A_523 = arith.extui %sign3A_522 : i1 to i32
      %sign3A_524 = arith.constant 0 : i32
      %sign3A_525 = arith.cmpi slt, %add3A_486, %sign3A_524 : i32
      %sign3A_526 = arith.extui %sign3A_525 : i1 to i32
      %sign3A_527 = arith.subi %sign3A_523, %sign3A_526 : i32
      %sign3A_528 = arith.constant 0 : i32
      %sign3A_529 = arith.cmpi sgt, %jit3A_519, %sign3A_528 : i32
      %sign3A_530 = arith.extui %sign3A_529 : i1 to i32
      %sign3A_531 = arith.constant 0 : i32
      %sign3A_532 = arith.cmpi slt, %jit3A_519, %sign3A_531 : i32
      %sign3A_533 = arith.extui %sign3A_532 : i1 to i32
      %sign3A_534 = arith.subi %sign3A_530, %sign3A_533 : i32
      %ne3A_535 = arith.cmpi ne, %sign3A_527, %sign3A_534 : i32
      %rem3A_536 = arith.remsi %add3A_486, %jit3A_519 : i32
      %ne3A_537 = arith.constant 0 : i32
      %ne3A_538 = arith.cmpi ne, %rem3A_536, %ne3A_537 : i32
      %and3A_539 = arith.andi %ne3A_535, %ne3A_538 : i1
      %sub3A_540 = arith.constant 1 : i32
      %sub3A_541 = arith.subi %div3A_520, %sub3A_540 : i32
      %select_n3A_542 = arith.select %and3A_539, %sub3A_541, %div3A_520 : i32
      %get3A_543 = arith.constant 0 : i32
      %get3A_544 = arith.index_cast %select_n3A_542 : i32 to index
      %get3A_545 = arith.index_cast %get3A_543 : i32 to index
      %get3A_546 = arith.constant 16 : index
      %get3A_547 = tpu.vector_load %arg14[%get3A_544, %get3A_545, %get3A_546] {strides = array<i32>} : memref<79x1x128xi32, #tpu.memory_space<vmem>>, vector<1x1x16xi32>,
      %get3A_548 = vector.shape_cast %get3A_547 : vector<1x1x16xi32> to vector<16xi32>
      %swap3A_549 = arith.constant 16 : index
      %swap3A_550 = tpu.vector_load %arg15[%swap3A_549] {strides = array<i32>} : memref<32xi32, #tpu.memory_space<vmem>>, vector<16xi32>,
      %swap3A_551 = vector.shape_cast %swap3A_550 : vector<16xi32> to vector<16xi32>
      %swap3A_552 = vector.shape_cast %get3A_548 : vector<16xi32> to vector<16xi32>
      tpu.vector_store %arg15[%swap3A_549], %swap3A_552 {strides = array<i32>} : memref<32xi32, #tpu.memory_space<vmem>>, vector<16xi32>,
      %dma_start3A_553 = arith.constant 0 : i32
      %dma_start3A_554 = arith.constant 0 : i32
      %dma_start3A_555 = tpu.memref_slice %arg5[%dma_start3A_553, %dma_start3A_554] : memref<10000x128xf32, #tpu.memory_space<vmem_shared>> -> memref<10000x128xf32, #tpu.memory_space<vmem_shared>>
      tpu.enqueue_indirect_dma source(%arg6 : memref<32x128xf32, #tpu.memory_space<vmem>>) target(%dma_start3A_555 : memref<10000x128xf32, #tpu.memory_space<vmem_shared>>) offsets(%arg15 : memref<32xi32, #tpu.memory_space<vmem>>) semaphore(%arg32 : memref<!tpu.dma_semaphore, #tpu.memory_space<semaphore_mem>>) {add = true}
    } else {
    }
    %add3A_400 = arith.constant 1 : i32
    %add3A_401 = arith.addi %mul3A_393, %add3A_400 : i32
    %lt3A_402 = arith.cmpi slt, %add3A_401, %select_n3A : i32
    %convert_element_type3A_403 = arith.extui %lt3A_402 : i1 to i32
    %cond3A_404 = arith.constant 0 : i32
    %cond3A_405 = arith.cmpi ne, %convert_element_type3A_403, %cond3A_404 : i32
    scf.if %cond3A_405 {
      %dma_wait3A_479 = arith.constant 0 : i32
      %dma_wait3A_480 = arith.constant 0 : i32
      %dma_wait3A_481 = tpu.memref_slice %arg2[%dma_wait3A_479, %dma_wait3A_480] : memref<320000x128xf32, #tpu.memory_space<hbm>> -> memref<32x128xf32, #tpu.memory_space<hbm>>
      %dma_wait3A_482 = arith.constant 0 : i32
      %dma_wait3A_483 = arith.constant 0 : i32
      %dma_wait3A_484 = tpu.memref_slice %arg2[%dma_wait3A_482, %dma_wait3A_483] : memref<320000x128xf32, #tpu.memory_space<hbm>> -> memref<32x128xf32, #tpu.memory_space<hbm>>
      tpu.wait_dma2 semaphore(%arg24 : memref<!tpu.dma_semaphore, #tpu.memory_space<semaphore_mem>>) src(%dma_wait3A_484 : memref<32x128xf32, #tpu.memory_space<hbm>>) dst(%arg7 : memref<32x128xf32, #tpu.memory_space<vmem>>)
      %add3A_485 = arith.constant 1 : i32
      %add3A_486 = arith.addi %mul3A_393, %add3A_485 : i32
      %jit3A_487 = arith.constant 4 : i32
      %div3A_488 = arith.divsi %add3A_486, %jit3A_487 : i32
      %sign3A_489 = arith.constant 0 : i32
      %sign3A_490 = arith.cmpi sgt, %add3A_486, %sign3A_489 : i32
      %sign3A_491 = arith.extui %sign3A_490 : i1 to i32
      %sign3A_492 = arith.constant 0 : i32
      %sign3A_493 = arith.cmpi slt, %add3A_486, %sign3A_492 : i32
      %sign3A_494 = arith.extui %sign3A_493 : i1 to i32
      %sign3A_495 = arith.subi %sign3A_491, %sign3A_494 : i32
      %sign3A_496 = arith.constant 0 : i32
      %sign3A_497 = arith.cmpi sgt, %jit3A_487, %sign3A_496 : i32
      %sign3A_498 = arith.extui %sign3A_497 : i1 to i32
      %sign3A_499 = arith.constant 0 : i32
      %sign3A_500 = arith.cmpi slt, %jit3A_487, %sign3A_499 : i32
      %sign3A_501 = arith.extui %sign3A_500 : i1 to i32
      %sign3A_502 = arith.subi %sign3A_498, %sign3A_501 : i32
      %ne3A_503 = arith.cmpi ne, %sign3A_495, %sign3A_502 : i32
      %rem3A_504 = arith.remsi %add3A_486, %jit3A_487 : i32
      %ne3A_505 = arith.constant 0 : i32
      %ne3A_506 = arith.cmpi ne, %rem3A_504, %ne3A_505 : i32
      %and3A_507 = arith.andi %ne3A_503, %ne3A_506 : i1
      %sub3A_508 = arith.constant 1 : i32
      %sub3A_509 = arith.subi %div3A_488, %sub3A_508 : i32
      %select_n3A_510 = arith.select %and3A_507, %sub3A_509, %div3A_488 : i32
      %get3A = arith.constant 0 : i32
      %get3A_511 = arith.index_cast %select_n3A_510 : i32 to index
      %get3A_512 = arith.index_cast %get3A : i32 to index
      %get3A_513 = arith.constant 32 : index
      %get3A_514 = tpu.vector_load %arg14[%get3A_511, %get3A_512, %get3A_513] {strides = array<i32>} : memref<79x1x128xi32, #tpu.memory_space<vmem>>, vector<1x1x16xi32>,
      %get3A_515 = vector.shape_cast %get3A_514 : vector<1x1x16xi32> to vector<16xi32>
      %swap3A = arith.constant 0 : index
      %swap3A_516 = tpu.vector_load %arg16[%swap3A] {strides = array<i32>} : memref<32xi32, #tpu.memory_space<vmem>>, vector<16xi32>,
      %swap3A_517 = vector.shape_cast %swap3A_516 : vector<16xi32> to vector<16xi32>
      %swap3A_518 = vector.shape_cast %get3A_515 : vector<16xi32> to vector<16xi32>
      tpu.vector_store %arg16[%swap3A], %swap3A_518 {strides = array<i32>} : memref<32xi32, #tpu.memory_space<vmem>>, vector<16xi32>,
      %jit3A_519 = arith.constant 4 : i32
      %div3A_520 = arith.divsi %add3A_486, %jit3A_519 : i32
      %sign3A_521 = arith.constant 0 : i32
      %sign3A_522 = arith.cmpi sgt, %add3A_486, %sign3A_521 : i32
      %sign3A_523 = arith.extui %sign3A_522 : i1 to i32
      %sign3A_524 = arith.constant 0 : i32
      %sign3A_525 = arith.cmpi slt, %add3A_486, %sign3A_524 : i32
      %sign3A_526 = arith.extui %sign3A_525 : i1 to i32
      %sign3A_527 = arith.subi %sign3A_523, %sign3A_526 : i32
      %sign3A_528 = arith.constant 0 : i32
      %sign3A_529 = arith.cmpi sgt, %jit3A_519, %sign3A_528 : i32
      %sign3A_530 = arith.extui %sign3A_529 : i1 to i32
      %sign3A_531 = arith.constant 0 : i32
      %sign3A_532 = arith.cmpi slt, %jit3A_519, %sign3A_531 : i32
      %sign3A_533 = arith.extui %sign3A_532 : i1 to i32
      %sign3A_534 = arith.subi %sign3A_530, %sign3A_533 : i32
      %ne3A_535 = arith.cmpi ne, %sign3A_527, %sign3A_534 : i32
      %rem3A_536 = arith.remsi %add3A_486, %jit3A_519 : i32
      %ne3A_537 = arith.constant 0 : i32
      %ne3A_538 = arith.cmpi ne, %rem3A_536, %ne3A_537 : i32
      %and3A_539 = arith.andi %ne3A_535, %ne3A_538 : i1
      %sub3A_540 = arith.constant 1 : i32
      %sub3A_541 = arith.subi %div3A_520, %sub3A_540 : i32
      %select_n3A_542 = arith.select %and3A_539, %sub3A_541, %div3A_520 : i32
      %get3A_543 = arith.constant 0 : i32
      %get3A_544 = arith.index_cast %select_n3A_542 : i32 to index
      %get3A_545 = arith.index_cast %get3A_543 : i32 to index
      %get3A_546 = arith.constant 48 : index
      %get3A_547 = tpu.vector_load %arg14[%get3A_544, %get3A_545, %get3A_546] {strides = array<i32>} : memref<79x1x128xi32, #tpu.memory_space<vmem>>, vector<1x1x16xi32>,
      %get3A_548 = vector.shape_cast %get3A_547 : vector<1x1x16xi32> to vector<16xi32>
      %swap3A_549 = arith.constant 16 : index
      %swap3A_550 = tpu.vector_load %arg16[%swap3A_549] {strides = array<i32>} : memref<32xi32, #tpu.memory_space<vmem>>, vector<16xi32>,
      %swap3A_551 = vector.shape_cast %swap3A_550 : vector<16xi32> to vector<16xi32>
      %swap3A_552 = vector.shape_cast %get3A_548 : vector<16xi32> to vector<16xi32>
      tpu.vector_store %arg16[%swap3A_549], %swap3A_552 {strides = array<i32>} : memref<32xi32, #tpu.memory_space<vmem>>, vector<16xi32>,
      %dma_start3A_553 = arith.constant 0 : i32
      %dma_start3A_554 = arith.constant 0 : i32
      %dma_start3A_555 = tpu.memref_slice %arg5[%dma_start3A_553, %dma_start3A_554] : memref<10000x128xf32, #tpu.memory_space<vmem_shared>> -> memref<10000x128xf32, #tpu.memory_space<vmem_shared>>
      tpu.enqueue_indirect_dma source(%arg7 : memref<32x128xf32, #tpu.memory_space<vmem>>) target(%dma_start3A_555 : memref<10000x128xf32, #tpu.memory_space<vmem_shared>>) offsets(%arg16 : memref<32xi32, #tpu.memory_space<vmem>>) semaphore(%arg33 : memref<!tpu.dma_semaphore, #tpu.memory_space<semaphore_mem>>) {add = true}
    } else {
    }
    %add3A_406 = arith.constant 2 : i32
    %add3A_407 = arith.addi %mul3A_393, %add3A_406 : i32
    %lt3A_408 = arith.cmpi slt, %add3A_407, %select_n3A : i32
    %convert_element_type3A_409 = arith.extui %lt3A_408 : i1 to i32
    %cond3A_410 = arith.constant 0 : i32
    %cond3A_411 = arith.cmpi ne, %convert_element_type3A_409, %cond3A_410 : i32
    scf.if %cond3A_411 {
      %dma_wait3A_479 = arith.constant 0 : i32
      %dma_wait3A_480 = arith.constant 0 : i32
      %dma_wait3A_481 = tpu.memref_slice %arg2[%dma_wait3A_479, %dma_wait3A_480] : memref<320000x128xf32, #tpu.memory_space<hbm>> -> memref<32x128xf32, #tpu.memory_space<hbm>>
      %dma_wait3A_482 = arith.constant 0 : i32
      %dma_wait3A_483 = arith.constant 0 : i32
      %dma_wait3A_484 = tpu.memref_slice %arg2[%dma_wait3A_482, %dma_wait3A_483] : memref<320000x128xf32, #tpu.memory_space<hbm>> -> memref<32x128xf32, #tpu.memory_space<hbm>>
      tpu.wait_dma2 semaphore(%arg25 : memref<!tpu.dma_semaphore, #tpu.memory_space<semaphore_mem>>) src(%dma_wait3A_484 : memref<32x128xf32, #tpu.memory_space<hbm>>) dst(%arg8 : memref<32x128xf32, #tpu.memory_space<vmem>>)
      %add3A_485 = arith.constant 2 : i32
      %add3A_486 = arith.addi %mul3A_393, %add3A_485 : i32
      %jit3A_487 = arith.constant 4 : i32
      %div3A_488 = arith.divsi %add3A_486, %jit3A_487 : i32
      %sign3A_489 = arith.constant 0 : i32
      %sign3A_490 = arith.cmpi sgt, %add3A_486, %sign3A_489 : i32
      %sign3A_491 = arith.extui %sign3A_490 : i1 to i32
      %sign3A_492 = arith.constant 0 : i32
      %sign3A_493 = arith.cmpi slt, %add3A_486, %sign3A_492 : i32
      %sign3A_494 = arith.extui %sign3A_493 : i1 to i32
      %sign3A_495 = arith.subi %sign3A_491, %sign3A_494 : i32
      %sign3A_496 = arith.constant 0 : i32
      %sign3A_497 = arith.cmpi sgt, %jit3A_487, %sign3A_496 : i32
      %sign3A_498 = arith.extui %sign3A_497 : i1 to i32
      %sign3A_499 = arith.constant 0 : i32
      %sign3A_500 = arith.cmpi slt, %jit3A_487, %sign3A_499 : i32
      %sign3A_501 = arith.extui %sign3A_500 : i1 to i32
      %sign3A_502 = arith.subi %sign3A_498, %sign3A_501 : i32
      %ne3A_503 = arith.cmpi ne, %sign3A_495, %sign3A_502 : i32
      %rem3A_504 = arith.remsi %add3A_486, %jit3A_487 : i32
      %ne3A_505 = arith.constant 0 : i32
      %ne3A_506 = arith.cmpi ne, %rem3A_504, %ne3A_505 : i32
      %and3A_507 = arith.andi %ne3A_503, %ne3A_506 : i1
      %sub3A_508 = arith.constant 1 : i32
      %sub3A_509 = arith.subi %div3A_488, %sub3A_508 : i32
      %select_n3A_510 = arith.select %and3A_507, %sub3A_509, %div3A_488 : i32
      %get3A = arith.constant 0 : i32
      %get3A_511 = arith.index_cast %select_n3A_510 : i32 to index
      %get3A_512 = arith.index_cast %get3A : i32 to index
      %get3A_513 = arith.constant 64 : index
      %get3A_514 = tpu.vector_load %arg14[%get3A_511, %get3A_512, %get3A_513] {strides = array<i32>} : memref<79x1x128xi32, #tpu.memory_space<vmem>>, vector<1x1x16xi32>,
      %get3A_515 = vector.shape_cast %get3A_514 : vector<1x1x16xi32> to vector<16xi32>
      %swap3A = arith.constant 0 : index
      %swap3A_516 = tpu.vector_load %arg17[%swap3A] {strides = array<i32>} : memref<32xi32, #tpu.memory_space<vmem>>, vector<16xi32>,
      %swap3A_517 = vector.shape_cast %swap3A_516 : vector<16xi32> to vector<16xi32>
      %swap3A_518 = vector.shape_cast %get3A_515 : vector<16xi32> to vector<16xi32>
      tpu.vector_store %arg17[%swap3A], %swap3A_518 {strides = array<i32>} : memref<32xi32, #tpu.memory_space<vmem>>, vector<16xi32>,
      %jit3A_519 = arith.constant 4 : i32
      %div3A_520 = arith.divsi %add3A_486, %jit3A_519 : i32
      %sign3A_521 = arith.constant 0 : i32
      %sign3A_522 = arith.cmpi sgt, %add3A_486, %sign3A_521 : i32
      %sign3A_523 = arith.extui %sign3A_522 : i1 to i32
      %sign3A_524 = arith.constant 0 : i32
      %sign3A_525 = arith.cmpi slt, %add3A_486, %sign3A_524 : i32
      %sign3A_526 = arith.extui %sign3A_525 : i1 to i32
      %sign3A_527 = arith.subi %sign3A_523, %sign3A_526 : i32
      %sign3A_528 = arith.constant 0 : i32
      %sign3A_529 = arith.cmpi sgt, %jit3A_519, %sign3A_528 : i32
      %sign3A_530 = arith.extui %sign3A_529 : i1 to i32
      %sign3A_531 = arith.constant 0 : i32
      %sign3A_532 = arith.cmpi slt, %jit3A_519, %sign3A_531 : i32
      %sign3A_533 = arith.extui %sign3A_532 : i1 to i32
      %sign3A_534 = arith.subi %sign3A_530, %sign3A_533 : i32
      %ne3A_535 = arith.cmpi ne, %sign3A_527, %sign3A_534 : i32
      %rem3A_536 = arith.remsi %add3A_486, %jit3A_519 : i32
      %ne3A_537 = arith.constant 0 : i32
      %ne3A_538 = arith.cmpi ne, %rem3A_536, %ne3A_537 : i32
      %and3A_539 = arith.andi %ne3A_535, %ne3A_538 : i1
      %sub3A_540 = arith.constant 1 : i32
      %sub3A_541 = arith.subi %div3A_520, %sub3A_540 : i32
      %select_n3A_542 = arith.select %and3A_539, %sub3A_541, %div3A_520 : i32
      %get3A_543 = arith.constant 0 : i32
      %get3A_544 = arith.index_cast %select_n3A_542 : i32 to index
      %get3A_545 = arith.index_cast %get3A_543 : i32 to index
      %get3A_546 = arith.constant 80 : index
      %get3A_547 = tpu.vector_load %arg14[%get3A_544, %get3A_545, %get3A_546] {strides = array<i32>} : memref<79x1x128xi32, #tpu.memory_space<vmem>>, vector<1x1x16xi32>,
      %get3A_548 = vector.shape_cast %get3A_547 : vector<1x1x16xi32> to vector<16xi32>
      %swap3A_549 = arith.constant 16 : index
      %swap3A_550 = tpu.vector_load %arg17[%swap3A_549] {strides = array<i32>} : memref<32xi32, #tpu.memory_space<vmem>>, vector<16xi32>,
      %swap3A_551 = vector.shape_cast %swap3A_550 : vector<16xi32> to vector<16xi32>
      %swap3A_552 = vector.shape_cast %get3A_548 : vector<16xi32> to vector<16xi32>
      tpu.vector_store %arg17[%swap3A_549], %swap3A_552 {strides = array<i32>} : memref<32xi32, #tpu.memory_space<vmem>>, vector<16xi32>,
      %dma_start3A_553 = arith.constant 0 : i32
      %dma_start3A_554 = arith.constant 0 : i32
      %dma_start3A_555 = tpu.memref_slice %arg5[%dma_start3A_553, %dma_start3A_554] : memref<10000x128xf32, #tpu.memory_space<vmem_shared>> -> memref<10000x128xf32, #tpu.memory_space<vmem_shared>>
      tpu.enqueue_indirect_dma source(%arg8 : memref<32x128xf32, #tpu.memory_space<vmem>>) target(%dma_start3A_555 : memref<10000x128xf32, #tpu.memory_space<vmem_shared>>) offsets(%arg17 : memref<32xi32, #tpu.memory_space<vmem>>) semaphore(%arg34 : memref<!tpu.dma_semaphore, #tpu.memory_space<semaphore_mem>>) {add = true}
    } else {
    }
    %add3A_412 = arith.constant 3 : i32
    %add3A_413 = arith.addi %mul3A_393, %add3A_412 : i32
    %lt3A_414 = arith.cmpi slt, %add3A_413, %select_n3A : i32
    %convert_element_type3A_415 = arith.extui %lt3A_414 : i1 to i32
    %cond3A_416 = arith.constant 0 : i32
    %cond3A_417 = arith.cmpi ne, %convert_element_type3A_415, %cond3A_416 : i32
    scf.if %cond3A_417 {
      %dma_wait3A_479 = arith.constant 0 : i32
      %dma_wait3A_480 = arith.constant 0 : i32
      %dma_wait3A_481 = tpu.memref_slice %arg2[%dma_wait3A_479, %dma_wait3A_480] : memref<320000x128xf32, #tpu.memory_space<hbm>> -> memref<32x128xf32, #tpu.memory_space<hbm>>
      %dma_wait3A_482 = arith.constant 0 : i32
      %dma_wait3A_483 = arith.constant 0 : i32
      %dma_wait3A_484 = tpu.memref_slice %arg2[%dma_wait3A_482, %dma_wait3A_483] : memref<320000x128xf32, #tpu.memory_space<hbm>> -> memref<32x128xf32, #tpu.memory_space<hbm>>
      tpu.wait_dma2 semaphore(%arg26 : memref<!tpu.dma_semaphore, #tpu.memory_space<semaphore_mem>>) src(%dma_wait3A_484 : memref<32x128xf32, #tpu.memory_space<hbm>>) dst(%arg9 : memref<32x128xf32, #tpu.memory_space<vmem>>)
      %add3A_485 = arith.constant 3 : i32
      %add3A_486 = arith.addi %mul3A_393, %add3A_485 : i32
      %jit3A_487 = arith.constant 4 : i32
      %div3A_488 = arith.divsi %add3A_486, %jit3A_487 : i32
      %sign3A_489 = arith.constant 0 : i32
      %sign3A_490 = arith.cmpi sgt, %add3A_486, %sign3A_489 : i32
      %sign3A_491 = arith.extui %sign3A_490 : i1 to i32
      %sign3A_492 = arith.constant 0 : i32
      %sign3A_493 = arith.cmpi slt, %add3A_486, %sign3A_492 : i32
      %sign3A_494 = arith.extui %sign3A_493 : i1 to i32
      %sign3A_495 = arith.subi %sign3A_491, %sign3A_494 : i32
      %sign3A_496 = arith.constant 0 : i32
      %sign3A_497 = arith.cmpi sgt, %jit3A_487, %sign3A_496 : i32
      %sign3A_498 = arith.extui %sign3A_497 : i1 to i32
      %sign3A_499 = arith.constant 0 : i32
      %sign3A_500 = arith.cmpi slt, %jit3A_487, %sign3A_499 : i32
      %sign3A_501 = arith.extui %sign3A_500 : i1 to i32
      %sign3A_502 = arith.subi %sign3A_498, %sign3A_501 : i32
      %ne3A_503 = arith.cmpi ne, %sign3A_495, %sign3A_502 : i32
      %rem3A_504 = arith.remsi %add3A_486, %jit3A_487 : i32
      %ne3A_505 = arith.constant 0 : i32
      %ne3A_506 = arith.cmpi ne, %rem3A_504, %ne3A_505 : i32
      %and3A_507 = arith.andi %ne3A_503, %ne3A_506 : i1
      %sub3A_508 = arith.constant 1 : i32
      %sub3A_509 = arith.subi %div3A_488, %sub3A_508 : i32
      %select_n3A_510 = arith.select %and3A_507, %sub3A_509, %div3A_488 : i32
      %get3A = arith.constant 0 : i32
      %get3A_511 = arith.index_cast %select_n3A_510 : i32 to index
      %get3A_512 = arith.index_cast %get3A : i32 to index
      %get3A_513 = arith.constant 96 : index
      %get3A_514 = tpu.vector_load %arg14[%get3A_511, %get3A_512, %get3A_513] {strides = array<i32>} : memref<79x1x128xi32, #tpu.memory_space<vmem>>, vector<1x1x16xi32>,
      %get3A_515 = vector.shape_cast %get3A_514 : vector<1x1x16xi32> to vector<16xi32>
      %swap3A = arith.constant 0 : index
      %swap3A_516 = tpu.vector_load %arg18[%swap3A] {strides = array<i32>} : memref<32xi32, #tpu.memory_space<vmem>>, vector<16xi32>,
      %swap3A_517 = vector.shape_cast %swap3A_516 : vector<16xi32> to vector<16xi32>
      %swap3A_518 = vector.shape_cast %get3A_515 : vector<16xi32> to vector<16xi32>
      tpu.vector_store %arg18[%swap3A], %swap3A_518 {strides = array<i32>} : memref<32xi32, #tpu.memory_space<vmem>>, vector<16xi32>,
      %jit3A_519 = arith.constant 4 : i32
      %div3A_520 = arith.divsi %add3A_486, %jit3A_519 : i32
      %sign3A_521 = arith.constant 0 : i32
      %sign3A_522 = arith.cmpi sgt, %add3A_486, %sign3A_521 : i32
      %sign3A_523 = arith.extui %sign3A_522 : i1 to i32
      %sign3A_524 = arith.constant 0 : i32
      %sign3A_525 = arith.cmpi slt, %add3A_486, %sign3A_524 : i32
      %sign3A_526 = arith.extui %sign3A_525 : i1 to i32
      %sign3A_527 = arith.subi %sign3A_523, %sign3A_526 : i32
      %sign3A_528 = arith.constant 0 : i32
      %sign3A_529 = arith.cmpi sgt, %jit3A_519, %sign3A_528 : i32
      %sign3A_530 = arith.extui %sign3A_529 : i1 to i32
      %sign3A_531 = arith.constant 0 : i32
      %sign3A_532 = arith.cmpi slt, %jit3A_519, %sign3A_531 : i32
      %sign3A_533 = arith.extui %sign3A_532 : i1 to i32
      %sign3A_534 = arith.subi %sign3A_530, %sign3A_533 : i32
      %ne3A_535 = arith.cmpi ne, %sign3A_527, %sign3A_534 : i32
      %rem3A_536 = arith.remsi %add3A_486, %jit3A_519 : i32
      %ne3A_537 = arith.constant 0 : i32
      %ne3A_538 = arith.cmpi ne, %rem3A_536, %ne3A_537 : i32
      %and3A_539 = arith.andi %ne3A_535, %ne3A_538 : i1
      %sub3A_540 = arith.constant 1 : i32
      %sub3A_541 = arith.subi %div3A_520, %sub3A_540 : i32
      %select_n3A_542 = arith.select %and3A_539, %sub3A_541, %div3A_520 : i32
      %get3A_543 = arith.constant 0 : i32
      %get3A_544 = arith.index_cast %select_n3A_542 : i32 to index
      %get3A_545 = arith.index_cast %get3A_543 : i32 to index
      %get3A_546 = arith.constant 112 : index
      %get3A_547 = tpu.vector_load %arg14[%get3A_544, %get3A_545, %get3A_546] {strides = array<i32>} : memref<79x1x128xi32, #tpu.memory_space<vmem>>, vector<1x1x16xi32>,
      %get3A_548 = vector.shape_cast %get3A_547 : vector<1x1x16xi32> to vector<16xi32>
      %swap3A_549 = arith.constant 16 : index
      %swap3A_550 = tpu.vector_load %arg18[%swap3A_549] {strides = array<i32>} : memref<32xi32, #tpu.memory_space<vmem>>, vector<16xi32>,
      %swap3A_551 = vector.shape_cast %swap3A_550 : vector<16xi32> to vector<16xi32>
      %swap3A_552 = vector.shape_cast %get3A_548 : vector<16xi32> to vector<16xi32>
      tpu.vector_store %arg18[%swap3A_549], %swap3A_552 {strides = array<i32>} : memref<32xi32, #tpu.memory_space<vmem>>, vector<16xi32>,
      %dma_start3A_553 = arith.constant 0 : i32
      %dma_start3A_554 = arith.constant 0 : i32
      %dma_start3A_555 = tpu.memref_slice %arg5[%dma_start3A_553, %dma_start3A_554] : memref<10000x128xf32, #tpu.memory_space<vmem_shared>> -> memref<10000x128xf32, #tpu.memory_space<vmem_shared>>
      tpu.enqueue_indirect_dma source(%arg9 : memref<32x128xf32, #tpu.memory_space<vmem>>) target(%dma_start3A_555 : memref<10000x128xf32, #tpu.memory_space<vmem_shared>>) offsets(%arg18 : memref<32xi32, #tpu.memory_space<vmem>>) semaphore(%arg35 : memref<!tpu.dma_semaphore, #tpu.memory_space<semaphore_mem>>) {add = true}
    } else {
    }
    %add3A_418 = arith.constant 4 : i32
    %add3A_419 = arith.addi %mul3A_393, %add3A_418 : i32
    %lt3A_420 = arith.cmpi slt, %add3A_419, %select_n3A : i32
    %convert_element_type3A_421 = arith.extui %lt3A_420 : i1 to i32
    %cond3A_422 = arith.constant 0 : i32
    %cond3A_423 = arith.cmpi ne, %convert_element_type3A_421, %cond3A_422 : i32
    scf.if %cond3A_423 {
      %dma_wait3A_479 = arith.constant 0 : i32
      %dma_wait3A_480 = arith.constant 0 : i32
      %dma_wait3A_481 = tpu.memref_slice %arg2[%dma_wait3A_479, %dma_wait3A_480] : memref<320000x128xf32, #tpu.memory_space<hbm>> -> memref<32x128xf32, #tpu.memory_space<hbm>>
      %dma_wait3A_482 = arith.constant 0 : i32
      %dma_wait3A_483 = arith.constant 0 : i32
      %dma_wait3A_484 = tpu.memref_slice %arg2[%dma_wait3A_482, %dma_wait3A_483] : memref<320000x128xf32, #tpu.memory_space<hbm>> -> memref<32x128xf32, #tpu.memory_space<hbm>>
      tpu.wait_dma2 semaphore(%arg27 : memref<!tpu.dma_semaphore, #tpu.memory_space<semaphore_mem>>) src(%dma_wait3A_484 : memref<32x128xf32, #tpu.memory_space<hbm>>) dst(%arg10 : memref<32x128xf32, #tpu.memory_space<vmem>>)
      %add3A_485 = arith.constant 4 : i32
      %add3A_486 = arith.addi %mul3A_393, %add3A_485 : i32
      %jit3A_487 = arith.constant 4 : i32
      %div3A_488 = arith.divsi %add3A_486, %jit3A_487 : i32
      %sign3A_489 = arith.constant 0 : i32
      %sign3A_490 = arith.cmpi sgt, %add3A_486, %sign3A_489 : i32
      %sign3A_491 = arith.extui %sign3A_490 : i1 to i32
      %sign3A_492 = arith.constant 0 : i32
      %sign3A_493 = arith.cmpi slt, %add3A_486, %sign3A_492 : i32
      %sign3A_494 = arith.extui %sign3A_493 : i1 to i32
      %sign3A_495 = arith.subi %sign3A_491, %sign3A_494 : i32
      %sign3A_496 = arith.constant 0 : i32
      %sign3A_497 = arith.cmpi sgt, %jit3A_487, %sign3A_496 : i32
      %sign3A_498 = arith.extui %sign3A_497 : i1 to i32
      %sign3A_499 = arith.constant 0 : i32
      %sign3A_500 = arith.cmpi slt, %jit3A_487, %sign3A_499 : i32
      %sign3A_501 = arith.extui %sign3A_500 : i1 to i32
      %sign3A_502 = arith.subi %sign3A_498, %sign3A_501 : i32
      %ne3A_503 = arith.cmpi ne, %sign3A_495, %sign3A_502 : i32
      %rem3A_504 = arith.remsi %add3A_486, %jit3A_487 : i32
      %ne3A_505 = arith.constant 0 : i32
      %ne3A_506 = arith.cmpi ne, %rem3A_504, %ne3A_505 : i32
      %and3A_507 = arith.andi %ne3A_503, %ne3A_506 : i1
      %sub3A_508 = arith.constant 1 : i32
      %sub3A_509 = arith.subi %div3A_488, %sub3A_508 : i32
      %select_n3A_510 = arith.select %and3A_507, %sub3A_509, %div3A_488 : i32
      %get3A = arith.constant 0 : i32
      %get3A_511 = arith.index_cast %select_n3A_510 : i32 to index
      %get3A_512 = arith.index_cast %get3A : i32 to index
      %get3A_513 = arith.constant 0 : index
      %get3A_514 = tpu.vector_load %arg14[%get3A_511, %get3A_512, %get3A_513] {strides = array<i32>} : memref<79x1x128xi32, #tpu.memory_space<vmem>>, vector<1x1x16xi32>,
      %get3A_515 = vector.shape_cast %get3A_514 : vector<1x1x16xi32> to vector<16xi32>
      %swap3A = arith.constant 0 : index
      %swap3A_516 = tpu.vector_load %arg19[%swap3A] {strides = array<i32>} : memref<32xi32, #tpu.memory_space<vmem>>, vector<16xi32>,
      %swap3A_517 = vector.shape_cast %swap3A_516 : vector<16xi32> to vector<16xi32>
      %swap3A_518 = vector.shape_cast %get3A_515 : vector<16xi32> to vector<16xi32>
      tpu.vector_store %arg19[%swap3A], %swap3A_518 {strides = array<i32>} : memref<32xi32, #tpu.memory_space<vmem>>, vector<16xi32>,
      %jit3A_519 = arith.constant 4 : i32
      %div3A_520 = arith.divsi %add3A_486, %jit3A_519 : i32
      %sign3A_521 = arith.constant 0 : i32
      %sign3A_522 = arith.cmpi sgt, %add3A_486, %sign3A_521 : i32
      %sign3A_523 = arith.extui %sign3A_522 : i1 to i32
      %sign3A_524 = arith.constant 0 : i32
      %sign3A_525 = arith.cmpi slt, %add3A_486, %sign3A_524 : i32
      %sign3A_526 = arith.extui %sign3A_525 : i1 to i32
      %sign3A_527 = arith.subi %sign3A_523, %sign3A_526 : i32
      %sign3A_528 = arith.constant 0 : i32
      %sign3A_529 = arith.cmpi sgt, %jit3A_519, %sign3A_528 : i32
      %sign3A_530 = arith.extui %sign3A_529 : i1 to i32
      %sign3A_531 = arith.constant 0 : i32
      %sign3A_532 = arith.cmpi slt, %jit3A_519, %sign3A_531 : i32
      %sign3A_533 = arith.extui %sign3A_532 : i1 to i32
      %sign3A_534 = arith.subi %sign3A_530, %sign3A_533 : i32
      %ne3A_535 = arith.cmpi ne, %sign3A_527, %sign3A_534 : i32
      %rem3A_536 = arith.remsi %add3A_486, %jit3A_519 : i32
      %ne3A_537 = arith.constant 0 : i32
      %ne3A_538 = arith.cmpi ne, %rem3A_536, %ne3A_537 : i32
      %and3A_539 = arith.andi %ne3A_535, %ne3A_538 : i1
      %sub3A_540 = arith.constant 1 : i32
      %sub3A_541 = arith.subi %div3A_520, %sub3A_540 : i32
      %select_n3A_542 = arith.select %and3A_539, %sub3A_541, %div3A_520 : i32
      %get3A_543 = arith.constant 0 : i32
      %get3A_544 = arith.index_cast %select_n3A_542 : i32 to index
      %get3A_545 = arith.index_cast %get3A_543 : i32 to index
      %get3A_546 = arith.constant 16 : index
      %get3A_547 = tpu.vector_load %arg14[%get3A_544, %get3A_545, %get3A_546] {strides = array<i32>} : memref<79x1x128xi32, #tpu.memory_space<vmem>>, vector<1x1x16xi32>,
      %get3A_548 = vector.shape_cast %get3A_547 : vector<1x1x16xi32> to vector<16xi32>
      %swap3A_549 = arith.constant 16 : index
      %swap3A_550 = tpu.vector_load %arg19[%swap3A_549] {strides = array<i32>} : memref<32xi32, #tpu.memory_space<vmem>>, vector<16xi32>,
      %swap3A_551 = vector.shape_cast %swap3A_550 : vector<16xi32> to vector<16xi32>
      %swap3A_552 = vector.shape_cast %get3A_548 : vector<16xi32> to vector<16xi32>
      tpu.vector_store %arg19[%swap3A_549], %swap3A_552 {strides = array<i32>} : memref<32xi32, #tpu.memory_space<vmem>>, vector<16xi32>,
      %dma_start3A_553 = arith.constant 0 : i32
      %dma_start3A_554 = arith.constant 0 : i32
      %dma_start3A_555 = tpu.memref_slice %arg5[%dma_start3A_553, %dma_start3A_554] : memref<10000x128xf32, #tpu.memory_space<vmem_shared>> -> memref<10000x128xf32, #tpu.memory_space<vmem_shared>>
      tpu.enqueue_indirect_dma source(%arg10 : memref<32x128xf32, #tpu.memory_space<vmem>>) target(%dma_start3A_555 : memref<10000x128xf32, #tpu.memory_space<vmem_shared>>) offsets(%arg19 : memref<32xi32, #tpu.memory_space<vmem>>) semaphore(%arg36 : memref<!tpu.dma_semaphore, #tpu.memory_space<semaphore_mem>>) {add = true}
    } else {
    }
    %add3A_424 = arith.constant 5 : i32
    %add3A_425 = arith.addi %mul3A_393, %add3A_424 : i32
    %lt3A_426 = arith.cmpi slt, %add3A_425, %select_n3A : i32
    %convert_element_type3A_427 = arith.extui %lt3A_426 : i1 to i32
    %cond3A_428 = arith.constant 0 : i32
    %cond3A_429 = arith.cmpi ne, %convert_element_type3A_427, %cond3A_428 : i32
    scf.if %cond3A_429 {
      %dma_wait3A_479 = arith.constant 0 : i32
      %dma_wait3A_480 = arith.constant 0 : i32
      %dma_wait3A_481 = tpu.memref_slice %arg2[%dma_wait3A_479, %dma_wait3A_480] : memref<320000x128xf32, #tpu.memory_space<hbm>> -> memref<32x128xf32, #tpu.memory_space<hbm>>
      %dma_wait3A_482 = arith.constant 0 : i32
      %dma_wait3A_483 = arith.constant 0 : i32
      %dma_wait3A_484 = tpu.memref_slice %arg2[%dma_wait3A_482, %dma_wait3A_483] : memref<320000x128xf32, #tpu.memory_space<hbm>> -> memref<32x128xf32, #tpu.memory_space<hbm>>
      tpu.wait_dma2 semaphore(%arg28 : memref<!tpu.dma_semaphore, #tpu.memory_space<semaphore_mem>>) src(%dma_wait3A_484 : memref<32x128xf32, #tpu.memory_space<hbm>>) dst(%arg11 : memref<32x128xf32, #tpu.memory_space<vmem>>)
      %add3A_485 = arith.constant 5 : i32
      %add3A_486 = arith.addi %mul3A_393, %add3A_485 : i32
      %jit3A_487 = arith.constant 4 : i32
      %div3A_488 = arith.divsi %add3A_486, %jit3A_487 : i32
      %sign3A_489 = arith.constant 0 : i32
      %sign3A_490 = arith.cmpi sgt, %add3A_486, %sign3A_489 : i32
      %sign3A_491 = arith.extui %sign3A_490 : i1 to i32
      %sign3A_492 = arith.constant 0 : i32
      %sign3A_493 = arith.cmpi slt, %add3A_486, %sign3A_492 : i32
      %sign3A_494 = arith.extui %sign3A_493 : i1 to i32
      %sign3A_495 = arith.subi %sign3A_491, %sign3A_494 : i32
      %sign3A_496 = arith.constant 0 : i32
      %sign3A_497 = arith.cmpi sgt, %jit3A_487, %sign3A_496 : i32
      %sign3A_498 = arith.extui %sign3A_497 : i1 to i32
      %sign3A_499 = arith.constant 0 : i32
      %sign3A_500 = arith.cmpi slt, %jit3A_487, %sign3A_499 : i32
      %sign3A_501 = arith.extui %sign3A_500 : i1 to i32
      %sign3A_502 = arith.subi %sign3A_498, %sign3A_501 : i32
      %ne3A_503 = arith.cmpi ne, %sign3A_495, %sign3A_502 : i32
      %rem3A_504 = arith.remsi %add3A_486, %jit3A_487 : i32
      %ne3A_505 = arith.constant 0 : i32
      %ne3A_506 = arith.cmpi ne, %rem3A_504, %ne3A_505 : i32
      %and3A_507 = arith.andi %ne3A_503, %ne3A_506 : i1
      %sub3A_508 = arith.constant 1 : i32
      %sub3A_509 = arith.subi %div3A_488, %sub3A_508 : i32
      %select_n3A_510 = arith.select %and3A_507, %sub3A_509, %div3A_488 : i32
      %get3A = arith.constant 0 : i32
      %get3A_511 = arith.index_cast %select_n3A_510 : i32 to index
      %get3A_512 = arith.index_cast %get3A : i32 to index
      %get3A_513 = arith.constant 32 : index
      %get3A_514 = tpu.vector_load %arg14[%get3A_511, %get3A_512, %get3A_513] {strides = array<i32>} : memref<79x1x128xi32, #tpu.memory_space<vmem>>, vector<1x1x16xi32>,
      %get3A_515 = vector.shape_cast %get3A_514 : vector<1x1x16xi32> to vector<16xi32>
      %swap3A = arith.constant 0 : index
      %swap3A_516 = tpu.vector_load %arg20[%swap3A] {strides = array<i32>} : memref<32xi32, #tpu.memory_space<vmem>>, vector<16xi32>,
      %swap3A_517 = vector.shape_cast %swap3A_516 : vector<16xi32> to vector<16xi32>
      %swap3A_518 = vector.shape_cast %get3A_515 : vector<16xi32> to vector<16xi32>
      tpu.vector_store %arg20[%swap3A], %swap3A_518 {strides = array<i32>} : memref<32xi32, #tpu.memory_space<vmem>>, vector<16xi32>,
      %jit3A_519 = arith.constant 4 : i32
      %div3A_520 = arith.divsi %add3A_486, %jit3A_519 : i32
      %sign3A_521 = arith.constant 0 : i32
      %sign3A_522 = arith.cmpi sgt, %add3A_486, %sign3A_521 : i32
      %sign3A_523 = arith.extui %sign3A_522 : i1 to i32
      %sign3A_524 = arith.constant 0 : i32
      %sign3A_525 = arith.cmpi slt, %add3A_486, %sign3A_524 : i32
      %sign3A_526 = arith.extui %sign3A_525 : i1 to i32
      %sign3A_527 = arith.subi %sign3A_523, %sign3A_526 : i32
      %sign3A_528 = arith.constant 0 : i32
      %sign3A_529 = arith.cmpi sgt, %jit3A_519, %sign3A_528 : i32
      %sign3A_530 = arith.extui %sign3A_529 : i1 to i32
      %sign3A_531 = arith.constant 0 : i32
      %sign3A_532 = arith.cmpi slt, %jit3A_519, %sign3A_531 : i32
      %sign3A_533 = arith.extui %sign3A_532 : i1 to i32
      %sign3A_534 = arith.subi %sign3A_530, %sign3A_533 : i32
      %ne3A_535 = arith.cmpi ne, %sign3A_527, %sign3A_534 : i32
      %rem3A_536 = arith.remsi %add3A_486, %jit3A_519 : i32
      %ne3A_537 = arith.constant 0 : i32
      %ne3A_538 = arith.cmpi ne, %rem3A_536, %ne3A_537 : i32
      %and3A_539 = arith.andi %ne3A_535, %ne3A_538 : i1
      %sub3A_540 = arith.constant 1 : i32
      %sub3A_541 = arith.subi %div3A_520, %sub3A_540 : i32
      %select_n3A_542 = arith.select %and3A_539, %sub3A_541, %div3A_520 : i32
      %get3A_543 = arith.constant 0 : i32
      %get3A_544 = arith.index_cast %select_n3A_542 : i32 to index
      %get3A_545 = arith.index_cast %get3A_543 : i32 to index
      %get3A_546 = arith.constant 48 : index
      %get3A_547 = tpu.vector_load %arg14[%get3A_544, %get3A_545, %get3A_546] {strides = array<i32>} : memref<79x1x128xi32, #tpu.memory_space<vmem>>, vector<1x1x16xi32>,
      %get3A_548 = vector.shape_cast %get3A_547 : vector<1x1x16xi32> to vector<16xi32>
      %swap3A_549 = arith.constant 16 : index
      %swap3A_550 = tpu.vector_load %arg20[%swap3A_549] {strides = array<i32>} : memref<32xi32, #tpu.memory_space<vmem>>, vector<16xi32>,
      %swap3A_551 = vector.shape_cast %swap3A_550 : vector<16xi32> to vector<16xi32>
      %swap3A_552 = vector.shape_cast %get3A_548 : vector<16xi32> to vector<16xi32>
      tpu.vector_store %arg20[%swap3A_549], %swap3A_552 {strides = array<i32>} : memref<32xi32, #tpu.memory_space<vmem>>, vector<16xi32>,
      %dma_start3A_553 = arith.constant 0 : i32
      %dma_start3A_554 = arith.constant 0 : i32
      %dma_start3A_555 = tpu.memref_slice %arg5[%dma_start3A_553, %dma_start3A_554] : memref<10000x128xf32, #tpu.memory_space<vmem_shared>> -> memref<10000x128xf32, #tpu.memory_space<vmem_shared>>
      tpu.enqueue_indirect_dma source(%arg11 : memref<32x128xf32, #tpu.memory_space<vmem>>) target(%dma_start3A_555 : memref<10000x128xf32, #tpu.memory_space<vmem_shared>>) offsets(%arg20 : memref<32xi32, #tpu.memory_space<vmem>>) semaphore(%arg37 : memref<!tpu.dma_semaphore, #tpu.memory_space<semaphore_mem>>) {add = true}
    } else {
    }
    %add3A_430 = arith.constant 6 : i32
    %add3A_431 = arith.addi %mul3A_393, %add3A_430 : i32
    %lt3A_432 = arith.cmpi slt, %add3A_431, %select_n3A : i32
    %convert_element_type3A_433 = arith.extui %lt3A_432 : i1 to i32
    %cond3A_434 = arith.constant 0 : i32
    %cond3A_435 = arith.cmpi ne, %convert_element_type3A_433, %cond3A_434 : i32
    scf.if %cond3A_435 {
      %dma_wait3A_479 = arith.constant 0 : i32
      %dma_wait3A_480 = arith.constant 0 : i32
      %dma_wait3A_481 = tpu.memref_slice %arg2[%dma_wait3A_479, %dma_wait3A_480] : memref<320000x128xf32, #tpu.memory_space<hbm>> -> memref<32x128xf32, #tpu.memory_space<hbm>>
      %dma_wait3A_482 = arith.constant 0 : i32
      %dma_wait3A_483 = arith.constant 0 : i32
      %dma_wait3A_484 = tpu.memref_slice %arg2[%dma_wait3A_482, %dma_wait3A_483] : memref<320000x128xf32, #tpu.memory_space<hbm>> -> memref<32x128xf32, #tpu.memory_space<hbm>>
      tpu.wait_dma2 semaphore(%arg29 : memref<!tpu.dma_semaphore, #tpu.memory_space<semaphore_mem>>) src(%dma_wait3A_484 : memref<32x128xf32, #tpu.memory_space<hbm>>) dst(%arg12 : memref<32x128xf32, #tpu.memory_space<vmem>>)
      %add3A_485 = arith.constant 6 : i32
      %add3A_486 = arith.addi %mul3A_393, %add3A_485 : i32
      %jit3A_487 = arith.constant 4 : i32
      %div3A_488 = arith.divsi %add3A_486, %jit3A_487 : i32
      %sign3A_489 = arith.constant 0 : i32
      %sign3A_490 = arith.cmpi sgt, %add3A_486, %sign3A_489 : i32
      %sign3A_491 = arith.extui %sign3A_490 : i1 to i32
      %sign3A_492 = arith.constant 0 : i32
      %sign3A_493 = arith.cmpi slt, %add3A_486, %sign3A_492 : i32
      %sign3A_494 = arith.extui %sign3A_493 : i1 to i32
      %sign3A_495 = arith.subi %sign3A_491, %sign3A_494 : i32
      %sign3A_496 = arith.constant 0 : i32
      %sign3A_497 = arith.cmpi sgt, %jit3A_487, %sign3A_496 : i32
      %sign3A_498 = arith.extui %sign3A_497 : i1 to i32
      %sign3A_499 = arith.constant 0 : i32
      %sign3A_500 = arith.cmpi slt, %jit3A_487, %sign3A_499 : i32
      %sign3A_501 = arith.extui %sign3A_500 : i1 to i32
      %sign3A_502 = arith.subi %sign3A_498, %sign3A_501 : i32
      %ne3A_503 = arith.cmpi ne, %sign3A_495, %sign3A_502 : i32
      %rem3A_504 = arith.remsi %add3A_486, %jit3A_487 : i32
      %ne3A_505 = arith.constant 0 : i32
      %ne3A_506 = arith.cmpi ne, %rem3A_504, %ne3A_505 : i32
      %and3A_507 = arith.andi %ne3A_503, %ne3A_506 : i1
      %sub3A_508 = arith.constant 1 : i32
      %sub3A_509 = arith.subi %div3A_488, %sub3A_508 : i32
      %select_n3A_510 = arith.select %and3A_507, %sub3A_509, %div3A_488 : i32
      %get3A = arith.constant 0 : i32
      %get3A_511 = arith.index_cast %select_n3A_510 : i32 to index
      %get3A_512 = arith.index_cast %get3A : i32 to index
      %get3A_513 = arith.constant 64 : index
      %get3A_514 = tpu.vector_load %arg14[%get3A_511, %get3A_512, %get3A_513] {strides = array<i32>} : memref<79x1x128xi32, #tpu.memory_space<vmem>>, vector<1x1x16xi32>,
      %get3A_515 = vector.shape_cast %get3A_514 : vector<1x1x16xi32> to vector<16xi32>
      %swap3A = arith.constant 0 : index
      %swap3A_516 = tpu.vector_load %arg21[%swap3A] {strides = array<i32>} : memref<32xi32, #tpu.memory_space<vmem>>, vector<16xi32>,
      %swap3A_517 = vector.shape_cast %swap3A_516 : vector<16xi32> to vector<16xi32>
      %swap3A_518 = vector.shape_cast %get3A_515 : vector<16xi32> to vector<16xi32>
      tpu.vector_store %arg21[%swap3A], %swap3A_518 {strides = array<i32>} : memref<32xi32, #tpu.memory_space<vmem>>, vector<16xi32>,
      %jit3A_519 = arith.constant 4 : i32
      %div3A_520 = arith.divsi %add3A_486, %jit3A_519 : i32
      %sign3A_521 = arith.constant 0 : i32
      %sign3A_522 = arith.cmpi sgt, %add3A_486, %sign3A_521 : i32
      %sign3A_523 = arith.extui %sign3A_522 : i1 to i32
      %sign3A_524 = arith.constant 0 : i32
      %sign3A_525 = arith.cmpi slt, %add3A_486, %sign3A_524 : i32
      %sign3A_526 = arith.extui %sign3A_525 : i1 to i32
      %sign3A_527 = arith.subi %sign3A_523, %sign3A_526 : i32
      %sign3A_528 = arith.constant 0 : i32
      %sign3A_529 = arith.cmpi sgt, %jit3A_519, %sign3A_528 : i32
      %sign3A_530 = arith.extui %sign3A_529 : i1 to i32
      %sign3A_531 = arith.constant 0 : i32
      %sign3A_532 = arith.cmpi slt, %jit3A_519, %sign3A_531 : i32
      %sign3A_533 = arith.extui %sign3A_532 : i1 to i32
      %sign3A_534 = arith.subi %sign3A_530, %sign3A_533 : i32
      %ne3A_535 = arith.cmpi ne, %sign3A_527, %sign3A_534 : i32
      %rem3A_536 = arith.remsi %add3A_486, %jit3A_519 : i32
      %ne3A_537 = arith.constant 0 : i32
      %ne3A_538 = arith.cmpi ne, %rem3A_536, %ne3A_537 : i32
      %and3A_539 = arith.andi %ne3A_535, %ne3A_538 : i1
      %sub3A_540 = arith.constant 1 : i32
      %sub3A_541 = arith.subi %div3A_520, %sub3A_540 : i32
      %select_n3A_542 = arith.select %and3A_539, %sub3A_541, %div3A_520 : i32
      %get3A_543 = arith.constant 0 : i32
      %get3A_544 = arith.index_cast %select_n3A_542 : i32 to index
      %get3A_545 = arith.index_cast %get3A_543 : i32 to index
      %get3A_546 = arith.constant 80 : index
      %get3A_547 = tpu.vector_load %arg14[%get3A_544, %get3A_545, %get3A_546] {strides = array<i32>} : memref<79x1x128xi32, #tpu.memory_space<vmem>>, vector<1x1x16xi32>,
      %get3A_548 = vector.shape_cast %get3A_547 : vector<1x1x16xi32> to vector<16xi32>
      %swap3A_549 = arith.constant 16 : index
      %swap3A_550 = tpu.vector_load %arg21[%swap3A_549] {strides = array<i32>} : memref<32xi32, #tpu.memory_space<vmem>>, vector<16xi32>,
      %swap3A_551 = vector.shape_cast %swap3A_550 : vector<16xi32> to vector<16xi32>
      %swap3A_552 = vector.shape_cast %get3A_548 : vector<16xi32> to vector<16xi32>
      tpu.vector_store %arg21[%swap3A_549], %swap3A_552 {strides = array<i32>} : memref<32xi32, #tpu.memory_space<vmem>>, vector<16xi32>,
      %dma_start3A_553 = arith.constant 0 : i32
      %dma_start3A_554 = arith.constant 0 : i32
      %dma_start3A_555 = tpu.memref_slice %arg5[%dma_start3A_553, %dma_start3A_554] : memref<10000x128xf32, #tpu.memory_space<vmem_shared>> -> memref<10000x128xf32, #tpu.memory_space<vmem_shared>>
      tpu.enqueue_indirect_dma source(%arg12 : memref<32x128xf32, #tpu.memory_space<vmem>>) target(%dma_start3A_555 : memref<10000x128xf32, #tpu.memory_space<vmem_shared>>) offsets(%arg21 : memref<32xi32, #tpu.memory_space<vmem>>) semaphore(%arg38 : memref<!tpu.dma_semaphore, #tpu.memory_space<semaphore_mem>>) {add = true}
    } else {
    }
    %add3A_436 = arith.constant 0 : i32
    %add3A_437 = arith.addi %mul3A_393, %add3A_436 : i32
    %lt3A_438 = arith.cmpi slt, %add3A_437, %select_n3A : i32
    %convert_element_type3A_439 = arith.extui %lt3A_438 : i1 to i32
    %cond3A_440 = arith.constant 0 : i32
    %cond3A_441 = arith.cmpi ne, %convert_element_type3A_439, %cond3A_440 : i32
    scf.if %cond3A_441 {
      %dma_wait3A_479 = arith.constant 0 : i32
      %dma_wait3A_480 = arith.constant 0 : i32
      %dma_wait3A_481 = tpu.memref_slice %arg5[%dma_wait3A_479, %dma_wait3A_480] : memref<10000x128xf32, #tpu.memory_space<vmem_shared>> -> memref<10000x128xf32, #tpu.memory_space<vmem_shared>>
      tpu.wait_indirect_dma semaphore(%arg32 : memref<!tpu.dma_semaphore, #tpu.memory_space<semaphore_mem>>) src(%arg6 : memref<32x128xf32, #tpu.memory_space<vmem>>) dst(%dma_wait3A_481 : memref<10000x128xf32, #tpu.memory_space<vmem_shared>>)
    } else {
    }
    %add3A_442 = arith.constant 1 : i32
    %add3A_443 = arith.addi %mul3A_393, %add3A_442 : i32
    %lt3A_444 = arith.cmpi slt, %add3A_443, %select_n3A : i32
    %convert_element_type3A_445 = arith.extui %lt3A_444 : i1 to i32
    %cond3A_446 = arith.constant 0 : i32
    %cond3A_447 = arith.cmpi ne, %convert_element_type3A_445, %cond3A_446 : i32
    scf.if %cond3A_447 {
      %dma_wait3A_479 = arith.constant 0 : i32
      %dma_wait3A_480 = arith.constant 0 : i32
      %dma_wait3A_481 = tpu.memref_slice %arg5[%dma_wait3A_479, %dma_wait3A_480] : memref<10000x128xf32, #tpu.memory_space<vmem_shared>> -> memref<10000x128xf32, #tpu.memory_space<vmem_shared>>
      tpu.wait_indirect_dma semaphore(%arg33 : memref<!tpu.dma_semaphore, #tpu.memory_space<semaphore_mem>>) src(%arg7 : memref<32x128xf32, #tpu.memory_space<vmem>>) dst(%dma_wait3A_481 : memref<10000x128xf32, #tpu.memory_space<vmem_shared>>)
    } else {
    }
    %add3A_448 = arith.constant 2 : i32
    %add3A_449 = arith.addi %mul3A_393, %add3A_448 : i32
    %lt3A_450 = arith.cmpi slt, %add3A_449, %select_n3A : i32
    %convert_element_type3A_451 = arith.extui %lt3A_450 : i1 to i32
    %cond3A_452 = arith.constant 0 : i32
    %cond3A_453 = arith.cmpi ne, %convert_element_type3A_451, %cond3A_452 : i32
    scf.if %cond3A_453 {
      %dma_wait3A_479 = arith.constant 0 : i32
      %dma_wait3A_480 = arith.constant 0 : i32
      %dma_wait3A_481 = tpu.memref_slice %arg5[%dma_wait3A_479, %dma_wait3A_480] : memref<10000x128xf32, #tpu.memory_space<vmem_shared>> -> memref<10000x128xf32, #tpu.memory_space<vmem_shared>>
      tpu.wait_indirect_dma semaphore(%arg34 : memref<!tpu.dma_semaphore, #tpu.memory_space<semaphore_mem>>) src(%arg8 : memref<32x128xf32, #tpu.memory_space<vmem>>) dst(%dma_wait3A_481 : memref<10000x128xf32, #tpu.memory_space<vmem_shared>>)
    } else {
    }
    %add3A_454 = arith.constant 3 : i32
    %add3A_455 = arith.addi %mul3A_393, %add3A_454 : i32
    %lt3A_456 = arith.cmpi slt, %add3A_455, %select_n3A : i32
    %convert_element_type3A_457 = arith.extui %lt3A_456 : i1 to i32
    %cond3A_458 = arith.constant 0 : i32
    %cond3A_459 = arith.cmpi ne, %convert_element_type3A_457, %cond3A_458 : i32
    scf.if %cond3A_459 {
      %dma_wait3A_479 = arith.constant 0 : i32
      %dma_wait3A_480 = arith.constant 0 : i32
      %dma_wait3A_481 = tpu.memref_slice %arg5[%dma_wait3A_479, %dma_wait3A_480] : memref<10000x128xf32, #tpu.memory_space<vmem_shared>> -> memref<10000x128xf32, #tpu.memory_space<vmem_shared>>
      tpu.wait_indirect_dma semaphore(%arg35 : memref<!tpu.dma_semaphore, #tpu.memory_space<semaphore_mem>>) src(%arg9 : memref<32x128xf32, #tpu.memory_space<vmem>>) dst(%dma_wait3A_481 : memref<10000x128xf32, #tpu.memory_space<vmem_shared>>)
    } else {
    }
    %add3A_460 = arith.constant 4 : i32
    %add3A_461 = arith.addi %mul3A_393, %add3A_460 : i32
    %lt3A_462 = arith.cmpi slt, %add3A_461, %select_n3A : i32
    %convert_element_type3A_463 = arith.extui %lt3A_462 : i1 to i32
    %cond3A_464 = arith.constant 0 : i32
    %cond3A_465 = arith.cmpi ne, %convert_element_type3A_463, %cond3A_464 : i32
    scf.if %cond3A_465 {
      %dma_wait3A_479 = arith.constant 0 : i32
      %dma_wait3A_480 = arith.constant 0 : i32
      %dma_wait3A_481 = tpu.memref_slice %arg5[%dma_wait3A_479, %dma_wait3A_480] : memref<10000x128xf32, #tpu.memory_space<vmem_shared>> -> memref<10000x128xf32, #tpu.memory_space<vmem_shared>>
      tpu.wait_indirect_dma semaphore(%arg36 : memref<!tpu.dma_semaphore, #tpu.memory_space<semaphore_mem>>) src(%arg10 : memref<32x128xf32, #tpu.memory_space<vmem>>) dst(%dma_wait3A_481 : memref<10000x128xf32, #tpu.memory_space<vmem_shared>>)
    } else {
    }
    %add3A_466 = arith.constant 5 : i32
    %add3A_467 = arith.addi %mul3A_393, %add3A_466 : i32
    %lt3A_468 = arith.cmpi slt, %add3A_467, %select_n3A : i32
    %convert_element_type3A_469 = arith.extui %lt3A_468 : i1 to i32
    %cond3A_470 = arith.constant 0 : i32
    %cond3A_471 = arith.cmpi ne, %convert_element_type3A_469, %cond3A_470 : i32
    scf.if %cond3A_471 {
      %dma_wait3A_479 = arith.constant 0 : i32
      %dma_wait3A_480 = arith.constant 0 : i32
      %dma_wait3A_481 = tpu.memref_slice %arg5[%dma_wait3A_479, %dma_wait3A_480] : memref<10000x128xf32, #tpu.memory_space<vmem_shared>> -> memref<10000x128xf32, #tpu.memory_space<vmem_shared>>
      tpu.wait_indirect_dma semaphore(%arg37 : memref<!tpu.dma_semaphore, #tpu.memory_space<semaphore_mem>>) src(%arg11 : memref<32x128xf32, #tpu.memory_space<vmem>>) dst(%dma_wait3A_481 : memref<10000x128xf32, #tpu.memory_space<vmem_shared>>)
    } else {
    }
    %add3A_472 = arith.constant 6 : i32
    %add3A_473 = arith.addi %mul3A_393, %add3A_472 : i32
    %lt3A_474 = arith.cmpi slt, %add3A_473, %select_n3A : i32
    %convert_element_type3A_475 = arith.extui %lt3A_474 : i1 to i32
    %cond3A_476 = arith.constant 0 : i32
    %cond3A_477 = arith.cmpi ne, %convert_element_type3A_475, %cond3A_476 : i32
    scf.if %cond3A_477 {
      %dma_wait3A_479 = arith.constant 0 : i32
      %dma_wait3A_480 = arith.constant 0 : i32
      %dma_wait3A_481 = tpu.memref_slice %arg5[%dma_wait3A_479, %dma_wait3A_480] : memref<10000x128xf32, #tpu.memory_space<vmem_shared>> -> memref<10000x128xf32, #tpu.memory_space<vmem_shared>>
      tpu.wait_indirect_dma semaphore(%arg38 : memref<!tpu.dma_semaphore, #tpu.memory_space<semaphore_mem>>) src(%arg12 : memref<32x128xf32, #tpu.memory_space<vmem>>) dst(%dma_wait3A_481 : memref<10000x128xf32, #tpu.memory_space<vmem_shared>>)
    } else {
    }
    %barrier3A_478 = arith.constant 0 : index
    tpu.barrier barrier_id(%barrier3A_478)
    "tpu.region"() ({
      %run_scoped3A = tpu.sem_alloc : memref<!tpu.dma_semaphore, #tpu.memory_space<semaphore_mem>>
      %dma_start3A_479 = arith.constant 0 : i32
      %dma_start3A_480 = tpu.memref_slice %arg4[%arg0, %mul3A_6, %dma_start3A_479] : memref<2x10000x128xf32, #tpu.memory_space<hbm>> -> memref<1x640x128xf32, #tpu.memory_space<hbm>>
      %dma_start3A_481 = tpu.memref_squeeze %dma_start3A_480 : memref<1x640x128xf32, #tpu.memory_space<hbm>> -> memref<640x128xf32, #tpu.memory_space<hbm>>
      %dma_start3A_482 = arith.constant 0 : i32
      %dma_start3A_483 = tpu.memref_slice %arg5[%mul3A_6, %dma_start3A_482] : memref<10000x128xf32, #tpu.memory_space<vmem_shared>> -> memref<640x128xf32, #tpu.memory_space<vmem_shared>>
      tpu.enqueue_dma source(%dma_start3A_483 : memref<640x128xf32, #tpu.memory_space<vmem_shared>>) target(%dma_start3A_481 : memref<640x128xf32, #tpu.memory_space<hbm>>) target_semaphore(%run_scoped3A : memref<!tpu.dma_semaphore, #tpu.memory_space<semaphore_mem>>)
      %dma_wait3A_484 = arith.constant 0 : i32
      %dma_wait3A_485 = tpu.memref_slice %arg4[%arg0, %mul3A_6, %dma_wait3A_484] : memref<2x10000x128xf32, #tpu.memory_space<hbm>> -> memref<1x640x128xf32, #tpu.memory_space<hbm>>
      %dma_wait3A_486 = tpu.memref_squeeze %dma_wait3A_485 : memref<1x640x128xf32, #tpu.memory_space<hbm>> -> memref<640x128xf32, #tpu.memory_space<hbm>>
      %dma_wait3A_487 = arith.constant 0 : i32
      %dma_wait3A_488 = tpu.memref_slice %arg5[%mul3A_6, %dma_wait3A_487] : memref<10000x128xf32, #tpu.memory_space<vmem_shared>> -> memref<640x128xf32, #tpu.memory_space<vmem_shared>>
      tpu.wait_dma2 semaphore(%run_scoped3A : memref<!tpu.dma_semaphore, #tpu.memory_space<semaphore_mem>>) src(%dma_wait3A_488 : memref<640x128xf32, #tpu.memory_space<vmem_shared>>) dst(%dma_wait3A_486 : memref<640x128xf32, #tpu.memory_space<hbm>>)
      tpu.yield
    }) : () -> ()
    return
  }
}

module attributes {stable_mosaic.version = 14 : i64} {
  func.func @_combine_body(%arg0: i32, %arg1: memref<2x2000x128xf32, #tpu.memory_space<vmem>>, %arg2: memref<2000x128xf32, #tpu.memory_space<vmem>>) attributes {dimension_semantics = [#tpu.dimension_semantics<arbitrary>], iteration_bounds = array<i64: 5>, scalar_prefetch = 0 : i64, scratch_operands = 0 : i64, tpu.core_type = #tpu.core_type<tc>, window_params = [{transform_indices = @transform_0, window_bounds = array<i64: 2, 2000, 128>}, {transform_indices = @transform_1, window_bounds = array<i64: 2000, 128>}]} {
    %get3A = arith.constant 0 : index
    %get3A_0 = arith.constant 0 : index
    %get3A_1 = arith.constant 0 : index
    %get3A_2 = vector.load %arg1[%get3A, %get3A_0, %get3A_1] : memref<2x2000x128xf32, #tpu.memory_space<vmem>>, vector<1x2000x128xf32>
    %get3A_3 = vector.shape_cast %get3A_2 : vector<1x2000x128xf32> to vector<2000x128xf32>
    %get3A_4 = arith.constant 1 : index
    %get3A_5 = arith.constant 0 : index
    %get3A_6 = arith.constant 0 : index
    %get3A_7 = vector.load %arg1[%get3A_4, %get3A_5, %get3A_6] : memref<2x2000x128xf32, #tpu.memory_space<vmem>>, vector<1x2000x128xf32>
    %get3A_8 = vector.shape_cast %get3A_7 : vector<1x2000x128xf32> to vector<2000x128xf32>
    %add3A = arith.addf %get3A_3, %get3A_8 : vector<2000x128xf32>
    %swap3A = arith.constant 0 : index
    %swap3A_9 = arith.constant 0 : index
    %swap3A_10 = vector.load %arg2[%swap3A, %swap3A_9] : memref<2000x128xf32, #tpu.memory_space<vmem>>, vector<2000x128xf32>
    tpu.vector_store %arg2[%swap3A, %swap3A_9], %add3A {strides = array<i32>} : memref<2000x128xf32, #tpu.memory_space<vmem>>, vector<2000x128xf32>,
    return
  }
  func.func @transform_0(%arg0: i32) -> (i32, i32, i32) {
    %c0_i32 = arith.constant 0 : i32
    %c0_i32_0 = arith.constant 0 : i32
    %c0_i32_1 = arith.constant 0 : i32
    return %c0_i32, %arg0, %c0_i32_0 : i32, i32, i32
  }
  func.func @transform_1(%arg0: i32) -> (i32, i32) {
    %c0_i32 = arith.constant 0 : i32
    %c0_i32_0 = arith.constant 0 : i32
    return %arg0, %c0_i32 : i32, i32
  }
}

</mosaic_0001>

<sc_bundles>
// kernel: kernel.4.cloned.1.call-start
scs
__scs_entry_jumppad:
0x0: {  	(pc) =	sbr.rel $0x88, $3  }
0x1: {  	(tag) =	ssettag $0x0;
	lr =	simm.s32 $0x1  }
0x2: {  	[smem:$0x3F9F] =	sst lr;
	_ =	strace $0xD0000000  }
0x3: {  	_ = 	snop  }
0x4: {  	_ = 	snop  }
0x5: {  	_ = 	snop  }
0x6: {  	_ = 	snop  }
0x7: {  	_ = 	snop  }
__scs_overlays_trampoline_lowered:
0x8: {  	[smem:$0x3FAE] =	sst s0  }
0x9: {  	[smem:$0x3FAF] =	sst s1  }
0xa: {  	[smem:$0x3FB0] =	sst s2  }
0xb: {  	[smem:$0x3FB1] =	sst s3  }
0xc: {  	[smem:$0x3FB2] =	sst s4  }
0xd: {  	[smem:$0x3FB3] =	sst s5  }
0xe: {  	[smem:$0x3FB4] =	sst s6  }
0xf: {  	[smem:$0x3FB5] =	sst s7  }
0x10: {  	[smem:$0x3FB6] =	sst s8  }
0x11: {  	[smem:$0x3FB7] =	sst s9;
	s0 =	simm.s32 @!p0 $0x0  }
0x12: {  	s1 =	sld [smem:$0x3F9D];
	s0 =	simm.s32 @p0 $0x1  }
0x13: {  	[smem:$0x3FB8] =	sst s0;
	s0 =	simm.s32 @!p1 $0x0  }
0x14: {  	s2 =	sld [smem:$0x3F9C];
	s0 =	simm.s32 @p1 $0x1  }
0x15: {  	[smem:$0x3FB9] =	sst s0;
	s0 =	simm.s32 @!p2 $0x0  }
0x16: {  	s3 =	sld [smem:$0x3FDB];
	s0 =	simm.s32 @p2 $0x1  }
0x17: {  	s4 =	simm.s32 $0x1BF5;
	[smem:$0x3FBB] =	sst s0  }
0x18: {  	s0 =	sld [smem:$0x3F9E];
	_ =	swait.ge [sflag:s4], $0x0  }
0x19: {  	s7 =	sld [smem:$0x3F9F]  }
0x1a: {  	s8 =	sadd.s32 $0xFFFFE003, lr  }
0x1b: {  	s9 =	sadd.s32 $0xFFFFFEF7, lr;
	s5 =	simm.s32 $0xFFFFFFFF;
	p2 =	slt.u32 s8, $0xFFFFF086  }
0x1c: {  	p1 =	slt.u32 s9, $0xF7A;
	s5 =	simm.s32 @!p2 $0x0  }
0x1d: {  	s5 =	simm.s32 @p1 $0x1;
	p0 =	seq.s32 s7, s2  }
0x1e: {  	s7 =	smul.u32 @!p0 $0xF7A, s2;
	p2 =	seq.s32 @!p0 s5, $0x0  }
0x1f: {  	s9 =	smul.u32 $0xF7A, s1;
	s8 =	simm.s32 @!p0 $0x1BF5;
	p2 =	por !p2, p0  }
0x20: {  	[sflag:s8] =	ssyncset.s32 @!p0 $0xFFFFF086;
	s6 =	sadd.s32 @!p0 s3, s7;
	s7 =	simm.s32 @!p0 $0x108  }
0x21: {  	s3 =	sadd.s32 s3, s9;
	s6 =	sadd.s32 @!p0 $0x88, s6;
	s7 =	simm.s32 @p2 $0x1082  }
0x22: {  	[simem:s7], [sflag:s8] =	dma.local @!p0 [hbm:s6], $0xF7A  }
0x23: {  	s9 =	sor.u32 $0xD0000000, s2;
	s6 =	simm.s32 $0x108;
	_ =	swait.ge @!p0 [sflag:s8], $0x0  }
0x24: {  	s3 =	sadd.s32 $0x88, s3;
	s6 =	simm.s32 @!p1 $0x1082;
	[sflag:s4] =	ssyncset.s32 $0xFFFFF086  }
0x25: {  	[simem:s6], [sflag:s4] =	dma.local [hbm:s3], $0xF7A  }
0x26: {  	[smem:$0x3F9F] =	sst s1;
	(tag) =	ssettag s2;
	_ =	strace s9  }
0x27: {  	s1 =	sld [smem:$0x3FAF]  }
0x28: {  	s2 =	sld [smem:$0x3FB0]  }
0x29: {  	s4 =	sld [smem:$0x3FB2]  }
0x2a: {  	p0 =	seq.s32 s5, $0x0;
	s5 =	sld [smem:$0x3FB3]  }
0x2b: {  	s6 =	sld [smem:$0x3FB4]  }
0x2c: {  	s7 =	sld [smem:$0x3FB5]  }
0x2d: {  	s3 =	simm.s32 $0x108;
	s8 =	sld [smem:$0x3FB6]  }
0x2e: {  	s3 =	simm.s32 @!p0 $0x1082;
	s9 =	sld [smem:$0x3FB7]  }
0x2f: {  	lr =	sadd.s32 s0, s3;
	s0 =	sld [smem:$0x3FAE]  }
0x30: {  	s3 =	sld [smem:$0x3FB1]  }
0x31: {  	[smem:$0x3FBA] =	sst s10  }
0x32: {  	s10 =	sld [smem:$0x3FB8];
	_ =	sdelay $0x3  }
0x33: {  	p0 =	seq.s32 s10, $0x1;
	s10 =	sld [smem:$0x3FBA];
	_ =	sdelay $0x3  }
0x34: {  	[smem:$0x3FBA] =	sst s10  }
0x35: {  	s10 =	sld [smem:$0x3FB9];
	_ =	sdelay $0x3  }
0x36: {  	p1 =	seq.s32 s10, $0x1;
	s10 =	sld [smem:$0x3FBA];
	_ =	sdelay $0x3  }
0x37: {  	[smem:$0x3FBA] =	sst s10  }
0x38: {  	s10 =	sld [smem:$0x3FBB]  }
0x39: {  	_ = 	snop;
	(pc) =	sbr.ind lr, $3  }
0x3a: {  	_ = 	snop  }
0x3b: {  	_ = 	snop  }
0x3c: {  	p2 =	seq.s32 s10, $0x1;
	s10 =	sld [smem:$0x3FBA]  }
0x3d: {  	_ =	shalt  }
0x3e: {  	_ =	shalt  }
0x3f: {  	_ =	shalt  }
0x40: {  	_ =	shalt  }
0x41: {  	_ =	shalt  }
0x42: {  	_ =	shalt  }
0x43: {  	_ =	shalt  }
0x44: {  	_ =	shalt  }
0x45: {  	_ =	shalt  }
0x46: {  	_ =	shalt  }
0x47: {  	_ =	shalt  }
0x48: {  	_ =	shalt  }
0x49: {  	_ =	shalt  }
0x4a: {  	_ =	shalt  }
0x4b: {  	_ =	shalt  }
0x4c: {  	_ =	shalt  }
0x4d: {  	_ =	shalt  }
0x4e: {  	_ =	shalt  }
0x4f: {  	_ =	shalt  }
0x50: {  	_ =	shalt  }
0x51: {  	_ =	shalt  }
0x52: {  	_ =	shalt  }
0x53: {  	_ =	shalt  }
0x54: {  	_ =	shalt  }
0x55: {  	_ =	shalt  }
0x56: {  	_ =	shalt  }
0x57: {  	_ =	shalt  }
0x58: {  	_ =	shalt  }
0x59: {  	_ =	shalt  }
0x5a: {  	_ =	shalt  }
0x5b: {  	_ =	shalt  }
0x5c: {  	_ =	shalt  }
0x5d: {  	_ =	shalt  }
0x5e: {  	_ =	shalt  }
0x5f: {  	_ =	shalt  }
0x60: {  	_ =	shalt  }
0x61: {  	_ =	shalt  }
0x62: {  	_ =	shalt  }
0x63: {  	_ =	shalt  }
0x64: {  	_ =	shalt  }
0x65: {  	_ =	shalt  }
0x66: {  	_ =	shalt  }
0x67: {  	_ =	shalt  }
0x68: {  	_ =	shalt  }
0x69: {  	_ =	shalt  }
0x6a: {  	_ =	shalt  }
0x6b: {  	_ =	shalt  }
0x6c: {  	_ =	shalt  }
0x6d: {  	_ =	shalt  }
0x6e: {  	_ =	shalt  }
0x6f: {  	_ =	shalt  }
0x70: {  	_ =	shalt  }
0x71: {  	_ =	shalt  }
0x72: {  	_ =	shalt  }
0x73: {  	_ =	shalt  }
0x74: {  	_ =	shalt  }
0x75: {  	_ =	shalt  }
0x76: {  	_ =	shalt  }
0x77: {  	_ =	shalt  }
0x78: {  	_ =	shalt  }
0x79: {  	_ =	shalt  }
0x7a: {  	_ =	shalt  }
0x7b: {  	_ =	shalt  }
0x7c: {  	_ =	shalt  }
0x7d: {  	_ =	shalt  }
0x7e: {  	_ =	shalt  }
0x7f: {  	_ =	shalt  }
0x80: {  	_ =	shalt  }
0x81: {  	_ =	shalt  }
0x82: {  	_ =	shalt  }
0x83: {  	_ =	shalt  }
0x84: {  	_ =	shalt  }
0x85: {  	_ =	shalt  }
0x86: {  	_ =	shalt  }
0x87: {  	_ =	shalt  }
.Lfunc_end0:
.L_simem_size_0:
called_computation_lowered:
.L_overlay_start_0:
0x88: {  	s2 =	sld [smem:$0x3FD9]  }
0x89: {  	s3 =	sld [smem:$0x3FFE];
	_ =	sdelay $0x1  }
0x8a: {  	s1 =	srdreg.scid  }
0x8b: {  	s0 =	sand.u32 $0x1, s1  }
0x8c: {  	s17 =	sshll.u32 s0, $0xA;
	s2 =	sadd.s32 s3, s2  }
0x8d: {  	s2 =	sadd.s32 s2, s17  }
0x8e: {  	[smem:$0x3FC6] =	sst s2  }
0x8f: {  	_ = 	snop  }
0x90: {  	s2 =	sld [smem:$0x3FC9]  }
0x91: {  	s18 =	sld [smem:$0x3FD0];
	(tm) =	ssettm $0x1  }
0x92: {  	s4 =	sld [smem:$0x3FFB];
	_ =	sdelay $0x3  }
0x93: {  	_ =	strace s4  }
0x94: {  	s4 =	sld [smem:$0x3FFC];
	_ =	sdelay $0x3  }
0x95: {  	_ =	strace s4  }
0x96: {  	s4 =	sld [smem:$0x3FFD];
	_ =	sdelay $0x3  }
0x97: {  	_ =	strace s4  }
0x98: {  	_ =	strace $0x8FFFFFFF  }
0x99: {  	s19 =	sld [smem:$0x3FDB];
	_ =	sdelay $0x1  }
0x9a: {  	s5 =	simm.s32 $_scs_section_size  }
0x9b: {  	s6 =	simm.s32 $_size__tile_overlayer_lowered;
	s7 =	simm.s32 $_tile_overlayer_lowered  }
0x9c: {  	s22 =	simm.s32 $0x1BFF;
	s21 =	sshll.u32 s7, $0x1;
	s4 =	sadd.s32 s5, s19  }
0x9d: {  	s8 =	simm.s32 $0x0;
	s20 =	sshll.u32 s6, $0x1;
	s6 =	sadd.s32 s21, s4  }
0x9e: {  	[timem:s8], [sflag:s22] =	dma.local [hbm:s6], s20  }
0x9f: {  	_ =	swait.ge [sflag:s22], s20  }
0xa0: {  	s5 =	ssub.s32 $0x0, s20;
	[sflag:s22] =	ssyncset.done $0x0  }
0xa1: {  	[sflag:s22] =	ssyncadd.s32 s5;
	_ =	sdelay $0x1  }
0xa2: {  	s23 =	simm.s32 $0x1B8B  }
0xa3: {  	_ =	swait.ge [sflag:s23], $0x1  }
0xa4: {  	[sflag:s23] =	ssyncset.done $0x0  }
0xa5: {  	s25 =	simm.s32 $0x1B8E;
	s24 =	sld [smem:$0x3FFE];
	[sflag:s23] =	ssyncadd.s32 $0xFFFFFFFF  }
0xa6: {  	s26 =	simm.s32 $execute0_lowered;
	[smem:$0x3FD2] =	sst s25  }
0xa7: {  	s6 =	sshll.u32 s26, $0x1;
	_ =	strace $0x80000046;
	[dreg:$0x1] =	wrdreg $0xFFFFFFFF  }
0xa8: {  	s28 =	simm.s32 $_size_execute0_lowered;
	s4 =	sadd.s32 s4, s6;
	[dreg:$0x0] =	wrdreg $0x0  }
0xa9: {  	s6 =	sshll.u32 s28, $0x1;
	[dreg:$0x2] =	wrdreg s4  }
0xaa: {  	[dreg:$0x3] =	wrdreg s6  }
0xab: {  	[dreg:$0x4] =	wrdreg $0xC0  }
0xac: {  	_ =	task [dreg:s8], $0x5FFFF  }
0xad: {  	[dreg:$0x1] =	wrdreg $0xFFFFFFFF  }
0xae: {  	[dreg:$0x0] =	wrdreg $0x60  }
0xaf: {  	[dreg:$0x2] =	wrdreg s2  }
0xb0: {  	[dreg:$0x3] =	wrdreg s18  }
0xb1: {  	[dreg:$0x4] =	wrdreg s24  }
0xb2: {  	[dreg:$0x5] =	wrdreg $0x0  }
0xb3: {  	[dreg:$0x6] =	wrdreg $0x9  }
0xb4: {  	_ =	task.clear_ibuf [dreg:s8], $0x7FFFF;
	_ =	strace $0x90000046  }
0xb5: {  	s29 =	simm.s32 $0x9;
	_ =	strace $0x80000048  }
0xb6: {  	_ =	swait.ge [sflag:s29], $0x1  }
0xb7: {  	[sflag:s29] =	ssyncadd.s32 $0xFFFFFFFF  }
0xb8: {  	_ =	strace $0x90000048  }
0xb9: {  	_ =	sfence  }
0xba: {  	s30 =	sld [smem:$0x0];
	_ =	sdelay $0x2  }
0xbb: {  	s31 =	sshll.u32 s1, $0xD;
	s1 =	sshrl.u32 s1, $0x2  }
0xbc: {  	s3 =	sand.u32 $0x4000, s31;
	s1 =	sadd.s32 s1, s30  }
0xbd: {  	s0 =	sor.u32 s3, s0;
	s1 =	sshll.u32 s1, $0x11  }
0xbe: {  	s0 =	sor.u32 s1, s0  }
0xbf: {  	s0 =	sadd.s32 $0x8F2B, s0  }
0xc0: {  	[sflag:s0] =	ssyncadd.remote.s32 $0x1  }
0xc1: {  	_ =	sfence.sel $0xFFFF  }
0xc2: {  	[dreg:$0x0] =	wrdreg $0xFFFFFFFF;
	(pc) =	sbr.abs _section_cstart, $3  }
0xc3: {  	[dreg:$0x1] =	wrdreg $0xFFFFFFFF  }
0xc4: {  	_ =	task.clear_ibuf [dreg:s8], $0x2FFFF;
	_ =	strace $0x9FFFFFFF  }
0xc5: {  	(tm) =	ssettm $0x7FFFFFFF  }
tec
execute0_lowered:
.L_overlay_start_1:
0x0: {  	(tag) =	ssettag $0x1  }
0x1: {  	s9 =	rddreg [dreg:$0x0];
	s8 =	stileid.u32  }
0x2: {  	s0 =	rddreg [dreg:$0x1];
	s5 =	smul.u32 $0x13800, s8  }
0x3: {  	s1 =	srdreg.scid;
	s17 =	smul.u32 $0x4E000, s8  }
0x4: {  	s2 =	rddreg [dreg:$0x2];
	s1 =	sand.u32 $0x1, s1;
	s25 =	smul.u32 $0x138, s8  }
0x5: {  	s3 =	rddreg [dreg:$0x3];
	s6 =	simm.s32 $0x0;
	s4 =	smul.u32 $0x138800, s1  }
0x6: {  	s18 =	ssub.s32 $0x2, s1;
	s7 =	sshll.u32 s1, $0x4;
	s1 =	smul.u32 $0x1380, s1  }
0x7: {  	[smem:$0x7FF] =	sst s6;
	s4 =	sadd.s32 s5, s4  }
0x8: {  	s5 =	sshrl.u32 s17, $0x2;
	s1 =	sadd.s32 s25, s1;
	s25 =	simm.s32 $0x1E200  }
0x9: {  	_ =	strace $0x80000047;
	s15 =	sadd.s32 s5, s3;
	[dreg:$0xb] =	wrdreg s25  }
0xa: {  	s20 =	sadd.s32 $0x1000, s15;
	[dreg:$0xf] =	wrdreg s15  }
0xb: {  	s21 =	sadd.s32 $0x2000, s15;
	[dreg:$0x10] =	wrdreg s20  }
0xc: {  	s22 =	sadd.s32 $0x3000, s15;
	[dreg:$0x11] =	wrdreg s21  }
0xd: {  	s23 =	sadd.s32 $0x4000, s15;
	[dreg:$0x12] =	wrdreg s22  }
0xe: {  	s24 =	sadd.s32 $0x5000, s15;
	[dreg:$0x13] =	wrdreg s23  }
0xf: {  	s26 =	sadd.s32 $0x6000, s15;
	[dreg:$0x14] =	wrdreg s24  }
0x10: {  	s5 =	sor.u32 s8, s7;
	s8 =	sadd.s32 $0x7000, s15;
	[dreg:$0x15] =	wrdreg s26  }
0x11: {  	s28 =	simm.s32 $0x20;
	s11 =	sadd.s32 $0x8000, s15;
	[dreg:$0x16] =	wrdreg s8  }
0x12: {  	s29 =	simm.s32 $0x2;
	s12 =	sadd.s32 $0x9000, s15;
	[dreg:$0x17] =	wrdreg s11  }
0x13: {  	s30 =	simm.s32 $0x3;
	s13 =	sadd.s32 $0xA000, s15;
	[dreg:$0x18] =	wrdreg s12  }
0x14: {  	s31 =	simm.s32 $0x4;
	s14 =	sadd.s32 $0xB000, s15;
	[dreg:$0x19] =	wrdreg s13  }
0x15: {  	s19 =	sshrl.u32 s18, $0x1;
	s17 =	sadd.s32 $0xC000, s15;
	[dreg:$0x1a] =	wrdreg s14  }
0x16: {  	s4 =	sshrl.u32 s4, $0x3;
	[dreg:$0x1b] =	wrdreg s17;
	s21 =	simm.s32 $0x1E000  }
0x17: {  	s2 =	sadd.s32 s4, s2;
	s22 =	simm.s32 $0x1E080;
	[dreg:$0x7] =	wrdreg s21  }
0x18: {  	s4 =	ssub.s32 s18, s19;
	s23 =	simm.s32 $0x1E100;
	[dreg:$0x8] =	wrdreg s22  }
0x19: {  	s10 =	smin.u32 s5, $0x4;
	s24 =	simm.s32 $0x1E180;
	[dreg:$0x9] =	wrdreg s23  }
0x1a: {  	s16 =	smul.u32 $0x138, s5;
	s26 =	sadd.s32 $0xD000, s15;
	[dreg:$0xa] =	wrdreg s24  }
0x1b: {  	p0 =	slt.u32 s5, $0x4;
	s2 =	sadd.s32 $0x600, s2;
	[dreg:$0x1d] =	wrdreg s26  }
0x1c: {  	s7 =	sshll.u32 s10, $0x2;
	s10 =	smax.u32 s4, $0x1;
	[dreg:$0x1f] =	wrdreg s2  }
0x1d: {  	s11 =	sadd.s32 $0xE000, s15;
	s12 =	sadd.s32 $0xF000, s15;
	[smem:$0x7EE] =	sst s10  }
0x1e: {  	s13 =	sadd.s32 $0x10000, s15;
	s14 =	sadd.s32 $0x11000, s15;
	[smem:$0x7EF] =	sst s11  }
0x1f: {  	s17 =	sadd.s32 $0x13000, s15;
	s4 =	simm.s32 $0x0;
	[smem:$0x7F0] =	sst s12  }
0x20: {  	s1 =	sadd.s32 s7, s1;
	s6 =	sadd.s32 s16, s7;
	[smem:$0x7F1] =	sst s13  }
0x21: {  	s7 =	simm.s32 $0x1E300;
	[smem:$0x7F2] =	sst s14;
	s16 =	sadd.s32 $0x12000, s15  }
0x22: {  	[smem:$0x7F4] =	sst s17;
	s14 =	simm.s32 $0x1;
	s13 =	simm.s32 $0x14880  }
0x23: {  	s17 =	simm.s32 $0x15880;
	s10 =	simm.s32 $0xC;
	[smem:$0x7FD] =	sst s4  }
0x24: {  	s11 =	simm.s32 $0xD;
	s1 =	sshll.u32 s1, $0x9;
	[dreg:$0xd] =	wrdreg s7  }
0x25: {  	s20 =	sshll.u32 s6, $0x2;
	[smem:$0x7F3] =	sst s16;
	s18 =	sadd.s32 $0x1C00, s1  }
0x26: {  	s6 =	sshll.u32 s6, $0x9;
	s19 =	sadd.s32 $0x1400, s1;
	[dreg:$0x5] =	wrdreg s18  }
0x27: {  	s8 =	sadd.s32 s0, s20;
	[dreg:$0x6] =	wrdreg s19;
	s19 =	simm.s32 $0x13C  }
0x28: {  	[dreg:$0x1c] =	wrdreg s8;
	s2 =	sadd.s32 $0x4E0, s8;
	s19 =	simm.s32 @!p0 $0x138  }
0x29: {  	p0 =	sgt.u32 s5, $0x3;
	s5 =	simm.s32 $0x1E280;
	[smem:$0x7FC] =	sst s2  }
0x2a: {  	[dreg:$0xc] =	wrdreg s5;
	s5 =	sadd.s32 s9, s6;
	s9 =	simm.s32 $0x1E380  }
0x2b: {  	s12 =	simm.s32 $0xE;
	s16 =	simm.s32 $0x13880;
	[dreg:$0xe] =	wrdreg s9  }
0x2c: {  	s7 =	simm.s32 $0x8;
	s18 =	sadd.s32 $0x200, s5;
	[dreg:$0x1e] =	wrdreg s5  }
0x2d: {  	s24 =	sadd.s32 $0x1800, s1;
	s20 =	sadd.s32 $0x400, s5;
	[smem:$0x7F5] =	sst s18  }
0x2e: {  	s25 =	sadd.s32 $0x1000, s1;
	s21 =	sadd.s32 $0x600, s5;
	[smem:$0x7F6] =	sst s20  }
0x2f: {  	s8 =	simm.s32 $0xA;
	s22 =	sadd.s32 $0x800, s5;
	[smem:$0x7F7] =	sst s21  }
0x30: {  	s2 =	simm.s32 $0x5;
	s23 =	sadd.s32 $0xA00, s5;
	[smem:$0x7F8] =	sst s22  }
0x31: {  	s6 =	simm.s32 $0x7;
	s26 =	sadd.s32 $0xC00, s5;
	[smem:$0x7F9] =	sst s23  }
0x32: {  	s1 =	sadd.s32 $0xE00, s5;
	s9 =	simm.s32 $0xB;
	[smem:$0x7FA] =	sst s26  }
0x33: {  	s5 =	simm.s32 $0x11;
	[smem:$0x7FB] =	sst s1;
	s18 =	simm.s32 $0x16880  }
0x34: {  	s20 =	simm.s32 $0x17880;
	s22 =	simm.s32 $0x18880;
	s23 =	simm.s32 $0x19880  }
0x35: {  	v0 =	vimm.f32 $0.0e+00;
	s1 =	simm.s32 $0x6;
	s21 =	simm.s32 $0xF;
	s26 =	simm.s32 $0x10  }
.LBB2_1:
0x36: {  	s0 =	simm.s32 $0x0;
	s4 =	simm.s32 $0x200  }
.LBB2_2:
0x37: {  	p1 =	sne.s32 s4, $0x3E00;
	[tilespmem:s0+$0x138F0] =	vst v0  }
0x38: {  	[tilespmem:s0+$0x13880] =	vst v0  }
0x39: {  	[tilespmem:s0+$0x13890] =	vst v0  }
.Ltmp0:
0x3a: {  	[tilespmem:s0+$0x138A0] =	vst v0;
	(pc) =	sbr.rel @p1 .LBB2_2-.Ltmp0, $4  }
0x3b: {  	[tilespmem:s0+$0x138B0] =	vst v0  }
0x3c: {  	[tilespmem:s0+$0x138C0] =	vst v0  }
0x3d: {  	[tilespmem:s0+$0x138D0] =	vst v0  }
0x3e: {  	[tilespmem:s0+$0x138E0] =	vst v0;
	s0 =	sshra.s32 s4, $0x2;
	s4 =	sadd.s32 $0x200, s4  }
0x3f: {  	[tilespmem:s0+$0x138F0] =	vst v0  }
0x40: {  	[tilespmem:s0+$0x13880] =	vst v0  }
0x41: {  	[tilespmem:s0+$0x13890] =	vst v0  }
0x42: {  	[tilespmem:s0+$0x138A0] =	vst v0  }
0x43: {  	[tilespmem:s0+$0x138B0] =	vst v0  }
0x44: {  	[tilespmem:s0+$0x138C0] =	vst v0  }
0x45: {  	[tilespmem:s0+$0x138D0] =	vst v0  }
0x46: {  	[tilespmem:s0+$0x138E0] =	vst v0;
	s4 =	rddreg [dreg:$0x10]  }
0x47: {  	[spmem:s15] =	stream.linear.scatter [tilespmem:s16], [sflag:$0x1], $0x1000, $0x38;
	[tilespmem:$0x1E400] =	vst v63  }
0x48: {  	s15 =	rddreg [dreg:$0x11]  }
0x49: {  	[spmem:s4] =	stream.linear.scatter [tilespmem:s16], [sflag:$0x1], $0x1000, $0x38;
	[tilespmem:$0x1E400] =	vst v63  }
0x4a: {  	s4 =	rddreg [dreg:$0x12]  }
0x4b: {  	[spmem:s15] =	stream.linear.scatter [tilespmem:s16], [sflag:$0x1], $0x1000, $0x38;
	[tilespmem:$0x1E400] =	vst v63  }
0x4c: {  	s15 =	rddreg [dreg:$0x13]  }
0x4d: {  	[spmem:s4] =	stream.linear.scatter [tilespmem:s16], [sflag:$0x1], $0x1000, $0x38;
	[tilespmem:$0x1E400] =	vst v63  }
0x4e: {  	s4 =	rddreg [dreg:$0x14]  }
0x4f: {  	[spmem:s15] =	stream.linear.scatter [tilespmem:s16], [sflag:$0x1], $0x1000, $0x38;
	[tilespmem:$0x1E400] =	vst v63  }
0x50: {  	s15 =	rddreg [dreg:$0x15]  }
0x51: {  	[spmem:s4] =	stream.linear.scatter [tilespmem:s16], [sflag:$0x1], $0x1000, $0x38;
	[tilespmem:$0x1E400] =	vst v63  }
0x52: {  	s4 =	rddreg [dreg:$0x16]  }
0x53: {  	[spmem:s15] =	stream.linear.scatter [tilespmem:s16], [sflag:$0x1], $0x1000, $0x38;
	[tilespmem:$0x1E400] =	vst v63  }
0x54: {  	s15 =	rddreg [dreg:$0x17]  }
0x55: {  	[spmem:s4] =	stream.linear.scatter [tilespmem:s16], [sflag:$0x1], $0x1000, $0x38;
	[tilespmem:$0x1E400] =	vst v63  }
0x56: {  	s4 =	rddreg [dreg:$0x18]  }
0x57: {  	[spmem:s15] =	stream.linear.scatter [tilespmem:s16], [sflag:$0x1], $0x1000, $0x38;
	[tilespmem:$0x1E400] =	vst v63  }
0x58: {  	s15 =	rddreg [dreg:$0x19]  }
0x59: {  	[spmem:s4] =	stream.linear.scatter [tilespmem:s16], [sflag:$0x1], $0x1000, $0x38;
	[tilespmem:$0x1E400] =	vst v63  }
0x5a: {  	s4 =	rddreg [dreg:$0x1a]  }
0x5b: {  	[spmem:s15] =	stream.linear.scatter [tilespmem:s16], [sflag:$0x1], $0x1000, $0x38;
	[tilespmem:$0x1E400] =	vst v63  }
0x5c: {  	s15 =	rddreg [dreg:$0x1b]  }
0x5d: {  	[spmem:s4] =	stream.linear.scatter [tilespmem:s16], [sflag:$0x1], $0x1000, $0x38;
	[tilespmem:$0x1E400] =	vst v63  }
0x5e: {  	s4 =	rddreg [dreg:$0x1d]  }
0x5f: {  	[spmem:s15] =	stream.linear.scatter [tilespmem:s16], [sflag:$0x1], $0x1000, $0x38;
	[tilespmem:$0x1E400] =	vst v63  }
0x60: {  	s15 =	sld [smem:$0x7EF]  }
0x61: {  	[spmem:s4] =	stream.linear.scatter [tilespmem:s16], [sflag:$0x1], $0x1000, $0x38;
	[tilespmem:$0x1E400] =	vst v63  }
0x62: {  	s4 =	sld [smem:$0x7F0]  }
0x63: {  	[spmem:s15] =	stream.linear.scatter [tilespmem:s16], [sflag:$0x1], $0x1000, $0x38;
	[tilespmem:$0x1E400] =	vst v63  }
0x64: {  	s15 =	sld [smem:$0x7F1]  }
0x65: {  	[spmem:s4] =	stream.linear.scatter [tilespmem:s16], [sflag:$0x1], $0x1000, $0x38;
	[tilespmem:$0x1E400] =	vst v63  }
0x66: {  	s4 =	sld [smem:$0x7F2]  }
0x67: {  	[spmem:s15] =	stream.linear.scatter [tilespmem:s16], [sflag:$0x1], $0x1000, $0x38;
	[tilespmem:$0x1E400] =	vst v63  }
0x68: {  	s15 =	sld [smem:$0x7F3]  }
0x69: {  	[spmem:s4] =	stream.linear.scatter [tilespmem:s16], [sflag:$0x1], $0x1000, $0x38;
	[tilespmem:$0x1E400] =	vst v63  }
0x6a: {  	s4 =	sld [smem:$0x7F4]  }
0x6b: {  	[spmem:s15] =	stream.linear.scatter [tilespmem:s16], [sflag:$0x1], $0x1000, $0x38;
	[tilespmem:$0x1E400] =	vst v63  }
0x6c: {  	_ = 	snop  }
0x6d: {  	[spmem:s4] =	stream.linear.scatter [tilespmem:s16], [sflag:$0x1], $0x1000, $0x38;
	[tilespmem:$0x1E400] =	vst v63  }
0x6e: {  	_ =	swait.ge [sflag:s14], $0x1000  }
0x6f: {  	[sflag:s14] =	ssyncset.done $0x0  }
0x70: {  	[sflag:s14] =	ssyncadd.s32 $0xFFFFF000  }
0x71: {  	_ =	swait.ge [sflag:s14], $0x1000  }
0x72: {  	[sflag:s14] =	ssyncset.done $0x0  }
0x73: {  	[sflag:s14] =	ssyncadd.s32 $0xFFFFF000  }
0x74: {  	_ =	swait.ge [sflag:s14], $0x1000  }
0x75: {  	[sflag:s14] =	ssyncset.done $0x0  }
0x76: {  	[sflag:s14] =	ssyncadd.s32 $0xFFFFF000  }
0x77: {  	_ =	swait.ge [sflag:s14], $0x1000  }
0x78: {  	[sflag:s14] =	ssyncset.done $0x0  }
0x79: {  	[sflag:s14] =	ssyncadd.s32 $0xFFFFF000  }
0x7a: {  	_ =	swait.ge [sflag:s14], $0x1000  }
0x7b: {  	[sflag:s14] =	ssyncset.done $0x0  }
0x7c: {  	[sflag:s14] =	ssyncadd.s32 $0xFFFFF000  }
0x7d: {  	_ =	swait.ge [sflag:s14], $0x1000  }
0x7e: {  	[sflag:s14] =	ssyncset.done $0x0  }
0x7f: {  	[sflag:s14] =	ssyncadd.s32 $0xFFFFF000  }
0x80: {  	_ =	swait.ge [sflag:s14], $0x1000  }
0x81: {  	[sflag:s14] =	ssyncset.done $0x0  }
0x82: {  	[sflag:s14] =	ssyncadd.s32 $0xFFFFF000  }
0x83: {  	_ =	swait.ge [sflag:s14], $0x1000  }
0x84: {  	[sflag:s14] =	ssyncset.done $0x0  }
0x85: {  	[sflag:s14] =	ssyncadd.s32 $0xFFFFF000  }
0x86: {  	_ =	swait.ge [sflag:s14], $0x1000  }
0x87: {  	[sflag:s14] =	ssyncset.done $0x0  }
0x88: {  	[sflag:s14] =	ssyncadd.s32 $0xFFFFF000  }
0x89: {  	_ =	swait.ge [sflag:s14], $0x1000  }
0x8a: {  	[sflag:s14] =	ssyncset.done $0x0  }
0x8b: {  	[sflag:s14] =	ssyncadd.s32 $0xFFFFF000  }
0x8c: {  	_ =	swait.ge [sflag:s14], $0x1000  }
0x8d: {  	[sflag:s14] =	ssyncset.done $0x0  }
0x8e: {  	[sflag:s14] =	ssyncadd.s32 $0xFFFFF000  }
0x8f: {  	_ =	swait.ge [sflag:s14], $0x1000  }
0x90: {  	[sflag:s14] =	ssyncset.done $0x0  }
0x91: {  	[sflag:s14] =	ssyncadd.s32 $0xFFFFF000  }
0x92: {  	_ =	swait.ge [sflag:s14], $0x1000  }
0x93: {  	[sflag:s14] =	ssyncset.done $0x0  }
0x94: {  	[sflag:s14] =	ssyncadd.s32 $0xFFFFF000  }
0x95: {  	_ =	swait.ge [sflag:s14], $0x1000  }
0x96: {  	[sflag:s14] =	ssyncset.done $0x0  }
0x97: {  	[sflag:s14] =	ssyncadd.s32 $0xFFFFF000  }
0x98: {  	_ =	swait.ge [sflag:s14], $0x1000  }
0x99: {  	[sflag:s14] =	ssyncset.done $0x0  }
0x9a: {  	[sflag:s14] =	ssyncadd.s32 $0xFFFFF000  }
0x9b: {  	_ =	swait.ge [sflag:s14], $0x1000  }
0x9c: {  	[sflag:s14] =	ssyncset.done $0x0  }
0x9d: {  	[sflag:s14] =	ssyncadd.s32 $0xFFFFF000  }
0x9e: {  	_ =	swait.ge [sflag:s14], $0x1000  }
0x9f: {  	[sflag:s14] =	ssyncset.done $0x0  }
0xa0: {  	[sflag:s14] =	ssyncadd.s32 $0xFFFFF000  }
0xa1: {  	_ =	swait.ge [sflag:s14], $0x1000  }
0xa2: {  	[sflag:s14] =	ssyncset.done $0x0  }
0xa3: {  	[sflag:s14] =	ssyncadd.s32 $0xFFFFF000  }
0xa4: {  	_ =	swait.ge [sflag:s14], $0x1000  }
0xa5: {  	[sflag:s14] =	ssyncset.done $0x0  }
0xa6: {  	[sflag:s14] =	ssyncadd.s32 $0xFFFFF000  }
0xa7: {  	_ =	swait.ge [sflag:s14], $0x1000  }
0xa8: {  	[sflag:s14] =	ssyncset.done $0x0  }
0xa9: {  	[sflag:s14] =	ssyncadd.s32 $0xFFFFF000  }
0xaa: {  	[bflag:$0x0] =	sbarrier.arrive $0xFFFF  }
0xab: {  	s0 =	simm.s32 $0x0;
	s15 =	simm.s32 $0x1B880;
	s4 =	rddreg [dreg:$0x1c]  }
0xac: {  	[tilespmem:s15], [sflag:$0x9] =	stream.linear.gather [hbm4b:s4+s0], $0x2700, $0x38;
	[tilespmem:$0x1E400] =	vst v63  }
0xad: {  	s15 =	rddreg [dreg:$0x1e]  }
0xae: {  	[tilespmem:s16], [sflag:$0x1] =	stream.linear.gather [hbm4b:s15+s0], $0x1000, $0x38;
	[tilespmem:$0x1E400] =	vst v63  }
0xaf: {  	s15 =	sld [smem:$0x7F5];
	_ =	sdelay $0x2  }
0xb0: {  	[tilespmem:s13], [sflag:$0x2] =	stream.linear.gather [hbm4b:s15+s0], $0x1000, $0x38;
	[tilespmem:$0x1E400] =	vst v63  }
0xb1: {  	s15 =	sld [smem:$0x7F6];
	_ =	sdelay $0x2  }
0xb2: {  	[tilespmem:s17], [sflag:$0x3] =	stream.linear.gather [hbm4b:s15+s0], $0x1000, $0x38;
	[tilespmem:$0x1E400] =	vst v63  }
0xb3: {  	s15 =	sld [smem:$0x7F7];
	_ =	sdelay $0x2  }
0xb4: {  	[tilespmem:s18], [sflag:$0x4] =	stream.linear.gather [hbm4b:s15+s0], $0x1000, $0x38;
	[tilespmem:$0x1E400] =	vst v63  }
0xb5: {  	s15 =	sld [smem:$0x7F8];
	_ =	sdelay $0x2  }
0xb6: {  	[tilespmem:s20], [sflag:$0x5] =	stream.linear.gather [hbm4b:s15+s0], $0x1000, $0x38;
	[tilespmem:$0x1E400] =	vst v63  }
0xb7: {  	s15 =	sld [smem:$0x7F9];
	_ =	sdelay $0x2  }
0xb8: {  	[tilespmem:s22], [sflag:$0x6] =	stream.linear.gather [hbm4b:s15+s0], $0x1000, $0x38;
	[tilespmem:$0x1E400] =	vst v63  }
0xb9: {  	s15 =	sld [smem:$0x7FA];
	_ =	sdelay $0x1  }
0xba: {  	s4 =	sld [smem:$0x7FB]  }
0xbb: {  	[tilespmem:s23], [sflag:$0x7] =	stream.linear.gather [hbm4b:s15+s0], $0x1000, $0x38;
	[tilespmem:$0x1E400] =	vst v63  }
0xbc: {  	s15 =	simm.s32 $0x1A880  }
0xbd: {  	[tilespmem:s15], [sflag:$0x8] =	stream.linear.gather [hbm4b:s4+s0], $0x1000, $0x38;
	[tilespmem:$0x1E400] =	vst v63  }
0xbe: {  	s4 =	simm.s32 $0x9  }
0xbf: {  	_ =	swait.ge [sflag:s4], $0x2700  }
0xc0: {  	s15 =	sld [smem:$0x7FC]  }
0xc1: {  	[sflag:s4] =	ssyncset.done $0x0  }
0xc2: {  	s0 =	simm.s32 @!p0 $0x0;
	[sflag:s4] =	ssyncadd.s32 $0xFFFFD900;
	s4 =	simm.s32 @!p0 $0x1DF80  }
0xc3: {  	[tilespmem:s4], [sflag:$0x9] =	stream.linear.gather @!p0 [hbm4b:s15+s0], $0x80, $0x38;
	[tilespmem:$0x1E400] =	vst v63  }
0xc4: {  	s0 =	simm.s32 @!p0 $0x9  }
0xc5: {  	_ =	swait.ge @!p0 [sflag:s0], $0x80  }
0xc6: {  	[sflag:s0] =	ssyncset.done @!p0 $0x0  }
0xc7: {  	[sflag:s0] =	ssyncadd.s32 @!p0 $0xFFFFFF80  }
0xc8: {  	_ =	swait.ge [sflag:s14], $0x1000  }
0xc9: {  	[sflag:s14] =	ssyncset.done $0x0  }
0xca: {  	s0 =	simm.s32 $0x1B900;
	[sflag:s14] =	ssyncadd.s32 $0xFFFFF000  }
0xcb: {  	v1 =	vld [tilespmem:s0+$0xFFFFFF80];
	_ =	sdelay $0x4  }
0xcc: {  	[tilespmem:$0x1E000] =	vst v1  }
0xcd: {  	v1 =	vld [tilespmem:s0+$0xFFFFFF90];
	_ =	sdelay $0x4  }
0xce: {  	s15 =	rddreg [dreg:$0x7];
	[tilespmem:$0x1E010] =	vst v1  }
0xcf: {  	[spmem:s3] =	stream.indirect.scatter.add.f32 [tilespmem:s16], [sflag:$0xA], $0x80, s15, s28, $0xb8;
	[tilespmem:$0x1E400] =	vst v63  }
0xd0: {  	_ =	swait.ge [sflag:s29], $0x1000  }
0xd1: {  	[sflag:s29] =	ssyncset.done $0x0  }
0xd2: {  	[sflag:s29] =	ssyncadd.s32 $0xFFFFF000  }
0xd3: {  	v1 =	vld [tilespmem:s0+$0xFFFFFFA0];
	_ =	sdelay $0x4  }
0xd4: {  	[tilespmem:$0x1E080] =	vst v1  }
0xd5: {  	v1 =	vld [tilespmem:s0+$0xFFFFFFB0];
	_ =	sdelay $0x4  }
0xd6: {  	s16 =	rddreg [dreg:$0x8];
	[tilespmem:$0x1E090] =	vst v1  }
0xd7: {  	[spmem:s3] =	stream.indirect.scatter.add.f32 [tilespmem:s13], [sflag:$0xB], $0x80, s16, s28, $0xb8;
	[tilespmem:$0x1E400] =	vst v63  }
0xd8: {  	_ =	swait.ge [sflag:s30], $0x1000  }
0xd9: {  	[sflag:s30] =	ssyncset.done $0x0  }
0xda: {  	[sflag:s30] =	ssyncadd.s32 $0xFFFFF000  }
0xdb: {  	v1 =	vld [tilespmem:s0+$0xFFFFFFC0];
	_ =	sdelay $0x4  }
0xdc: {  	[tilespmem:$0x1E100] =	vst v1  }
0xdd: {  	v1 =	vld [tilespmem:s0+$0xFFFFFFD0];
	_ =	sdelay $0x4  }
0xde: {  	s15 =	rddreg [dreg:$0x9];
	[tilespmem:$0x1E110] =	vst v1  }
0xdf: {  	[spmem:s3] =	stream.indirect.scatter.add.f32 [tilespmem:s17], [sflag:$0xC], $0x80, s15, s28, $0xb8;
	[tilespmem:$0x1E400] =	vst v63  }
0xe0: {  	_ =	swait.ge [sflag:s31], $0x1000  }
0xe1: {  	[sflag:s31] =	ssyncset.done $0x0  }
0xe2: {  	[sflag:s31] =	ssyncadd.s32 $0xFFFFF000  }
0xe3: {  	v1 =	vld [tilespmem:s0+$0xFFFFFFE0];
	_ =	sdelay $0x4  }
0xe4: {  	[tilespmem:$0x1E180] =	vst v1  }
0xe5: {  	v1 =	vld [tilespmem:s0+$0xFFFFFFF0];
	_ =	sdelay $0x4  }
0xe6: {  	s16 =	rddreg [dreg:$0xa];
	[tilespmem:$0x1E190] =	vst v1  }
0xe7: {  	[spmem:s3] =	stream.indirect.scatter.add.f32 [tilespmem:s18], [sflag:$0xD], $0x80, s16, s28, $0xb8;
	[tilespmem:$0x1E400] =	vst v63  }
0xe8: {  	_ =	swait.ge [sflag:s2], $0x1000  }
0xe9: {  	[sflag:s2] =	ssyncset.done $0x0  }
0xea: {  	[sflag:s2] =	ssyncadd.s32 $0xFFFFF000  }
0xeb: {  	v1 =	vld [tilespmem:s0+$0x0];
	_ =	sdelay $0x4  }
0xec: {  	[tilespmem:$0x1E200] =	vst v1  }
0xed: {  	v1 =	vld [tilespmem:s0+$0x10];
	_ =	sdelay $0x4  }
0xee: {  	s17 =	rddreg [dreg:$0xb];
	[tilespmem:$0x1E210] =	vst v1  }
0xef: {  	[spmem:s3] =	stream.indirect.scatter.add.f32 [tilespmem:s20], [sflag:$0xE], $0x80, s17, s28, $0xb8;
	[tilespmem:$0x1E400] =	vst v63  }
0xf0: {  	_ =	swait.ge [sflag:s1], $0x1000  }
0xf1: {  	[sflag:s1] =	ssyncset.done $0x0  }
0xf2: {  	[sflag:s1] =	ssyncadd.s32 $0xFFFFF000  }
0xf3: {  	v1 =	vld [tilespmem:s0+$0x20];
	_ =	sdelay $0x4  }
0xf4: {  	[tilespmem:$0x1E280] =	vst v1  }
0xf5: {  	v1 =	vld [tilespmem:s0+$0x30];
	_ =	sdelay $0x4  }
0xf6: {  	s18 =	rddreg [dreg:$0xc];
	[tilespmem:$0x1E290] =	vst v1  }
0xf7: {  	[spmem:s3] =	stream.indirect.scatter.add.f32 [tilespmem:s22], [sflag:$0xF], $0x80, s18, s28, $0xb8;
	[tilespmem:$0x1E400] =	vst v63  }
0xf8: {  	_ =	swait.ge [sflag:s6], $0x1000  }
0xf9: {  	[sflag:s6] =	ssyncset.done $0x0  }
0xfa: {  	[sflag:s6] =	ssyncadd.s32 $0xFFFFF000  }
0xfb: {  	v1 =	vld [tilespmem:s0+$0x40];
	_ =	sdelay $0x4  }
0xfc: {  	[tilespmem:$0x1E300] =	vst v1  }
0xfd: {  	v1 =	vld [tilespmem:s0+$0x50];
	_ =	sdelay $0x4  }
0xfe: {  	s20 =	rddreg [dreg:$0xd];
	[tilespmem:$0x1E310] =	vst v1  }
0xff: {  	[spmem:s3] =	stream.indirect.scatter.add.f32 [tilespmem:s23], [sflag:$0x10], $0x80, s20, s28, $0xb8;
	[tilespmem:$0x1E400] =	vst v63  }
0x100: {  	_ =	swait.ge [sflag:s7], $0x1000  }
0x101: {  	[sflag:s7] =	ssyncset.done $0x0  }
0x102: {  	[sflag:s7] =	ssyncadd.s32 $0xFFFFF000  }
0x103: {  	v1 =	vld [tilespmem:s0+$0x60];
	_ =	sdelay $0x4  }
0x104: {  	[tilespmem:$0x1E380] =	vst v1  }
0x105: {  	v1 =	vld [tilespmem:s0+$0x70];
	_ =	sdelay $0x4  }
0x106: {  	s23 =	simm.s32 $0x1A880;
	s22 =	rddreg [dreg:$0xe];
	[tilespmem:$0x1E390] =	vst v1  }
0x107: {  	[spmem:s3] =	stream.indirect.scatter.add.f32 [tilespmem:s23], [sflag:$0x11], $0x80, s22, s28, $0xb8;
	[tilespmem:$0x1E400] =	vst v63  }
0x108: {  	_ =	swait.ge [sflag:s8], $0x1000  }
0x109: {  	p1 =	sle.u32 s19, $0x8;
	[sflag:s8] =	ssyncset.done $0x0  }
0x10a: {  	s15 =	simm.s32 @!p1 $0x13880;
	s13 =	rddreg [dreg:$0x0]  }
0x10b: {  	s0 =	simm.s32 @!p1 $0x0;
	[sflag:s8] =	ssyncadd.s32 $0xFFFFF000;
	s4 =	sadd.s32 @!p1 s13, s25  }
0x10c: {  	[tilespmem:s15], [sflag:$0x1] =	stream.linear.gather @!p1 [hbm4b:s4+s0], $0x1000, $0x38;
	[tilespmem:$0x1E400] =	vst v63  }
0x10d: {  	p2 =	sle.u32 s19, $0x9;
	_ =	swait.ge [sflag:s9], $0x1000  }
0x10e: {  	s0 =	sadd.s32 @!p2 s13, s25;
	s4 =	simm.s32 @!p2 $0x14880;
	[sflag:s9] =	ssyncset.done $0x0  }
0x10f: {  	s15 =	simm.s32 @!p2 $0x0;
	s0 =	sadd.s32 @!p2 $0x200, s0;
	[sflag:s9] =	ssyncadd.s32 $0xFFFFF000  }
0x110: {  	[tilespmem:s4], [sflag:$0x2] =	stream.linear.gather @!p2 [hbm4b:s0+s15], $0x1000, $0x38;
	[tilespmem:$0x1E400] =	vst v63  }
0x111: {  	p1 =	sle.u32 s19, $0xA;
	_ =	swait.ge [sflag:s10], $0x1000  }
0x112: {  	s4 =	simm.s32 @!p1 $0x0;
	s0 =	rddreg [dreg:$0x6];
	[sflag:s10] =	ssyncset.done $0x0  }
0x113: {  	s15 =	simm.s32 @!p1 $0x15880;
	[sflag:s10] =	ssyncadd.s32 $0xFFFFF000;
	s0 =	sadd.s32 @!p1 s13, s0  }
0x114: {  	[tilespmem:s15], [sflag:$0x3] =	stream.linear.gather @!p1 [hbm4b:s0+s4], $0x1000, $0x38;
	[tilespmem:$0x1E400] =	vst v63  }
0x115: {  	p3 =	sle.u32 s19, $0xE;
	p2 =	sle.u32 s19, $0xB;
	_ =	swait.ge [sflag:s11], $0x1000  }
0x116: {  	s0 =	sadd.s32 @!p2 s13, s25;
	s4 =	simm.s32 @!p2 $0x0;
	[sflag:s11] =	ssyncset.done $0x0  }
0x117: {  	s15 =	simm.s32 @!p2 $0x16880;
	s0 =	sadd.s32 @!p2 $0x600, s0;
	[sflag:s11] =	ssyncadd.s32 $0xFFFFF000  }
0x118: {  	[tilespmem:s15], [sflag:$0x4] =	stream.linear.gather @!p2 [hbm4b:s0+s4], $0x1000, $0x38;
	[tilespmem:$0x1E400] =	vst v63  }
0x119: {  	s17 =	simm.s32 @!p3 $0x0;
	p1 =	sle.u32 s19, $0xC;
	_ =	swait.ge [sflag:s12], $0x1000  }
0x11a: {  	s18 =	simm.s32 @!p3 $0x19880;
	s0 =	sadd.s32 @!p1 s13, s24;
	[sflag:s12] =	ssyncset.done $0x0  }
0x11b: {  	s4 =	simm.s32 @!p1 $0x0;
	s15 =	simm.s32 @!p1 $0x17880;
	[sflag:s12] =	ssyncadd.s32 $0xFFFFF000  }
0x11c: {  	[tilespmem:s15], [sflag:$0x5] =	stream.linear.gather @!p1 [hbm4b:s0+s4], $0x1000, $0x38;
	[tilespmem:$0x1E400] =	vst v63  }
0x11d: {  	p2 =	sle.u32 s19, $0xF;
	p1 =	sle.u32 s19, $0xD;
	_ =	swait.ge [sflag:s21], $0x1000  }
0x11e: {  	s0 =	sadd.s32 @!p1 s13, s24;
	s15 =	simm.s32 @!p1 $0x18880;
	[sflag:s21] =	ssyncset.done $0x0  }
0x11f: {  	s16 =	simm.s32 @!p1 $0x0;
	s0 =	sadd.s32 @!p1 $0x200, s0;
	[sflag:s21] =	ssyncadd.s32 $0xFFFFF000  }
0x120: {  	[tilespmem:s15], [sflag:$0x6] =	stream.linear.gather @!p1 [hbm4b:s0+s16], $0x1000, $0x38;
	[tilespmem:$0x1E400] =	vst v63  }
0x121: {  	s4 =	simm.s32 $0x17;
	s0 =	sadd.s32 @!p2 s13, s24;
	p1 =	por p2, p2  }
0x122: {  	s15 =	simm.s32 $0x1BA00;
	_ =	swait.ge [sflag:s26], $0x1000;
	s0 =	sadd.s32 @!p2 $0x600, s0  }
0x123: {  	s20 =	simm.s32 @!p1 $0x1A880;
	s22 =	simm.s32 @!p1 $0x0;
	s16 =	rddreg [dreg:$0x5]  }
0x124: {  	[sflag:s26] =	ssyncset.done $0x0;
	s23 =	sadd.s32 @!p3 s13, s16;
	s16 =	smov.u32 s13  }
0x125: {  	[sflag:s26] =	ssyncadd.s32 $0xFFFFF000;
	s13 =	simm.s32 $0x16880;
	s16 =	sadd.s32 $0x1000, s16  }
.LBB2_4:
0x126: {  	[tilespmem:s18], [sflag:$0x7] =	stream.linear.gather @!p3 [hbm4b:s23+s17], $0x1000, $0x38;
	[tilespmem:$0x1E400] =	vst v63  }
0x127: {  	_ =	swait.ge [sflag:s5], $0x1000  }
0x128: {  	[sflag:s5] =	ssyncset.done $0x0  }
0x129: {  	[sflag:s5] =	ssyncadd.s32 $0xFFFFF000  }
0x12a: {  	[tilespmem:s20], [sflag:$0x8] =	stream.linear.gather @!p1 [hbm4b:s0+s22], $0x1000, $0x38;
	[tilespmem:$0x1E400] =	vst v63  }
0x12b: {  	_ =	swait.ge [sflag:s14], $0x1000  }
0x12c: {  	[sflag:s14] =	ssyncset.done $0x0  }
0x12d: {  	[sflag:s14] =	ssyncadd.s32 $0xFFFFF000  }
0x12e: {  	v1 =	vld [tilespmem:s15+$0xFFFFFF80];
	_ =	sdelay $0x4  }
0x12f: {  	[tilespmem:$0x1E000] =	vst v1  }
0x130: {  	v1 =	vld [tilespmem:s15+$0xFFFFFF90];
	_ =	sdelay $0x4  }
0x131: {  	s23 =	simm.s32 $0x13880;
	s22 =	rddreg [dreg:$0x7];
	[tilespmem:$0x1E010] =	vst v1  }
0x132: {  	[spmem:s3] =	stream.indirect.scatter.add.f32 [tilespmem:s23], [sflag:$0xA], $0x80, s22, s28, $0xb8;
	[tilespmem:$0x1E400] =	vst v63  }
0x133: {  	_ =	swait.ge [sflag:s29], $0x1000  }
0x134: {  	[sflag:s29] =	ssyncset.done $0x0  }
0x135: {  	[sflag:s29] =	ssyncadd.s32 $0xFFFFF000  }
0x136: {  	v1 =	vld [tilespmem:s15+$0xFFFFFFA0];
	_ =	sdelay $0x4  }
0x137: {  	[tilespmem:$0x1E080] =	vst v1  }
0x138: {  	v1 =	vld [tilespmem:s15+$0xFFFFFFB0];
	_ =	sdelay $0x4  }
0x139: {  	s23 =	simm.s32 $0x14880;
	s22 =	rddreg [dreg:$0x8];
	[tilespmem:$0x1E090] =	vst v1  }
0x13a: {  	[spmem:s3] =	stream.indirect.scatter.add.f32 [tilespmem:s23], [sflag:$0xB], $0x80, s22, s28, $0xb8;
	[tilespmem:$0x1E400] =	vst v63  }
0x13b: {  	_ =	swait.ge [sflag:s30], $0x1000  }
0x13c: {  	[sflag:s30] =	ssyncset.done $0x0  }
0x13d: {  	[sflag:s30] =	ssyncadd.s32 $0xFFFFF000  }
0x13e: {  	v1 =	vld [tilespmem:s15+$0xFFFFFFC0];
	_ =	sdelay $0x4  }
0x13f: {  	[tilespmem:$0x1E100] =	vst v1  }
0x140: {  	v1 =	vld [tilespmem:s15+$0xFFFFFFD0];
	_ =	sdelay $0x4  }
0x141: {  	s23 =	simm.s32 $0x15880;
	s22 =	rddreg [dreg:$0x9];
	[tilespmem:$0x1E110] =	vst v1  }
0x142: {  	[spmem:s3] =	stream.indirect.scatter.add.f32 [tilespmem:s23], [sflag:$0xC], $0x80, s22, s28, $0xb8;
	[tilespmem:$0x1E400] =	vst v63  }
0x143: {  	_ =	swait.ge [sflag:s31], $0x1000  }
0x144: {  	[sflag:s31] =	ssyncset.done $0x0  }
0x145: {  	[sflag:s31] =	ssyncadd.s32 $0xFFFFF000  }
0x146: {  	v1 =	vld [tilespmem:s15+$0xFFFFFFE0];
	_ =	sdelay $0x4  }
0x147: {  	[tilespmem:$0x1E180] =	vst v1  }
0x148: {  	v1 =	vld [tilespmem:s15+$0xFFFFFFF0];
	_ =	sdelay $0x4  }
0x149: {  	s20 =	rddreg [dreg:$0xa];
	[tilespmem:$0x1E190] =	vst v1  }
0x14a: {  	[spmem:s3] =	stream.indirect.scatter.add.f32 [tilespmem:s13], [sflag:$0xD], $0x80, s20, s28, $0xb8;
	[tilespmem:$0x1E400] =	vst v63  }
0x14b: {  	_ =	swait.ge [sflag:s2], $0x1000  }
0x14c: {  	[sflag:s2] =	ssyncset.done $0x0  }
0x14d: {  	[sflag:s2] =	ssyncadd.s32 $0xFFFFF000  }
0x14e: {  	v1 =	vld [tilespmem:s15+$0x0];
	_ =	sdelay $0x4  }
0x14f: {  	[tilespmem:$0x1E200] =	vst v1  }
0x150: {  	v1 =	vld [tilespmem:s15+$0x10];
	_ =	sdelay $0x4  }
0x151: {  	s23 =	simm.s32 $0x17880;
	s22 =	rddreg [dreg:$0xb];
	[tilespmem:$0x1E210] =	vst v1  }
0x152: {  	[spmem:s3] =	stream.indirect.scatter.add.f32 [tilespmem:s23], [sflag:$0xE], $0x80, s22, s28, $0xb8;
	[tilespmem:$0x1E400] =	vst v63  }
0x153: {  	_ =	swait.ge [sflag:s1], $0x1000  }
0x154: {  	[sflag:s1] =	ssyncset.done $0x0  }
0x155: {  	[sflag:s1] =	ssyncadd.s32 $0xFFFFF000  }
0x156: {  	v1 =	vld [tilespmem:s15+$0x20];
	_ =	sdelay $0x4  }
0x157: {  	[tilespmem:$0x1E280] =	vst v1  }
0x158: {  	v1 =	vld [tilespmem:s15+$0x30];
	_ =	sdelay $0x4  }
0x159: {  	s23 =	simm.s32 $0x18880;
	s22 =	rddreg [dreg:$0xc];
	[tilespmem:$0x1E290] =	vst v1  }
0x15a: {  	[spmem:s3] =	stream.indirect.scatter.add.f32 [tilespmem:s23], [sflag:$0xF], $0x80, s22, s28, $0xb8;
	[tilespmem:$0x1E400] =	vst v63  }
0x15b: {  	_ =	swait.ge [sflag:s6], $0x1000  }
0x15c: {  	[sflag:s6] =	ssyncset.done $0x0  }
0x15d: {  	[sflag:s6] =	ssyncadd.s32 $0xFFFFF000  }
0x15e: {  	v1 =	vld [tilespmem:s15+$0x40];
	_ =	sdelay $0x4  }
0x15f: {  	[tilespmem:$0x1E300] =	vst v1  }
0x160: {  	v1 =	vld [tilespmem:s15+$0x50];
	_ =	sdelay $0x4  }
0x161: {  	s23 =	simm.s32 $0x19880;
	s22 =	rddreg [dreg:$0xd];
	[tilespmem:$0x1E310] =	vst v1  }
0x162: {  	[spmem:s3] =	stream.indirect.scatter.add.f32 [tilespmem:s23], [sflag:$0x10], $0x80, s22, s28, $0xb8;
	[tilespmem:$0x1E400] =	vst v63  }
0x163: {  	_ =	swait.ge [sflag:s7], $0x1000  }
0x164: {  	[sflag:s7] =	ssyncset.done $0x0  }
0x165: {  	[sflag:s7] =	ssyncadd.s32 $0xFFFFF000  }
0x166: {  	v1 =	vld [tilespmem:s15+$0x60];
	_ =	sdelay $0x4  }
0x167: {  	[tilespmem:$0x1E380] =	vst v1  }
0x168: {  	s17 =	smov.u32 s4;
	v1 =	vld [tilespmem:s15+$0x70]  }
0x169: {  	p3 =	sge.u32 s17, s19  }
0x16a: {  	s18 =	sadd.s32 @!p3 s16, s24  }
0x16b: {  	s18 =	sadd.s32 @!p3 $0x600, s18  }
0x16c: {  	s0 =	smov.u32 s18;
	p1 =	por p3, p3;
	s20 =	sadd.s32 $0xFFFFFFFA, s17  }
0x16d: {  	s22 =	sadd.s32 $0xFFFFFFF9, s17;
	s23 =	simm.s32 $0x1A880;
	s18 =	rddreg [dreg:$0xe];
	[tilespmem:$0x1E390] =	vst v1  }
0x16e: {  	[spmem:s3] =	stream.indirect.scatter.add.f32 [tilespmem:s23], [sflag:$0x11], $0x80, s18, s28, $0xb8;
	[tilespmem:$0x1E400] =	vst v63  }
0x16f: {  	p3 =	sge.u32 s20, s19;
	p4 =	sge.u32 s22, s19;
	_ =	swait.ge [sflag:s8], $0x1000  }
0x170: {  	s22 =	sadd.s32 @!p3 s16, s25;
	s20 =	sadd.s32 @!p4 s16, s25;
	[sflag:s8] =	ssyncset.done $0x0  }
0x171: {  	s18 =	simm.s32 @!p4 $0x0;
	s23 =	simm.s32 @!p4 $0x13880;
	[sflag:s8] =	ssyncadd.s32 $0xFFFFF000  }
0x172: {  	[tilespmem:s23], [sflag:$0x1] =	stream.linear.gather @!p4 [hbm4b:s20+s18], $0x1000, $0x38;
	[tilespmem:$0x1E400] =	vst v63  }
0x173: {  	s22 =	sadd.s32 @!p3 $0x200, s22;
	_ =	swait.ge [sflag:s9], $0x1000  }
0x174: {  	s18 =	simm.s32 @!p3 $0x14880;
	s23 =	sadd.s32 $0xFFFFFFFB, s17;
	[sflag:s9] =	ssyncset.done $0x0  }
0x175: {  	s20 =	simm.s32 @!p3 $0x0;
	p4 =	sge.u32 s23, s19;
	[sflag:s9] =	ssyncadd.s32 $0xFFFFF000  }
0x176: {  	[tilespmem:s18], [sflag:$0x2] =	stream.linear.gather @!p3 [hbm4b:s22+s20], $0x1000, $0x38;
	[tilespmem:$0x1E400] =	vst v63  }
0x177: {  	s23 =	sadd.s32 $0xFFFFFFFC, s17;
	s20 =	simm.s32 @!p4 $0x0;
	_ =	swait.ge [sflag:s10], $0x1000  }
0x178: {  	s22 =	simm.s32 @!p4 $0x15880;
	s18 =	rddreg [dreg:$0x6];
	[sflag:s10] =	ssyncset.done $0x0  }
0x179: {  	p3 =	sge.u32 s23, s19;
	[sflag:s10] =	ssyncadd.s32 $0xFFFFF000;
	s18 =	sadd.s32 @!p4 s16, s18  }
0x17a: {  	[tilespmem:s22], [sflag:$0x3] =	stream.linear.gather @!p4 [hbm4b:s18+s20], $0x1000, $0x38;
	[tilespmem:$0x1E400] =	vst v63  }
0x17b: {  	s23 =	sadd.s32 @!p3 s16, s25;
	_ =	swait.ge [sflag:s11], $0x1000  }
0x17c: {  	s18 =	sadd.s32 @!p3 $0x600, s23;
	s20 =	simm.s32 @!p3 $0x0;
	[sflag:s11] =	ssyncset.done $0x0  }
0x17d: {  	s22 =	sadd.s32 $0xFFFFFFFD, s17;
	s23 =	simm.s32 @!p3 $0x16880;
	[sflag:s11] =	ssyncadd.s32 $0xFFFFF000  }
0x17e: {  	[tilespmem:s23], [sflag:$0x4] =	stream.linear.gather @!p3 [hbm4b:s18+s20], $0x1000, $0x38;
	[tilespmem:$0x1E400] =	vst v63  }
0x17f: {  	s4 =	sadd.s32 $0x8, s4;
	p4 =	sge.u32 s22, s19;
	_ =	swait.ge [sflag:s12], $0x1000  }
0x180: {  	s22 =	simm.s32 @!p4 $0x17880;
	s18 =	sadd.s32 @!p4 s16, s24;
	[sflag:s12] =	ssyncset.done $0x0  }
0x181: {  	s20 =	simm.s32 @!p4 $0x0;
	s23 =	sadd.s32 $0xFFFFFFFE, s17;
	[sflag:s12] =	ssyncadd.s32 $0xFFFFF000  }
0x182: {  	[tilespmem:s22], [sflag:$0x5] =	stream.linear.gather @!p4 [hbm4b:s18+s20], $0x1000, $0x38;
	[tilespmem:$0x1E400] =	vst v63  }
0x183: {  	p2 =	sne.s32 s4, $0x147;
	p3 =	sge.u32 s23, s19;
	_ =	swait.ge [sflag:s21], $0x1000  }
0x184: {  	s18 =	sadd.s32 @!p3 s16, s24;
	s20 =	simm.s32 @!p3 $0x18880;
	[sflag:s21] =	ssyncset.done $0x0  }
0x185: {  	s22 =	simm.s32 @!p3 $0x0;
	s18 =	sadd.s32 @!p3 $0x200, s18;
	[sflag:s21] =	ssyncadd.s32 $0xFFFFF000  }
0x186: {  	[tilespmem:s20], [sflag:$0x6] =	stream.linear.gather @!p3 [hbm4b:s18+s22], $0x1000, $0x38;
	[tilespmem:$0x1E400] =	vst v63  }
.Ltmp1:
0x187: {  	s15 =	sadd.s32 $0x100, s15;
	(pc) =	sbr.rel @p2 .LBB2_4-.Ltmp1, $4  }
0x188: {  	s17 =	sadd.s32 $0xFFFFFFFF, s17;
	s20 =	simm.s32 @!p1 $0x1A880;
	_ =	swait.ge [sflag:s26], $0x1000  }
0x189: {  	p3 =	sge.u32 s17, s19;
	s22 =	simm.s32 @!p1 $0x0;
	[sflag:s26] =	ssyncset.done $0x0  }
0x18a: {  	s17 =	simm.s32 @!p3 $0x0;
	s18 =	rddreg [dreg:$0x5];
	[sflag:s26] =	ssyncadd.s32 $0xFFFFF000  }
0x18b: {  	s23 =	sadd.s32 @!p3 s16, s18;
	s18 =	simm.s32 @!p3 $0x19880;
	s16 =	sadd.s32 $0x1000, s16  }
0x18c: {  	[tilespmem:s18], [sflag:$0x7] =	stream.linear.gather @!p3 [hbm4b:s23+s17], $0x1000, $0x38;
	[tilespmem:$0x1E400] =	vst v63  }
0x18d: {  	_ =	swait.ge [sflag:s5], $0x1000  }
0x18e: {  	[sflag:s5] =	ssyncset.done $0x0  }
0x18f: {  	[sflag:s5] =	ssyncadd.s32 $0xFFFFF000  }
0x190: {  	[tilespmem:s20], [sflag:$0x8] =	stream.linear.gather @!p1 [hbm4b:s0+s22], $0x1000, $0x38;
	[tilespmem:$0x1E400] =	vst v63  }
0x191: {  	s0 =	simm.s32 @!p0 $0x1  }
0x192: {  	_ =	swait.ge @!p0 [sflag:s0], $0x1000  }
0x193: {  	[sflag:s0] =	ssyncset.done @!p0 $0x0  }
0x194: {  	[sflag:s0] =	ssyncadd.s32 @!p0 $0xFFFFF000  }
0x195: {  	v1 =	vld @!p0 [tilespmem:$0x1DF80]  }
0x196: {  	v2 =	vld @!p0 [tilespmem:$0x1DF90];
	_ =	sdelay $0x3  }
0x197: {  	[tilespmem:$0x1E000] =	vst @!p0 v1  }
0x198: {  	s4 =	simm.s32 @!p0 $0x1E000;
	s15 =	simm.s32 @!p0 $0x13880;
	s0 =	simm.s32 @!p0 $0x20;
	[tilespmem:$0x1E010] =	vst @!p0 v2  }
0x199: {  	[spmem:s3] =	stream.indirect.scatter.add.f32 @!p0 [tilespmem:s15], [sflag:$0xA], $0x80, s4, s0, $0xb8;
	[tilespmem:$0x1E400] =	vst v63  }
0x19a: {  	s4 =	simm.s32 @!p0 $0x2  }
0x19b: {  	_ =	swait.ge @!p0 [sflag:s4], $0x1000  }
0x19c: {  	[sflag:s4] =	ssyncset.done @!p0 $0x0  }
0x19d: {  	[sflag:s4] =	ssyncadd.s32 @!p0 $0xFFFFF000  }
0x19e: {  	v1 =	vld @!p0 [tilespmem:$0x1DFA0]  }
0x19f: {  	v2 =	vld @!p0 [tilespmem:$0x1DFB0];
	_ =	sdelay $0x3  }
0x1a0: {  	[tilespmem:$0x1E080] =	vst @!p0 v1  }
0x1a1: {  	s15 =	simm.s32 @!p0 $0x14880;
	s4 =	simm.s32 @!p0 $0x1E080;
	[tilespmem:$0x1E090] =	vst @!p0 v2  }
0x1a2: {  	[spmem:s3] =	stream.indirect.scatter.add.f32 @!p0 [tilespmem:s15], [sflag:$0xB], $0x80, s4, s0, $0xb8;
	[tilespmem:$0x1E400] =	vst v63  }
0x1a3: {  	s4 =	simm.s32 @!p0 $0x3  }
0x1a4: {  	_ =	swait.ge @!p0 [sflag:s4], $0x1000  }
0x1a5: {  	[sflag:s4] =	ssyncset.done @!p0 $0x0  }
0x1a6: {  	[sflag:s4] =	ssyncadd.s32 @!p0 $0xFFFFF000  }
0x1a7: {  	v1 =	vld @!p0 [tilespmem:$0x1DFC0]  }
0x1a8: {  	v2 =	vld @!p0 [tilespmem:$0x1DFD0];
	_ =	sdelay $0x3  }
0x1a9: {  	[tilespmem:$0x1E100] =	vst @!p0 v1  }
0x1aa: {  	s15 =	simm.s32 @!p0 $0x15880;
	s4 =	simm.s32 @!p0 $0x1E100;
	[tilespmem:$0x1E110] =	vst @!p0 v2  }
0x1ab: {  	[spmem:s3] =	stream.indirect.scatter.add.f32 @!p0 [tilespmem:s15], [sflag:$0xC], $0x80, s4, s0, $0xb8;
	[tilespmem:$0x1E400] =	vst v63  }
0x1ac: {  	s4 =	simm.s32 @!p0 $0x4  }
0x1ad: {  	_ =	swait.ge @!p0 [sflag:s4], $0x1000  }
0x1ae: {  	[sflag:s4] =	ssyncset.done @!p0 $0x0  }
0x1af: {  	[sflag:s4] =	ssyncadd.s32 @!p0 $0xFFFFF000  }
0x1b0: {  	v1 =	vld @!p0 [tilespmem:$0x1DFE0]  }
0x1b1: {  	v2 =	vld @!p0 [tilespmem:$0x1DFF0];
	_ =	sdelay $0x3  }
0x1b2: {  	[tilespmem:$0x1E180] =	vst @!p0 v1  }
0x1b3: {  	s15 =	simm.s32 @!p0 $0x16880;
	s4 =	simm.s32 @!p0 $0x1E180;
	[tilespmem:$0x1E190] =	vst @!p0 v2  }
0x1b4: {  	[spmem:s3] =	stream.indirect.scatter.add.f32 @!p0 [tilespmem:s15], [sflag:$0xD], $0x80, s4, s0, $0xb8;
	[tilespmem:$0x1E400] =	vst v63  }
0x1b5: {  	s0 =	simm.s32 @!p0 $0xA  }
0x1b6: {  	_ =	swait.ge @!p0 [sflag:s0], $0x1000  }
0x1b7: {  	[sflag:s0] =	ssyncset.done @!p0 $0x0  }
0x1b8: {  	[sflag:s0] =	ssyncadd.s32 @!p0 $0xFFFFF000;
	s0 =	simm.s32 @!p0 $0xB  }
0x1b9: {  	_ =	swait.ge @!p0 [sflag:s0], $0x1000  }
0x1ba: {  	[sflag:s0] =	ssyncset.done @!p0 $0x0  }
0x1bb: {  	[sflag:s0] =	ssyncadd.s32 @!p0 $0xFFFFF000;
	s0 =	simm.s32 @!p0 $0xC  }
0x1bc: {  	_ =	swait.ge @!p0 [sflag:s0], $0x1000  }
0x1bd: {  	[sflag:s0] =	ssyncset.done @!p0 $0x0  }
0x1be: {  	[sflag:s0] =	ssyncadd.s32 @!p0 $0xFFFFF000;
	s0 =	simm.s32 @!p0 $0xD  }
0x1bf: {  	_ =	swait.ge @!p0 [sflag:s0], $0x1000  }
0x1c0: {  	[sflag:s0] =	ssyncset.done @!p0 $0x0  }
0x1c1: {  	[sflag:s0] =	ssyncadd.s32 @!p0 $0xFFFFF000  }
0x1c2: {  	s18 =	stileid.u32;
	[bflag:$0x0] =	sbarrier.arrive $0xFFFF  }
0x1c3: {  	s22 =	simm.s32 $0x12;
	s0 =	sshll.u32 s18, $0x6;
	s15 =	rddreg [dreg:$0xf]  }
0x1c4: {  	s0 =	sor.u32 $0x1C12, s0;
	s16 =	rddreg [dreg:$0x1f];
	s20 =	sshrl.u32 s15, $0x3  }
0x1c5: {  	[hbm:s16], [sflag:s0] =	dma.local [spmem:s20], $0x2800  }
0x1c6: {  	_ =	swait.ge [sflag:s22], $0x2800  }
0x1c7: {  	s13 =	sld [smem:$0x7FD]  }
0x1c8: {  	s23 =	sld [smem:$0x7EE];
	_ =	sdelay $0x1  }
0x1c9: {  	s13 =	sadd.s32 $0x1, s13  }
0x1ca: {  	p1 =	sne.s32 s13, s23  }
.Ltmp2:
0x1cb: {  	_ = 	snop;
	(pc) =	sbr.rel @p1 .LBB2_1-.Ltmp2, $4  }
0x1cc: {  	s17 =	simm.s32 $0x15880  }
0x1cd: {  	s18 =	simm.s32 $0x16880;
	s16 =	simm.s32 $0x13880;
	[sflag:s22] =	ssyncset.done $0x0  }
0x1ce: {  	s20 =	simm.s32 $0x17880;
	[sflag:s22] =	ssyncadd.s32 $0xFFFFD800;
	s22 =	simm.s32 $0x18880  }
0x1cf: {  	[smem:$0x7FD] =	sst s13;
	s13 =	simm.s32 $0x14880;
	s23 =	simm.s32 $0x19880  }
0x1d0: {  	_ =	sfence.sel $0x180000  }
0x1d1: {  	[bflag:$0x0] =	sbarrier.arrive $0xFFFF  }
0x1d2: {  	_ =	strace $0x90000047  }
0x1d3: {  	s0 =	stileid.u32;
	[bflag:$0x2] =	sbarrier.arrive $0xFFFF  }
0x1d4: {  	p0 =	sne.s32 s0, $0x0;
	s0 =	rddreg [dreg:$0x4]  }
0x1d5: {  	s0 =	sadd.s32 @!p0 $0x100000, s0  }
0x1d6: {  	[sflag:s0] =	ssyncadd.tile.s32 @!p0 $0x1;
	_ =	shalt  }
.Lfunc_end2:
_tile_overlayer_lowered:
.L_overlay_start_2:
0x1d7: {  	(tag) =	ssettag $0x2  }
0x1d8: {  	s0 =	rddreg [dreg:$0x0];
	s2 =	stileid.u32  }
0x1d9: {  	s1 =	rddreg [dreg:$0x1];
	p0 =	sne.s32 s2, $0x0  }
0x1da: {  	s3 =	rddreg [dreg:$0x2];
	[bflag:$0x3] =	sbarrier.arrive $0xFFFF;
	s2 =	simm.s32 @!p0 $0x1C12  }
0x1db: {  	[timem:s3], [sflag:s2] =	dma.local @!p0 [hbm:s0], s1  }
0x1dc: {  	s0 =	simm.s32 @!p0 $0x12  }
0x1dd: {  	_ =	swait.ge @!p0 [sflag:s0], s1  }
0x1de: {  	s1 =	ssub.s32 @!p0 $0x0, s1;
	[sflag:s0] =	ssyncset.done @!p0 $0x0  }
0x1df: {  	[sflag:s0] =	ssyncadd.s32 @!p0 s1  }
0x1e0: {  	[bflag:$0x3] =	sbarrier.arrive $0xFFFF  }
0x1e1: {  	_ =	shalt  }

</sc_bundles>
